<compile_context>
chip_gen: v7x
topology: tpu7x:2x2x1
jax: 0.10.2.dev20260603
libtpu: 0.0.44.dev20260713+nightly
codegen_flags: <defaults>
</compile_context>

<pallas_src>
import functools

import jax
import jax.numpy as jnp
from jax import lax
from jax.experimental import pallas as pl
from jax.experimental.pallas import tpu as pltpu
from jax.experimental.pallas import tpu_sc as plsc

E = 320000
D = 128
H1 = 256
H2 = 128
CHUNK = 128
NCHUNK = E // CHUNK
NW = 32
NT = NCHUNK // NW
NREM = NCHUNK % NW


def _make_sc_gather(nchunks):
    ne = nchunks * CHUNK
    nt = nchunks // NW
    nrem = nchunks % NW
    nt_even = 2 * (nt // 2)
    info = plsc.get_sparse_core_info()
    nc = info.num_cores
    mesh = plsc.VectorSubcoreMesh(core_axis_name="c", subcore_axis_name="s")

    @functools.partial(
        pl.kernel,
        mesh=mesh,
        out_type=(
            jax.ShapeDtypeStruct((ne, D), jnp.float32),
            jax.ShapeDtypeStruct((ne, D), jnp.float32),
        ),
        scratch_types=[
            pltpu.VMEM((CHUNK,), jnp.int32),
            pltpu.VMEM((CHUNK,), jnp.int32),
            pltpu.VMEM((CHUNK,), jnp.int32),
            pltpu.VMEM((CHUNK,), jnp.int32),
            pltpu.VMEM((CHUNK, D), jnp.float32),
            pltpu.VMEM((CHUNK, D), jnp.float32),
            pltpu.VMEM((CHUNK, D), jnp.float32),
            pltpu.VMEM((CHUNK, D), jnp.float32),
            pltpu.SemaphoreType.DMA,
            pltpu.SemaphoreType.DMA,
        ],
    )
    def k(h_hbm, src_hbm, dst_hbm, g0_hbm, g1_hbm,
          idx_s0, idx_d0, idx_s1, idx_d1,
          rows_s0, rows_d0, rows_s1, rows_d1, gsem0, gsem1):
        slots = ((idx_s0, idx_d0, rows_s0, rows_d0, gsem0),
                 (idx_s1, idx_d1, rows_s1, rows_d1, gsem1))
        wid = lax.axis_index("s") * nc + lax.axis_index("c")

        def chunk_off(i):
            return (wid + i * NW) * CHUNK

        def load_idx(i, b):
            idx_s, idx_d = slots[b][0], slots[b][1]
            off = chunk_off(i)
            pltpu.sync_copy(src_hbm.at[pl.ds(off, CHUNK)], idx_s)
            pltpu.sync_copy(dst_hbm.at[pl.ds(off, CHUNK)], idx_d)

        def issue_gather(b):
            idx_s, idx_d, rows_s, rows_d, sem = slots[b]
            pltpu.async_copy(h_hbm.at[idx_s], rows_s, sem)
            pltpu.async_copy(h_hbm.at[idx_d], rows_d, sem)

        def wait_gather(b):
            idx_s, idx_d, rows_s, rows_d, sem = slots[b]
            pltpu.make_async_copy(h_hbm.at[idx_s], rows_s, sem).wait()
            pltpu.make_async_copy(h_hbm.at[idx_d], rows_d, sem).wait()

        def write_back(i, b):
            rows_s, rows_d = slots[b][2], slots[b][3]
            off = chunk_off(i)
            pltpu.sync_copy(rows_s, g0_hbm.at[pl.ds(off, CHUNK)])
            pltpu.sync_copy(rows_d, g1_hbm.at[pl.ds(off, CHUNK)])

        load_idx(0, 0)
        issue_gather(0)

        def body(j, carry):
            for b in range(2):
                i = 2 * j + b
                nb = 1 - b

                @pl.when(i + 1 < nt_even)
                def _():
                    load_idx(i + 1, nb)
                    issue_gather(nb)

                wait_gather(b)
                write_back(i, b)
            return carry

        lax.fori_loop(0, nt // 2, body, 0)

        for ii in range(nt_even, nt):
            load_idx(ii, 0)
            issue_gather(0)
            wait_gather(0)
            write_back(ii, 0)

        if nrem:
            @pl.when(wid < nrem)
            def _():
                load_idx(nt, 0)
                issue_gather(0)
                wait_gather(0)
                write_back(nt, 0)

    def call(h, src, dst):
        return k(h, src, dst)

    return call


R = 2000


def _mlp_body(g0, g1, w1a, w1b, b1, w2, b2, w3, b3, out):
    z = jnp.dot(g0[...], w1a[...], preferred_element_type=jnp.float32)
    z = z + jnp.dot(g1[...], w1b[...], preferred_element_type=jnp.float32)
    z = jnp.maximum(z + b1[...], 0.0)
    z = jnp.dot(z, w2[...], preferred_element_type=jnp.float32) + b2[...]
    z = jnp.maximum(z, 0.0)
    out[...] = jnp.dot(z, w3[...], preferred_element_type=jnp.float32) + b3[...]


def _tc_mlp(g0, g1, w1a, w1b, b1, w2, b2, w3, b3):
    n = g0.shape[0]
    grid = (n // R,)
    return pl.pallas_call(
        _mlp_body,
        grid=grid,
        in_specs=[
            pl.BlockSpec((R, D), lambda i: (i, 0)),
            pl.BlockSpec((R, D), lambda i: (i, 0)),
            pl.BlockSpec((D, H1), lambda i: (0, 0)),
            pl.BlockSpec((D, H1), lambda i: (0, 0)),
            pl.BlockSpec((1, H1), lambda i: (0, 0)),
            pl.BlockSpec((H1, H2), lambda i: (0, 0)),
            pl.BlockSpec((1, H2), lambda i: (0, 0)),
            pl.BlockSpec((H2, 1), lambda i: (0, 0)),
            pl.BlockSpec((1, 1), lambda i: (0, 0)),
        ],
        out_specs=pl.BlockSpec((R, 1), lambda i: (i, 0)),
        out_shape=jax.ShapeDtypeStruct((n, 1), jnp.float32),
    )(g0, g1, w1a, w1b, b1, w2, b2, w3, b3)


NSLICE = 4
ES = E // NSLICE
_gather_slice = _make_sc_gather(ES // CHUNK)


def kernel(h, edge_index, W1, b1, W2, b2, W3, b3):
    idx = edge_index.astype(jnp.int32)
    w1a = W1[:, :D].T.astype(jnp.bfloat16)
    w1b = W1[:, D:].T.astype(jnp.bfloat16)
    w2 = W2.T.astype(jnp.bfloat16)
    w3 = W3.T.astype(jnp.bfloat16)
    outs = []
    for s in range(NSLICE):
        lo = s * ES
        g0, g1 = _gather_slice(h, idx[0, lo:lo + ES], idx[1, lo:lo + ES])
        outs.append(_tc_mlp(
            g0, g1, w1a, w1b,
            b1.reshape(1, H1), w2, b2.reshape(1, H2), w3, b3.reshape(1, 1),
        ))
    return jnp.concatenate(outs, axis=0)

# --- scband reference (transcript-rebuilt; emitter-appended) ---
"""Pipeline reference for scband-mlppredictor-27041114096211 (READ-ONLY COPY).

The authoritative reference and input builder live on the scoring server;
editing this copy changes nothing except your own understanding.
"""

import jax, jax.numpy as jnp
import numpy as np

N_NODES = 10000
N_EDGES = 320000
D_FEAT = 128
OUT_CLASSES = 1

def setup_inputs(seed: int = 0) -> dict:
    key = jax.random.key(seed)
    k_h, k_e, k_w1, k_b1, k_w2, k_b2, k_w3, k_b3 = jax.random.split(key, 8)
    h = jax.random.normal(k_h, (N_NODES, D_FEAT), dtype=jnp.float32)
    edge_index = jax.random.randint(k_e, (2, N_EDGES), 0, N_NODES, dtype=jnp.int64)
    # Linear weights stored as (out_features, in_features), torch convention
    W1 = jax.random.normal(k_w1, (256, D_FEAT * 2), dtype=jnp.float32) * 0.02
    b1 = jax.random.normal(k_b1, (256,), dtype=jnp.float32) * 0.02
    W2 = jax.random.normal(k_w2, (128, 256), dtype=jnp.float32) * 0.02
    b2 = jax.random.normal(k_b2, (128,), dtype=jnp.float32) * 0.02
    W3 = jax.random.normal(k_w3, (OUT_CLASSES, 128), dtype=jnp.float32) * 0.02
    b3 = jax.random.normal(k_b3, (OUT_CLASSES,), dtype=jnp.float32) * 0.02
    return {"h": h, "edge_index": edge_index, "W1": W1, "b1": b1, "W2": W2, "b2": b2, "W3": W3, "b3": b3}

def reference(h, edge_index, W1, b1, W2, b2, W3, b3):
    src = edge_index[0]
    dst = edge_index[1]
    h_u = jnp.take(h, src, axis=0)  # gather of src node features per edge
    h_v = jnp.take(h, dst, axis=0)  # gather of dst node features per edge
    score = jax.nn.relu(jnp.concatenate([h_u, h_v], axis=1) @ W1.T + b1)
    score = jax.nn.relu(score @ W2.T + b2)
    score = score @ W3.T + b3
    return score

if __name__ == "__main__":
    import jax
    _d = setup_inputs()
    print(jax.jit(kernel)(*tuple(_d.values())))

</pallas_src>

<mosaic_0001>
#map = affine_map<(d0, d1) -> (0, 0)>
#map1 = affine_map<(d0, d1) -> (0)>
module attributes {stable_mosaic.version = 14 : i64} {
  func.func @k(%arg0: i32, %arg1: i32, %arg2: memref<10000x128xf32, #tpu.memory_space<hbm>>, %arg3: memref<80000xi32, #tpu.memory_space<hbm>>, %arg4: memref<80000xi32, #tpu.memory_space<hbm>>, %arg5: memref<80000x128xf32, #tpu.memory_space<hbm>>, %arg6: memref<80000x128xf32, #tpu.memory_space<hbm>>, %arg7: memref<128xi32, #tpu.memory_space<vmem>>, %arg8: memref<128xi32, #tpu.memory_space<vmem>>, %arg9: memref<128xi32, #tpu.memory_space<vmem>>, %arg10: memref<128xi32, #tpu.memory_space<vmem>>, %arg11: memref<128x128xf32, #tpu.memory_space<vmem>>, %arg12: memref<128x128xf32, #tpu.memory_space<vmem>>, %arg13: memref<128x128xf32, #tpu.memory_space<vmem>>, %arg14: memref<128x128xf32, #tpu.memory_space<vmem>>, %arg15: memref<!tpu.dma_semaphore, #tpu.memory_space<semaphore_mem>>, %arg16: memref<!tpu.dma_semaphore, #tpu.memory_space<semaphore_mem>>) attributes {dimension_semantics = [#tpu.dimension_semantics<core_parallel>, #tpu.dimension_semantics<subcore_parallel>], iteration_bounds = array<i64: 2, 16>, scalar_prefetch = 0 : i64, scratch_operands = 10 : i64, tpu.core_type = #tpu.core_type<sc_vector_subcore>, window_params = [{transform_indices = #map}, {transform_indices = #map1}, {transform_indices = #map1}, {transform_indices = #map}, {transform_indices = #map}]} {
    %mul3A = arith.constant 2 : i32
    %mul3A_0 = arith.muli %arg1, %mul3A : i32
    %add3A = arith.addi %mul3A_0, %arg0 : i32
    %add3A_1 = arith.constant 0 : i32
    %add3A_2 = arith.addi %add3A, %add3A_1 : i32
    %mul3A_3 = arith.constant 128 : i32
    %mul3A_4 = arith.muli %add3A_2, %mul3A_3 : i32
    "tpu.region"() ({
      %run_scoped3A = tpu.sem_alloc : memref<!tpu.dma_semaphore, #tpu.memory_space<semaphore_mem>>
      %dma_start3A_36 = tpu.memref_slice %arg3[%mul3A_4] : memref<80000xi32, #tpu.memory_space<hbm>> -> memref<128xi32, #tpu.memory_space<hbm>>
      %dma_start3A_37 = tpu.memref_slice %arg3[%mul3A_4] : memref<80000xi32, #tpu.memory_space<hbm>> -> memref<128xi32, #tpu.memory_space<hbm>>
      tpu.enqueue_dma source(%dma_start3A_37 : memref<128xi32, #tpu.memory_space<hbm>>) target(%arg7 : memref<128xi32, #tpu.memory_space<vmem>>) target_semaphore(%run_scoped3A : memref<!tpu.dma_semaphore, #tpu.memory_space<semaphore_mem>>)
      %dma_wait3A_38 = tpu.memref_slice %arg3[%mul3A_4] : memref<80000xi32, #tpu.memory_space<hbm>> -> memref<128xi32, #tpu.memory_space<hbm>>
      %dma_wait3A_39 = tpu.memref_slice %arg3[%mul3A_4] : memref<80000xi32, #tpu.memory_space<hbm>> -> memref<128xi32, #tpu.memory_space<hbm>>
      tpu.wait_dma2 semaphore(%run_scoped3A : memref<!tpu.dma_semaphore, #tpu.memory_space<semaphore_mem>>) src(%dma_wait3A_39 : memref<128xi32, #tpu.memory_space<hbm>>) dst(%arg7 : memref<128xi32, #tpu.memory_space<vmem>>)
      tpu.yield
    }) : () -> ()
    "tpu.region"() ({
      %run_scoped3A = tpu.sem_alloc : memref<!tpu.dma_semaphore, #tpu.memory_space<semaphore_mem>>
      %dma_start3A_36 = tpu.memref_slice %arg4[%mul3A_4] : memref<80000xi32, #tpu.memory_space<hbm>> -> memref<128xi32, #tpu.memory_space<hbm>>
      %dma_start3A_37 = tpu.memref_slice %arg4[%mul3A_4] : memref<80000xi32, #tpu.memory_space<hbm>> -> memref<128xi32, #tpu.memory_space<hbm>>
      tpu.enqueue_dma source(%dma_start3A_37 : memref<128xi32, #tpu.memory_space<hbm>>) target(%arg8 : memref<128xi32, #tpu.memory_space<vmem>>) target_semaphore(%run_scoped3A : memref<!tpu.dma_semaphore, #tpu.memory_space<semaphore_mem>>)
      %dma_wait3A_38 = tpu.memref_slice %arg4[%mul3A_4] : memref<80000xi32, #tpu.memory_space<hbm>> -> memref<128xi32, #tpu.memory_space<hbm>>
      %dma_wait3A_39 = tpu.memref_slice %arg4[%mul3A_4] : memref<80000xi32, #tpu.memory_space<hbm>> -> memref<128xi32, #tpu.memory_space<hbm>>
      tpu.wait_dma2 semaphore(%run_scoped3A : memref<!tpu.dma_semaphore, #tpu.memory_space<semaphore_mem>>) src(%dma_wait3A_39 : memref<128xi32, #tpu.memory_space<hbm>>) dst(%arg8 : memref<128xi32, #tpu.memory_space<vmem>>)
      tpu.yield
    }) : () -> ()
    %dma_start3A = arith.constant 0 : i32
    %dma_start3A_5 = arith.constant 0 : i32
    %dma_start3A_6 = tpu.memref_slice %arg2[%dma_start3A, %dma_start3A_5] : memref<10000x128xf32, #tpu.memory_space<hbm>> -> memref<10000x128xf32, #tpu.memory_space<hbm>>
    tpu.enqueue_indirect_dma source(%dma_start3A_6 : memref<10000x128xf32, #tpu.memory_space<hbm>>) target(%arg11 : memref<128x128xf32, #tpu.memory_space<vmem>>) offsets(%arg7 : memref<128xi32, #tpu.memory_space<vmem>>) semaphore(%arg15 : memref<!tpu.dma_semaphore, #tpu.memory_space<semaphore_mem>>)
    %dma_start3A_7 = arith.constant 0 : i32
    %dma_start3A_8 = arith.constant 0 : i32
    %dma_start3A_9 = tpu.memref_slice %arg2[%dma_start3A_7, %dma_start3A_8] : memref<10000x128xf32, #tpu.memory_space<hbm>> -> memref<10000x128xf32, #tpu.memory_space<hbm>>
    tpu.enqueue_indirect_dma source(%dma_start3A_9 : memref<10000x128xf32, #tpu.memory_space<hbm>>) target(%arg12 : memref<128x128xf32, #tpu.memory_space<vmem>>) offsets(%arg8 : memref<128xi32, #tpu.memory_space<vmem>>) semaphore(%arg15 : memref<!tpu.dma_semaphore, #tpu.memory_space<semaphore_mem>>)
    %scan3A = arith.constant 0 : i32
    %scan3A_10 = arith.constant 0 : i32
    %scan3A_11 = arith.constant 9 : i32
    %scan3A_12 = arith.addi %scan3A_10, %scan3A_11 : i32
    %scan3A_13 = arith.constant 1 : i32
    scf.for %scan3A_36 = %scan3A_10 to %scan3A_12 step %scan3A_13  : i32 {
      %mul3A_37 = arith.constant 2 : i32
      %mul3A_38 = arith.muli %mul3A_37, %scan3A_36 : i32
      %add3A_39 = arith.constant 0 : i32
      %add3A_40 = arith.addi %mul3A_38, %add3A_39 : i32
      %add3A_41 = arith.constant 1 : i32
      %add3A_42 = arith.addi %add3A_40, %add3A_41 : i32
      %lt3A_43 = arith.constant 18 : i32
      %lt3A_44 = arith.cmpi slt, %add3A_42, %lt3A_43 : i32
      %convert_element_type3A_45 = arith.extui %lt3A_44 : i1 to i32
      %cond3A_46 = arith.constant 0 : i32
      %cond3A_47 = arith.cmpi ne, %convert_element_type3A_45, %cond3A_46 : i32
      scf.if %cond3A_47 {
        %add3A_81 = arith.constant 1 : i32
        %add3A_82 = arith.addi %add3A_40, %add3A_81 : i32
        %mul3A_83 = arith.constant 32 : i32
        %mul3A_84 = arith.muli %add3A_82, %mul3A_83 : i32
        %add3A_85 = arith.addi %add3A, %mul3A_84 : i32
        %mul3A_86 = arith.constant 128 : i32
        %mul3A_87 = arith.muli %add3A_85, %mul3A_86 : i32
        "tpu.region"() ({
          %run_scoped3A = tpu.sem_alloc : memref<!tpu.dma_semaphore, #tpu.memory_space<semaphore_mem>>
          %dma_start3A_94 = tpu.memref_slice %arg3[%mul3A_87] : memref<80000xi32, #tpu.memory_space<hbm>> -> memref<128xi32, #tpu.memory_space<hbm>>
          %dma_start3A_95 = tpu.memref_slice %arg3[%mul3A_87] : memref<80000xi32, #tpu.memory_space<hbm>> -> memref<128xi32, #tpu.memory_space<hbm>>
          tpu.enqueue_dma source(%dma_start3A_95 : memref<128xi32, #tpu.memory_space<hbm>>) target(%arg9 : memref<128xi32, #tpu.memory_space<vmem>>) target_semaphore(%run_scoped3A : memref<!tpu.dma_semaphore, #tpu.memory_space<semaphore_mem>>)
          %dma_wait3A_96 = tpu.memref_slice %arg3[%mul3A_87] : memref<80000xi32, #tpu.memory_space<hbm>> -> memref<128xi32, #tpu.memory_space<hbm>>
          %dma_wait3A_97 = tpu.memref_slice %arg3[%mul3A_87] : memref<80000xi32, #tpu.memory_space<hbm>> -> memref<128xi32, #tpu.memory_space<hbm>>
          tpu.wait_dma2 semaphore(%run_scoped3A : memref<!tpu.dma_semaphore, #tpu.memory_space<semaphore_mem>>) src(%dma_wait3A_97 : memref<128xi32, #tpu.memory_space<hbm>>) dst(%arg9 : memref<128xi32, #tpu.memory_space<vmem>>)
          tpu.yield
        }) : () -> ()
        "tpu.region"() ({
          %run_scoped3A = tpu.sem_alloc : memref<!tpu.dma_semaphore, #tpu.memory_space<semaphore_mem>>
          %dma_start3A_94 = tpu.memref_slice %arg4[%mul3A_87] : memref<80000xi32, #tpu.memory_space<hbm>> -> memref<128xi32, #tpu.memory_space<hbm>>
          %dma_start3A_95 = tpu.memref_slice %arg4[%mul3A_87] : memref<80000xi32, #tpu.memory_space<hbm>> -> memref<128xi32, #tpu.memory_space<hbm>>
          tpu.enqueue_dma source(%dma_start3A_95 : memref<128xi32, #tpu.memory_space<hbm>>) target(%arg10 : memref<128xi32, #tpu.memory_space<vmem>>) target_semaphore(%run_scoped3A : memref<!tpu.dma_semaphore, #tpu.memory_space<semaphore_mem>>)
          %dma_wait3A_96 = tpu.memref_slice %arg4[%mul3A_87] : memref<80000xi32, #tpu.memory_space<hbm>> -> memref<128xi32, #tpu.memory_space<hbm>>
          %dma_wait3A_97 = tpu.memref_slice %arg4[%mul3A_87] : memref<80000xi32, #tpu.memory_space<hbm>> -> memref<128xi32, #tpu.memory_space<hbm>>
          tpu.wait_dma2 semaphore(%run_scoped3A : memref<!tpu.dma_semaphore, #tpu.memory_space<semaphore_mem>>) src(%dma_wait3A_97 : memref<128xi32, #tpu.memory_space<hbm>>) dst(%arg10 : memref<128xi32, #tpu.memory_space<vmem>>)
          tpu.yield
        }) : () -> ()
        %dma_start3A_88 = arith.constant 0 : i32
        %dma_start3A_89 = arith.constant 0 : i32
        %dma_start3A_90 = tpu.memref_slice %arg2[%dma_start3A_88, %dma_start3A_89] : memref<10000x128xf32, #tpu.memory_space<hbm>> -> memref<10000x128xf32, #tpu.memory_space<hbm>>
        tpu.enqueue_indirect_dma source(%dma_start3A_90 : memref<10000x128xf32, #tpu.memory_space<hbm>>) target(%arg13 : memref<128x128xf32, #tpu.memory_space<vmem>>) offsets(%arg9 : memref<128xi32, #tpu.memory_space<vmem>>) semaphore(%arg16 : memref<!tpu.dma_semaphore, #tpu.memory_space<semaphore_mem>>)
        %dma_start3A_91 = arith.constant 0 : i32
        %dma_start3A_92 = arith.constant 0 : i32
        %dma_start3A_93 = tpu.memref_slice %arg2[%dma_start3A_91, %dma_start3A_92] : memref<10000x128xf32, #tpu.memory_space<hbm>> -> memref<10000x128xf32, #tpu.memory_space<hbm>>
        tpu.enqueue_indirect_dma source(%dma_start3A_93 : memref<10000x128xf32, #tpu.memory_space<hbm>>) target(%arg14 : memref<128x128xf32, #tpu.memory_space<vmem>>) offsets(%arg10 : memref<128xi32, #tpu.memory_space<vmem>>) semaphore(%arg16 : memref<!tpu.dma_semaphore, #tpu.memory_space<semaphore_mem>>)
      } else {
      }
      %dma_wait3A_48 = arith.constant 0 : i32
      %dma_wait3A_49 = arith.constant 0 : i32
      %dma_wait3A_50 = tpu.memref_slice %arg2[%dma_wait3A_48, %dma_wait3A_49] : memref<10000x128xf32, #tpu.memory_space<hbm>> -> memref<10000x128xf32, #tpu.memory_space<hbm>>
      tpu.wait_indirect_dma semaphore(%arg15 : memref<!tpu.dma_semaphore, #tpu.memory_space<semaphore_mem>>) src(%dma_wait3A_50 : memref<10000x128xf32, #tpu.memory_space<hbm>>) dst(%arg11 : memref<128x128xf32, #tpu.memory_space<vmem>>)
      %dma_wait3A_51 = arith.constant 0 : i32
      %dma_wait3A_52 = arith.constant 0 : i32
      %dma_wait3A_53 = tpu.memref_slice %arg2[%dma_wait3A_51, %dma_wait3A_52] : memref<10000x128xf32, #tpu.memory_space<hbm>> -> memref<10000x128xf32, #tpu.memory_space<hbm>>
      tpu.wait_indirect_dma semaphore(%arg15 : memref<!tpu.dma_semaphore, #tpu.memory_space<semaphore_mem>>) src(%dma_wait3A_53 : memref<10000x128xf32, #tpu.memory_space<hbm>>) dst(%arg12 : memref<128x128xf32, #tpu.memory_space<vmem>>)
      %mul3A_54 = arith.constant 32 : i32
      %mul3A_55 = arith.muli %add3A_40, %mul3A_54 : i32
      %add3A_56 = arith.addi %add3A, %mul3A_55 : i32
      %mul3A_57 = arith.constant 128 : i32
      %mul3A_58 = arith.muli %add3A_56, %mul3A_57 : i32
      "tpu.region"() ({
        %run_scoped3A = tpu.sem_alloc : memref<!tpu.dma_semaphore, #tpu.memory_space<semaphore_mem>>
        %dma_start3A_81 = arith.constant 0 : i32
        %dma_start3A_82 = tpu.memref_slice %arg5[%mul3A_58, %dma_start3A_81] : memref<80000x128xf32, #tpu.memory_space<hbm>> -> memref<128x128xf32, #tpu.memory_space<hbm>>
        %dma_start3A_83 = arith.constant 0 : i32
        %dma_start3A_84 = tpu.memref_slice %arg5[%mul3A_58, %dma_start3A_83] : memref<80000x128xf32, #tpu.memory_space<hbm>> -> memref<128x128xf32, #tpu.memory_space<hbm>>
        tpu.enqueue_dma source(%arg11 : memref<128x128xf32, #tpu.memory_space<vmem>>) target(%dma_start3A_84 : memref<128x128xf32, #tpu.memory_space<hbm>>) target_semaphore(%run_scoped3A : memref<!tpu.dma_semaphore, #tpu.memory_space<semaphore_mem>>)
        %dma_wait3A_85 = arith.constant 0 : i32
        %dma_wait3A_86 = tpu.memref_slice %arg5[%mul3A_58, %dma_wait3A_85] : memref<80000x128xf32, #tpu.memory_space<hbm>> -> memref<128x128xf32, #tpu.memory_space<hbm>>
        %dma_wait3A_87 = arith.constant 0 : i32
        %dma_wait3A_88 = tpu.memref_slice %arg5[%mul3A_58, %dma_wait3A_87] : memref<80000x128xf32, #tpu.memory_space<hbm>> -> memref<128x128xf32, #tpu.memory_space<hbm>>
        tpu.wait_dma2 semaphore(%run_scoped3A : memref<!tpu.dma_semaphore, #tpu.memory_space<semaphore_mem>>) src(%arg11 : memref<128x128xf32, #tpu.memory_space<vmem>>) dst(%dma_wait3A_88 : memref<128x128xf32, #tpu.memory_space<hbm>>)
        tpu.yield
      }) : () -> ()
      "tpu.region"() ({
        %run_scoped3A = tpu.sem_alloc : memref<!tpu.dma_semaphore, #tpu.memory_space<semaphore_mem>>
        %dma_start3A_81 = arith.constant 0 : i32
        %dma_start3A_82 = tpu.memref_slice %arg6[%mul3A_58, %dma_start3A_81] : memref<80000x128xf32, #tpu.memory_space<hbm>> -> memref<128x128xf32, #tpu.memory_space<hbm>>
        %dma_start3A_83 = arith.constant 0 : i32
        %dma_start3A_84 = tpu.memref_slice %arg6[%mul3A_58, %dma_start3A_83] : memref<80000x128xf32, #tpu.memory_space<hbm>> -> memref<128x128xf32, #tpu.memory_space<hbm>>
        tpu.enqueue_dma source(%arg12 : memref<128x128xf32, #tpu.memory_space<vmem>>) target(%dma_start3A_84 : memref<128x128xf32, #tpu.memory_space<hbm>>) target_semaphore(%run_scoped3A : memref<!tpu.dma_semaphore, #tpu.memory_space<semaphore_mem>>)
        %dma_wait3A_85 = arith.constant 0 : i32
        %dma_wait3A_86 = tpu.memref_slice %arg6[%mul3A_58, %dma_wait3A_85] : memref<80000x128xf32, #tpu.memory_space<hbm>> -> memref<128x128xf32, #tpu.memory_space<hbm>>
        %dma_wait3A_87 = arith.constant 0 : i32
        %dma_wait3A_88 = tpu.memref_slice %arg6[%mul3A_58, %dma_wait3A_87] : memref<80000x128xf32, #tpu.memory_space<hbm>> -> memref<128x128xf32, #tpu.memory_space<hbm>>
        tpu.wait_dma2 semaphore(%run_scoped3A : memref<!tpu.dma_semaphore, #tpu.memory_space<semaphore_mem>>) src(%arg12 : memref<128x128xf32, #tpu.memory_space<vmem>>) dst(%dma_wait3A_88 : memref<128x128xf32, #tpu.memory_space<hbm>>)
        tpu.yield
      }) : () -> ()
      %mul3A_59 = arith.constant 2 : i32
      %mul3A_60 = arith.muli %mul3A_59, %scan3A_36 : i32
      %add3A_61 = arith.constant 1 : i32
      %add3A_62 = arith.addi %mul3A_60, %add3A_61 : i32
      %add3A_63 = arith.constant 1 : i32
      %add3A_64 = arith.addi %add3A_62, %add3A_63 : i32
      %lt3A_65 = arith.constant 18 : i32
      %lt3A_66 = arith.cmpi slt, %add3A_64, %lt3A_65 : i32
      %convert_element_type3A_67 = arith.extui %lt3A_66 : i1 to i32
      %cond3A_68 = arith.constant 0 : i32
      %cond3A_69 = arith.cmpi ne, %convert_element_type3A_67, %cond3A_68 : i32
      scf.if %cond3A_69 {
        %add3A_81 = arith.constant 1 : i32
        %add3A_82 = arith.addi %add3A_62, %add3A_81 : i32
        %mul3A_83 = arith.constant 32 : i32
        %mul3A_84 = arith.muli %add3A_82, %mul3A_83 : i32
        %add3A_85 = arith.addi %add3A, %mul3A_84 : i32
        %mul3A_86 = arith.constant 128 : i32
        %mul3A_87 = arith.muli %add3A_85, %mul3A_86 : i32
        "tpu.region"() ({
          %run_scoped3A = tpu.sem_alloc : memref<!tpu.dma_semaphore, #tpu.memory_space<semaphore_mem>>
          %dma_start3A_94 = tpu.memref_slice %arg3[%mul3A_87] : memref<80000xi32, #tpu.memory_space<hbm>> -> memref<128xi32, #tpu.memory_space<hbm>>
          %dma_start3A_95 = tpu.memref_slice %arg3[%mul3A_87] : memref<80000xi32, #tpu.memory_space<hbm>> -> memref<128xi32, #tpu.memory_space<hbm>>
          tpu.enqueue_dma source(%dma_start3A_95 : memref<128xi32, #tpu.memory_space<hbm>>) target(%arg7 : memref<128xi32, #tpu.memory_space<vmem>>) target_semaphore(%run_scoped3A : memref<!tpu.dma_semaphore, #tpu.memory_space<semaphore_mem>>)
          %dma_wait3A_96 = tpu.memref_slice %arg3[%mul3A_87] : memref<80000xi32, #tpu.memory_space<hbm>> -> memref<128xi32, #tpu.memory_space<hbm>>
          %dma_wait3A_97 = tpu.memref_slice %arg3[%mul3A_87] : memref<80000xi32, #tpu.memory_space<hbm>> -> memref<128xi32, #tpu.memory_space<hbm>>
          tpu.wait_dma2 semaphore(%run_scoped3A : memref<!tpu.dma_semaphore, #tpu.memory_space<semaphore_mem>>) src(%dma_wait3A_97 : memref<128xi32, #tpu.memory_space<hbm>>) dst(%arg7 : memref<128xi32, #tpu.memory_space<vmem>>)
          tpu.yield
        }) : () -> ()
        "tpu.region"() ({
          %run_scoped3A = tpu.sem_alloc : memref<!tpu.dma_semaphore, #tpu.memory_space<semaphore_mem>>
          %dma_start3A_94 = tpu.memref_slice %arg4[%mul3A_87] : memref<80000xi32, #tpu.memory_space<hbm>> -> memref<128xi32, #tpu.memory_space<hbm>>
          %dma_start3A_95 = tpu.memref_slice %arg4[%mul3A_87] : memref<80000xi32, #tpu.memory_space<hbm>> -> memref<128xi32, #tpu.memory_space<hbm>>
          tpu.enqueue_dma source(%dma_start3A_95 : memref<128xi32, #tpu.memory_space<hbm>>) target(%arg8 : memref<128xi32, #tpu.memory_space<vmem>>) target_semaphore(%run_scoped3A : memref<!tpu.dma_semaphore, #tpu.memory_space<semaphore_mem>>)
          %dma_wait3A_96 = tpu.memref_slice %arg4[%mul3A_87] : memref<80000xi32, #tpu.memory_space<hbm>> -> memref<128xi32, #tpu.memory_space<hbm>>
          %dma_wait3A_97 = tpu.memref_slice %arg4[%mul3A_87] : memref<80000xi32, #tpu.memory_space<hbm>> -> memref<128xi32, #tpu.memory_space<hbm>>
          tpu.wait_dma2 semaphore(%run_scoped3A : memref<!tpu.dma_semaphore, #tpu.memory_space<semaphore_mem>>) src(%dma_wait3A_97 : memref<128xi32, #tpu.memory_space<hbm>>) dst(%arg8 : memref<128xi32, #tpu.memory_space<vmem>>)
          tpu.yield
        }) : () -> ()
        %dma_start3A_88 = arith.constant 0 : i32
        %dma_start3A_89 = arith.constant 0 : i32
        %dma_start3A_90 = tpu.memref_slice %arg2[%dma_start3A_88, %dma_start3A_89] : memref<10000x128xf32, #tpu.memory_space<hbm>> -> memref<10000x128xf32, #tpu.memory_space<hbm>>
        tpu.enqueue_indirect_dma source(%dma_start3A_90 : memref<10000x128xf32, #tpu.memory_space<hbm>>) target(%arg11 : memref<128x128xf32, #tpu.memory_space<vmem>>) offsets(%arg7 : memref<128xi32, #tpu.memory_space<vmem>>) semaphore(%arg15 : memref<!tpu.dma_semaphore, #tpu.memory_space<semaphore_mem>>)
        %dma_start3A_91 = arith.constant 0 : i32
        %dma_start3A_92 = arith.constant 0 : i32
        %dma_start3A_93 = tpu.memref_slice %arg2[%dma_start3A_91, %dma_start3A_92] : memref<10000x128xf32, #tpu.memory_space<hbm>> -> memref<10000x128xf32, #tpu.memory_space<hbm>>
        tpu.enqueue_indirect_dma source(%dma_start3A_93 : memref<10000x128xf32, #tpu.memory_space<hbm>>) target(%arg12 : memref<128x128xf32, #tpu.memory_space<vmem>>) offsets(%arg8 : memref<128xi32, #tpu.memory_space<vmem>>) semaphore(%arg15 : memref<!tpu.dma_semaphore, #tpu.memory_space<semaphore_mem>>)
      } else {
      }
      %dma_wait3A_70 = arith.constant 0 : i32
      %dma_wait3A_71 = arith.constant 0 : i32
      %dma_wait3A_72 = tpu.memref_slice %arg2[%dma_wait3A_70, %dma_wait3A_71] : memref<10000x128xf32, #tpu.memory_space<hbm>> -> memref<10000x128xf32, #tpu.memory_space<hbm>>
      tpu.wait_indirect_dma semaphore(%arg16 : memref<!tpu.dma_semaphore, #tpu.memory_space<semaphore_mem>>) src(%dma_wait3A_72 : memref<10000x128xf32, #tpu.memory_space<hbm>>) dst(%arg13 : memref<128x128xf32, #tpu.memory_space<vmem>>)
      %dma_wait3A_73 = arith.constant 0 : i32
      %dma_wait3A_74 = arith.constant 0 : i32
      %dma_wait3A_75 = tpu.memref_slice %arg2[%dma_wait3A_73, %dma_wait3A_74] : memref<10000x128xf32, #tpu.memory_space<hbm>> -> memref<10000x128xf32, #tpu.memory_space<hbm>>
      tpu.wait_indirect_dma semaphore(%arg16 : memref<!tpu.dma_semaphore, #tpu.memory_space<semaphore_mem>>) src(%dma_wait3A_75 : memref<10000x128xf32, #tpu.memory_space<hbm>>) dst(%arg14 : memref<128x128xf32, #tpu.memory_space<vmem>>)
      %mul3A_76 = arith.constant 32 : i32
      %mul3A_77 = arith.muli %add3A_62, %mul3A_76 : i32
      %add3A_78 = arith.addi %add3A, %mul3A_77 : i32
      %mul3A_79 = arith.constant 128 : i32
      %mul3A_80 = arith.muli %add3A_78, %mul3A_79 : i32
      "tpu.region"() ({
        %run_scoped3A = tpu.sem_alloc : memref<!tpu.dma_semaphore, #tpu.memory_space<semaphore_mem>>
        %dma_start3A_81 = arith.constant 0 : i32
        %dma_start3A_82 = tpu.memref_slice %arg5[%mul3A_80, %dma_start3A_81] : memref<80000x128xf32, #tpu.memory_space<hbm>> -> memref<128x128xf32, #tpu.memory_space<hbm>>
        %dma_start3A_83 = arith.constant 0 : i32
        %dma_start3A_84 = tpu.memref_slice %arg5[%mul3A_80, %dma_start3A_83] : memref<80000x128xf32, #tpu.memory_space<hbm>> -> memref<128x128xf32, #tpu.memory_space<hbm>>
        tpu.enqueue_dma source(%arg13 : memref<128x128xf32, #tpu.memory_space<vmem>>) target(%dma_start3A_84 : memref<128x128xf32, #tpu.memory_space<hbm>>) target_semaphore(%run_scoped3A : memref<!tpu.dma_semaphore, #tpu.memory_space<semaphore_mem>>)
        %dma_wait3A_85 = arith.constant 0 : i32
        %dma_wait3A_86 = tpu.memref_slice %arg5[%mul3A_80, %dma_wait3A_85] : memref<80000x128xf32, #tpu.memory_space<hbm>> -> memref<128x128xf32, #tpu.memory_space<hbm>>
        %dma_wait3A_87 = arith.constant 0 : i32
        %dma_wait3A_88 = tpu.memref_slice %arg5[%mul3A_80, %dma_wait3A_87] : memref<80000x128xf32, #tpu.memory_space<hbm>> -> memref<128x128xf32, #tpu.memory_space<hbm>>
        tpu.wait_dma2 semaphore(%run_scoped3A : memref<!tpu.dma_semaphore, #tpu.memory_space<semaphore_mem>>) src(%arg13 : memref<128x128xf32, #tpu.memory_space<vmem>>) dst(%dma_wait3A_88 : memref<128x128xf32, #tpu.memory_space<hbm>>)
        tpu.yield
      }) : () -> ()
      "tpu.region"() ({
        %run_scoped3A = tpu.sem_alloc : memref<!tpu.dma_semaphore, #tpu.memory_space<semaphore_mem>>
        %dma_start3A_81 = arith.constant 0 : i32
        %dma_start3A_82 = tpu.memref_slice %arg6[%mul3A_80, %dma_start3A_81] : memref<80000x128xf32, #tpu.memory_space<hbm>> -> memref<128x128xf32, #tpu.memory_space<hbm>>
        %dma_start3A_83 = arith.constant 0 : i32
        %dma_start3A_84 = tpu.memref_slice %arg6[%mul3A_80, %dma_start3A_83] : memref<80000x128xf32, #tpu.memory_space<hbm>> -> memref<128x128xf32, #tpu.memory_space<hbm>>
        tpu.enqueue_dma source(%arg14 : memref<128x128xf32, #tpu.memory_space<vmem>>) target(%dma_start3A_84 : memref<128x128xf32, #tpu.memory_space<hbm>>) target_semaphore(%run_scoped3A : memref<!tpu.dma_semaphore, #tpu.memory_space<semaphore_mem>>)
        %dma_wait3A_85 = arith.constant 0 : i32
        %dma_wait3A_86 = tpu.memref_slice %arg6[%mul3A_80, %dma_wait3A_85] : memref<80000x128xf32, #tpu.memory_space<hbm>> -> memref<128x128xf32, #tpu.memory_space<hbm>>
        %dma_wait3A_87 = arith.constant 0 : i32
        %dma_wait3A_88 = tpu.memref_slice %arg6[%mul3A_80, %dma_wait3A_87] : memref<80000x128xf32, #tpu.memory_space<hbm>> -> memref<128x128xf32, #tpu.memory_space<hbm>>
        tpu.wait_dma2 semaphore(%run_scoped3A : memref<!tpu.dma_semaphore, #tpu.memory_space<semaphore_mem>>) src(%arg14 : memref<128x128xf32, #tpu.memory_space<vmem>>) dst(%dma_wait3A_88 : memref<128x128xf32, #tpu.memory_space<hbm>>)
        tpu.yield
      }) : () -> ()
    }
    %scan3A_14 = arith.constant 9 : i32
    %add3A_15 = arith.constant 576 : i32
    %add3A_16 = arith.addi %add3A, %add3A_15 : i32
    %mul3A_17 = arith.constant 128 : i32
    %mul3A_18 = arith.muli %add3A_16, %mul3A_17 : i32
    "tpu.region"() ({
      %run_scoped3A = tpu.sem_alloc : memref<!tpu.dma_semaphore, #tpu.memory_space<semaphore_mem>>
      %dma_start3A_36 = tpu.memref_slice %arg3[%mul3A_18] : memref<80000xi32, #tpu.memory_space<hbm>> -> memref<128xi32, #tpu.memory_space<hbm>>
      %dma_start3A_37 = tpu.memref_slice %arg3[%mul3A_18] : memref<80000xi32, #tpu.memory_space<hbm>> -> memref<128xi32, #tpu.memory_space<hbm>>
      tpu.enqueue_dma source(%dma_start3A_37 : memref<128xi32, #tpu.memory_space<hbm>>) target(%arg7 : memref<128xi32, #tpu.memory_space<vmem>>) target_semaphore(%run_scoped3A : memref<!tpu.dma_semaphore, #tpu.memory_space<semaphore_mem>>)
      %dma_wait3A_38 = tpu.memref_slice %arg3[%mul3A_18] : memref<80000xi32, #tpu.memory_space<hbm>> -> memref<128xi32, #tpu.memory_space<hbm>>
      %dma_wait3A_39 = tpu.memref_slice %arg3[%mul3A_18] : memref<80000xi32, #tpu.memory_space<hbm>> -> memref<128xi32, #tpu.memory_space<hbm>>
      tpu.wait_dma2 semaphore(%run_scoped3A : memref<!tpu.dma_semaphore, #tpu.memory_space<semaphore_mem>>) src(%dma_wait3A_39 : memref<128xi32, #tpu.memory_space<hbm>>) dst(%arg7 : memref<128xi32, #tpu.memory_space<vmem>>)
      tpu.yield
    }) : () -> ()
    "tpu.region"() ({
      %run_scoped3A = tpu.sem_alloc : memref<!tpu.dma_semaphore, #tpu.memory_space<semaphore_mem>>
      %dma_start3A_36 = tpu.memref_slice %arg4[%mul3A_18] : memref<80000xi32, #tpu.memory_space<hbm>> -> memref<128xi32, #tpu.memory_space<hbm>>
      %dma_start3A_37 = tpu.memref_slice %arg4[%mul3A_18] : memref<80000xi32, #tpu.memory_space<hbm>> -> memref<128xi32, #tpu.memory_space<hbm>>
      tpu.enqueue_dma source(%dma_start3A_37 : memref<128xi32, #tpu.memory_space<hbm>>) target(%arg8 : memref<128xi32, #tpu.memory_space<vmem>>) target_semaphore(%run_scoped3A : memref<!tpu.dma_semaphore, #tpu.memory_space<semaphore_mem>>)
      %dma_wait3A_38 = tpu.memref_slice %arg4[%mul3A_18] : memref<80000xi32, #tpu.memory_space<hbm>> -> memref<128xi32, #tpu.memory_space<hbm>>
      %dma_wait3A_39 = tpu.memref_slice %arg4[%mul3A_18] : memref<80000xi32, #tpu.memory_space<hbm>> -> memref<128xi32, #tpu.memory_space<hbm>>
      tpu.wait_dma2 semaphore(%run_scoped3A : memref<!tpu.dma_semaphore, #tpu.memory_space<semaphore_mem>>) src(%dma_wait3A_39 : memref<128xi32, #tpu.memory_space<hbm>>) dst(%arg8 : memref<128xi32, #tpu.memory_space<vmem>>)
      tpu.yield
    }) : () -> ()
    %dma_start3A_19 = arith.constant 0 : i32
    %dma_start3A_20 = arith.constant 0 : i32
    %dma_start3A_21 = tpu.memref_slice %arg2[%dma_start3A_19, %dma_start3A_20] : memref<10000x128xf32, #tpu.memory_space<hbm>> -> memref<10000x128xf32, #tpu.memory_space<hbm>>
    tpu.enqueue_indirect_dma source(%dma_start3A_21 : memref<10000x128xf32, #tpu.memory_space<hbm>>) target(%arg11 : memref<128x128xf32, #tpu.memory_space<vmem>>) offsets(%arg7 : memref<128xi32, #tpu.memory_space<vmem>>) semaphore(%arg15 : memref<!tpu.dma_semaphore, #tpu.memory_space<semaphore_mem>>)
    %dma_start3A_22 = arith.constant 0 : i32
    %dma_start3A_23 = arith.constant 0 : i32
    %dma_start3A_24 = tpu.memref_slice %arg2[%dma_start3A_22, %dma_start3A_23] : memref<10000x128xf32, #tpu.memory_space<hbm>> -> memref<10000x128xf32, #tpu.memory_space<hbm>>
    tpu.enqueue_indirect_dma source(%dma_start3A_24 : memref<10000x128xf32, #tpu.memory_space<hbm>>) target(%arg12 : memref<128x128xf32, #tpu.memory_space<vmem>>) offsets(%arg8 : memref<128xi32, #tpu.memory_space<vmem>>) semaphore(%arg15 : memref<!tpu.dma_semaphore, #tpu.memory_space<semaphore_mem>>)
    %dma_wait3A = arith.constant 0 : i32
    %dma_wait3A_25 = arith.constant 0 : i32
    %dma_wait3A_26 = tpu.memref_slice %arg2[%dma_wait3A, %dma_wait3A_25] : memref<10000x128xf32, #tpu.memory_space<hbm>> -> memref<10000x128xf32, #tpu.memory_space<hbm>>
    tpu.wait_indirect_dma semaphore(%arg15 : memref<!tpu.dma_semaphore, #tpu.memory_space<semaphore_mem>>) src(%dma_wait3A_26 : memref<10000x128xf32, #tpu.memory_space<hbm>>) dst(%arg11 : memref<128x128xf32, #tpu.memory_space<vmem>>)
    %dma_wait3A_27 = arith.constant 0 : i32
    %dma_wait3A_28 = arith.constant 0 : i32
    %dma_wait3A_29 = tpu.memref_slice %arg2[%dma_wait3A_27, %dma_wait3A_28] : memref<10000x128xf32, #tpu.memory_space<hbm>> -> memref<10000x128xf32, #tpu.memory_space<hbm>>
    tpu.wait_indirect_dma semaphore(%arg15 : memref<!tpu.dma_semaphore, #tpu.memory_space<semaphore_mem>>) src(%dma_wait3A_29 : memref<10000x128xf32, #tpu.memory_space<hbm>>) dst(%arg12 : memref<128x128xf32, #tpu.memory_space<vmem>>)
    %add3A_30 = arith.constant 576 : i32
    %add3A_31 = arith.addi %add3A, %add3A_30 : i32
    %mul3A_32 = arith.constant 128 : i32
    %mul3A_33 = arith.muli %add3A_31, %mul3A_32 : i32
    "tpu.region"() ({
      %run_scoped3A = tpu.sem_alloc : memref<!tpu.dma_semaphore, #tpu.memory_space<semaphore_mem>>
      %dma_start3A_36 = arith.constant 0 : i32
      %dma_start3A_37 = tpu.memref_slice %arg5[%mul3A_33, %dma_start3A_36] : memref<80000x128xf32, #tpu.memory_space<hbm>> -> memref<128x128xf32, #tpu.memory_space<hbm>>
      %dma_start3A_38 = arith.constant 0 : i32
      %dma_start3A_39 = tpu.memref_slice %arg5[%mul3A_33, %dma_start3A_38] : memref<80000x128xf32, #tpu.memory_space<hbm>> -> memref<128x128xf32, #tpu.memory_space<hbm>>
      tpu.enqueue_dma source(%arg11 : memref<128x128xf32, #tpu.memory_space<vmem>>) target(%dma_start3A_39 : memref<128x128xf32, #tpu.memory_space<hbm>>) target_semaphore(%run_scoped3A : memref<!tpu.dma_semaphore, #tpu.memory_space<semaphore_mem>>)
      %dma_wait3A_40 = arith.constant 0 : i32
      %dma_wait3A_41 = tpu.memref_slice %arg5[%mul3A_33, %dma_wait3A_40] : memref<80000x128xf32, #tpu.memory_space<hbm>> -> memref<128x128xf32, #tpu.memory_space<hbm>>
      %dma_wait3A_42 = arith.constant 0 : i32
      %dma_wait3A_43 = tpu.memref_slice %arg5[%mul3A_33, %dma_wait3A_42] : memref<80000x128xf32, #tpu.memory_space<hbm>> -> memref<128x128xf32, #tpu.memory_space<hbm>>
      tpu.wait_dma2 semaphore(%run_scoped3A : memref<!tpu.dma_semaphore, #tpu.memory_space<semaphore_mem>>) src(%arg11 : memref<128x128xf32, #tpu.memory_space<vmem>>) dst(%dma_wait3A_43 : memref<128x128xf32, #tpu.memory_space<hbm>>)
      tpu.yield
    }) : () -> ()
    "tpu.region"() ({
      %run_scoped3A = tpu.sem_alloc : memref<!tpu.dma_semaphore, #tpu.memory_space<semaphore_mem>>
      %dma_start3A_36 = arith.constant 0 : i32
      %dma_start3A_37 = tpu.memref_slice %arg6[%mul3A_33, %dma_start3A_36] : memref<80000x128xf32, #tpu.memory_space<hbm>> -> memref<128x128xf32, #tpu.memory_space<hbm>>
      %dma_start3A_38 = arith.constant 0 : i32
      %dma_start3A_39 = tpu.memref_slice %arg6[%mul3A_33, %dma_start3A_38] : memref<80000x128xf32, #tpu.memory_space<hbm>> -> memref<128x128xf32, #tpu.memory_space<hbm>>
      tpu.enqueue_dma source(%arg12 : memref<128x128xf32, #tpu.memory_space<vmem>>) target(%dma_start3A_39 : memref<128x128xf32, #tpu.memory_space<hbm>>) target_semaphore(%run_scoped3A : memref<!tpu.dma_semaphore, #tpu.memory_space<semaphore_mem>>)
      %dma_wait3A_40 = arith.constant 0 : i32
      %dma_wait3A_41 = tpu.memref_slice %arg6[%mul3A_33, %dma_wait3A_40] : memref<80000x128xf32, #tpu.memory_space<hbm>> -> memref<128x128xf32, #tpu.memory_space<hbm>>
      %dma_wait3A_42 = arith.constant 0 : i32
      %dma_wait3A_43 = tpu.memref_slice %arg6[%mul3A_33, %dma_wait3A_42] : memref<80000x128xf32, #tpu.memory_space<hbm>> -> memref<128x128xf32, #tpu.memory_space<hbm>>
      tpu.wait_dma2 semaphore(%run_scoped3A : memref<!tpu.dma_semaphore, #tpu.memory_space<semaphore_mem>>) src(%arg12 : memref<128x128xf32, #tpu.memory_space<vmem>>) dst(%dma_wait3A_43 : memref<128x128xf32, #tpu.memory_space<hbm>>)
      tpu.yield
    }) : () -> ()
    %lt3A = arith.constant 17 : i32
    %lt3A_34 = arith.cmpi slt, %add3A, %lt3A : i32
    %convert_element_type3A = arith.extui %lt3A_34 : i1 to i32
    %cond3A = arith.constant 0 : i32
    %cond3A_35 = arith.cmpi ne, %convert_element_type3A, %cond3A : i32
    scf.if %cond3A_35 {
      %add3A_36 = arith.constant 608 : i32
      %add3A_37 = arith.addi %add3A, %add3A_36 : i32
      %mul3A_38 = arith.constant 128 : i32
      %mul3A_39 = arith.muli %add3A_37, %mul3A_38 : i32
      "tpu.region"() ({
        %run_scoped3A = tpu.sem_alloc : memref<!tpu.dma_semaphore, #tpu.memory_space<semaphore_mem>>
        %dma_start3A_56 = tpu.memref_slice %arg3[%mul3A_39] : memref<80000xi32, #tpu.memory_space<hbm>> -> memref<128xi32, #tpu.memory_space<hbm>>
        %dma_start3A_57 = tpu.memref_slice %arg3[%mul3A_39] : memref<80000xi32, #tpu.memory_space<hbm>> -> memref<128xi32, #tpu.memory_space<hbm>>
        tpu.enqueue_dma source(%dma_start3A_57 : memref<128xi32, #tpu.memory_space<hbm>>) target(%arg7 : memref<128xi32, #tpu.memory_space<vmem>>) target_semaphore(%run_scoped3A : memref<!tpu.dma_semaphore, #tpu.memory_space<semaphore_mem>>)
        %dma_wait3A_58 = tpu.memref_slice %arg3[%mul3A_39] : memref<80000xi32, #tpu.memory_space<hbm>> -> memref<128xi32, #tpu.memory_space<hbm>>
        %dma_wait3A_59 = tpu.memref_slice %arg3[%mul3A_39] : memref<80000xi32, #tpu.memory_space<hbm>> -> memref<128xi32, #tpu.memory_space<hbm>>
        tpu.wait_dma2 semaphore(%run_scoped3A : memref<!tpu.dma_semaphore, #tpu.memory_space<semaphore_mem>>) src(%dma_wait3A_59 : memref<128xi32, #tpu.memory_space<hbm>>) dst(%arg7 : memref<128xi32, #tpu.memory_space<vmem>>)
        tpu.yield
      }) : () -> ()
      "tpu.region"() ({
        %run_scoped3A = tpu.sem_alloc : memref<!tpu.dma_semaphore, #tpu.memory_space<semaphore_mem>>
        %dma_start3A_56 = tpu.memref_slice %arg4[%mul3A_39] : memref<80000xi32, #tpu.memory_space<hbm>> -> memref<128xi32, #tpu.memory_space<hbm>>
        %dma_start3A_57 = tpu.memref_slice %arg4[%mul3A_39] : memref<80000xi32, #tpu.memory_space<hbm>> -> memref<128xi32, #tpu.memory_space<hbm>>
        tpu.enqueue_dma source(%dma_start3A_57 : memref<128xi32, #tpu.memory_space<hbm>>) target(%arg8 : memref<128xi32, #tpu.memory_space<vmem>>) target_semaphore(%run_scoped3A : memref<!tpu.dma_semaphore, #tpu.memory_space<semaphore_mem>>)
        %dma_wait3A_58 = tpu.memref_slice %arg4[%mul3A_39] : memref<80000xi32, #tpu.memory_space<hbm>> -> memref<128xi32, #tpu.memory_space<hbm>>
        %dma_wait3A_59 = tpu.memref_slice %arg4[%mul3A_39] : memref<80000xi32, #tpu.memory_space<hbm>> -> memref<128xi32, #tpu.memory_space<hbm>>
        tpu.wait_dma2 semaphore(%run_scoped3A : memref<!tpu.dma_semaphore, #tpu.memory_space<semaphore_mem>>) src(%dma_wait3A_59 : memref<128xi32, #tpu.memory_space<hbm>>) dst(%arg8 : memref<128xi32, #tpu.memory_space<vmem>>)
        tpu.yield
      }) : () -> ()
      %dma_start3A_40 = arith.constant 0 : i32
      %dma_start3A_41 = arith.constant 0 : i32
      %dma_start3A_42 = tpu.memref_slice %arg2[%dma_start3A_40, %dma_start3A_41] : memref<10000x128xf32, #tpu.memory_space<hbm>> -> memref<10000x128xf32, #tpu.memory_space<hbm>>
      tpu.enqueue_indirect_dma source(%dma_start3A_42 : memref<10000x128xf32, #tpu.memory_space<hbm>>) target(%arg11 : memref<128x128xf32, #tpu.memory_space<vmem>>) offsets(%arg7 : memref<128xi32, #tpu.memory_space<vmem>>) semaphore(%arg15 : memref<!tpu.dma_semaphore, #tpu.memory_space<semaphore_mem>>)
      %dma_start3A_43 = arith.constant 0 : i32
      %dma_start3A_44 = arith.constant 0 : i32
      %dma_start3A_45 = tpu.memref_slice %arg2[%dma_start3A_43, %dma_start3A_44] : memref<10000x128xf32, #tpu.memory_space<hbm>> -> memref<10000x128xf32, #tpu.memory_space<hbm>>
      tpu.enqueue_indirect_dma source(%dma_start3A_45 : memref<10000x128xf32, #tpu.memory_space<hbm>>) target(%arg12 : memref<128x128xf32, #tpu.memory_space<vmem>>) offsets(%arg8 : memref<128xi32, #tpu.memory_space<vmem>>) semaphore(%arg15 : memref<!tpu.dma_semaphore, #tpu.memory_space<semaphore_mem>>)
      %dma_wait3A_46 = arith.constant 0 : i32
      %dma_wait3A_47 = arith.constant 0 : i32
      %dma_wait3A_48 = tpu.memref_slice %arg2[%dma_wait3A_46, %dma_wait3A_47] : memref<10000x128xf32, #tpu.memory_space<hbm>> -> memref<10000x128xf32, #tpu.memory_space<hbm>>
      tpu.wait_indirect_dma semaphore(%arg15 : memref<!tpu.dma_semaphore, #tpu.memory_space<semaphore_mem>>) src(%dma_wait3A_48 : memref<10000x128xf32, #tpu.memory_space<hbm>>) dst(%arg11 : memref<128x128xf32, #tpu.memory_space<vmem>>)
      %dma_wait3A_49 = arith.constant 0 : i32
      %dma_wait3A_50 = arith.constant 0 : i32
      %dma_wait3A_51 = tpu.memref_slice %arg2[%dma_wait3A_49, %dma_wait3A_50] : memref<10000x128xf32, #tpu.memory_space<hbm>> -> memref<10000x128xf32, #tpu.memory_space<hbm>>
      tpu.wait_indirect_dma semaphore(%arg15 : memref<!tpu.dma_semaphore, #tpu.memory_space<semaphore_mem>>) src(%dma_wait3A_51 : memref<10000x128xf32, #tpu.memory_space<hbm>>) dst(%arg12 : memref<128x128xf32, #tpu.memory_space<vmem>>)
      %add3A_52 = arith.constant 608 : i32
      %add3A_53 = arith.addi %add3A, %add3A_52 : i32
      %mul3A_54 = arith.constant 128 : i32
      %mul3A_55 = arith.muli %add3A_53, %mul3A_54 : i32
      "tpu.region"() ({
        %run_scoped3A = tpu.sem_alloc : memref<!tpu.dma_semaphore, #tpu.memory_space<semaphore_mem>>
        %dma_start3A_56 = arith.constant 0 : i32
        %dma_start3A_57 = tpu.memref_slice %arg5[%mul3A_55, %dma_start3A_56] : memref<80000x128xf32, #tpu.memory_space<hbm>> -> memref<128x128xf32, #tpu.memory_space<hbm>>
        %dma_start3A_58 = arith.constant 0 : i32
        %dma_start3A_59 = tpu.memref_slice %arg5[%mul3A_55, %dma_start3A_58] : memref<80000x128xf32, #tpu.memory_space<hbm>> -> memref<128x128xf32, #tpu.memory_space<hbm>>
        tpu.enqueue_dma source(%arg11 : memref<128x128xf32, #tpu.memory_space<vmem>>) target(%dma_start3A_59 : memref<128x128xf32, #tpu.memory_space<hbm>>) target_semaphore(%run_scoped3A : memref<!tpu.dma_semaphore, #tpu.memory_space<semaphore_mem>>)
        %dma_wait3A_60 = arith.constant 0 : i32
        %dma_wait3A_61 = tpu.memref_slice %arg5[%mul3A_55, %dma_wait3A_60] : memref<80000x128xf32, #tpu.memory_space<hbm>> -> memref<128x128xf32, #tpu.memory_space<hbm>>
        %dma_wait3A_62 = arith.constant 0 : i32
        %dma_wait3A_63 = tpu.memref_slice %arg5[%mul3A_55, %dma_wait3A_62] : memref<80000x128xf32, #tpu.memory_space<hbm>> -> memref<128x128xf32, #tpu.memory_space<hbm>>
        tpu.wait_dma2 semaphore(%run_scoped3A : memref<!tpu.dma_semaphore, #tpu.memory_space<semaphore_mem>>) src(%arg11 : memref<128x128xf32, #tpu.memory_space<vmem>>) dst(%dma_wait3A_63 : memref<128x128xf32, #tpu.memory_space<hbm>>)
        tpu.yield
      }) : () -> ()
      "tpu.region"() ({
        %run_scoped3A = tpu.sem_alloc : memref<!tpu.dma_semaphore, #tpu.memory_space<semaphore_mem>>
        %dma_start3A_56 = arith.constant 0 : i32
        %dma_start3A_57 = tpu.memref_slice %arg6[%mul3A_55, %dma_start3A_56] : memref<80000x128xf32, #tpu.memory_space<hbm>> -> memref<128x128xf32, #tpu.memory_space<hbm>>
        %dma_start3A_58 = arith.constant 0 : i32
        %dma_start3A_59 = tpu.memref_slice %arg6[%mul3A_55, %dma_start3A_58] : memref<80000x128xf32, #tpu.memory_space<hbm>> -> memref<128x128xf32, #tpu.memory_space<hbm>>
        tpu.enqueue_dma source(%arg12 : memref<128x128xf32, #tpu.memory_space<vmem>>) target(%dma_start3A_59 : memref<128x128xf32, #tpu.memory_space<hbm>>) target_semaphore(%run_scoped3A : memref<!tpu.dma_semaphore, #tpu.memory_space<semaphore_mem>>)
        %dma_wait3A_60 = arith.constant 0 : i32
        %dma_wait3A_61 = tpu.memref_slice %arg6[%mul3A_55, %dma_wait3A_60] : memref<80000x128xf32, #tpu.memory_space<hbm>> -> memref<128x128xf32, #tpu.memory_space<hbm>>
        %dma_wait3A_62 = arith.constant 0 : i32
        %dma_wait3A_63 = tpu.memref_slice %arg6[%mul3A_55, %dma_wait3A_62] : memref<80000x128xf32, #tpu.memory_space<hbm>> -> memref<128x128xf32, #tpu.memory_space<hbm>>
        tpu.wait_dma2 semaphore(%run_scoped3A : memref<!tpu.dma_semaphore, #tpu.memory_space<semaphore_mem>>) src(%arg12 : memref<128x128xf32, #tpu.memory_space<vmem>>) dst(%dma_wait3A_63 : memref<128x128xf32, #tpu.memory_space<hbm>>)
        tpu.yield
      }) : () -> ()
    } else {
    }
    return
  }
}

#map = affine_map<(d0, d1) -> (0, 0)>
#map1 = affine_map<(d0, d1) -> (0)>
module attributes {stable_mosaic.version = 14 : i64} {
  func.func @k(%arg0: i32, %arg1: i32, %arg2: memref<10000x128xf32, #tpu.memory_space<hbm>>, %arg3: memref<80000xi32, #tpu.memory_space<hbm>>, %arg4: memref<80000xi32, #tpu.memory_space<hbm>>, %arg5: memref<80000x128xf32, #tpu.memory_space<hbm>>, %arg6: memref<80000x128xf32, #tpu.memory_space<hbm>>, %arg7: memref<128xi32, #tpu.memory_space<vmem>>, %arg8: memref<128xi32, #tpu.memory_space<vmem>>, %arg9: memref<128xi32, #tpu.memory_space<vmem>>, %arg10: memref<128xi32, #tpu.memory_space<vmem>>, %arg11: memref<128x128xf32, #tpu.memory_space<vmem>>, %arg12: memref<128x128xf32, #tpu.memory_space<vmem>>, %arg13: memref<128x128xf32, #tpu.memory_space<vmem>>, %arg14: memref<128x128xf32, #tpu.memory_space<vmem>>, %arg15: memref<!tpu.dma_semaphore, #tpu.memory_space<semaphore_mem>>, %arg16: memref<!tpu.dma_semaphore, #tpu.memory_space<semaphore_mem>>) attributes {dimension_semantics = [#tpu.dimension_semantics<core_parallel>, #tpu.dimension_semantics<subcore_parallel>], iteration_bounds = array<i64: 2, 16>, scalar_prefetch = 0 : i64, scratch_operands = 10 : i64, tpu.core_type = #tpu.core_type<sc_vector_subcore>, window_params = [{transform_indices = #map}, {transform_indices = #map1}, {transform_indices = #map1}, {transform_indices = #map}, {transform_indices = #map}]} {
    %mul3A = arith.constant 2 : i32
    %mul3A_0 = arith.muli %arg1, %mul3A : i32
    %add3A = arith.addi %mul3A_0, %arg0 : i32
    %add3A_1 = arith.constant 0 : i32
    %add3A_2 = arith.addi %add3A, %add3A_1 : i32
    %mul3A_3 = arith.constant 128 : i32
    %mul3A_4 = arith.muli %add3A_2, %mul3A_3 : i32
    "tpu.region"() ({
      %run_scoped3A = tpu.sem_alloc : memref<!tpu.dma_semaphore, #tpu.memory_space<semaphore_mem>>
      %dma_start3A_36 = tpu.memref_slice %arg3[%mul3A_4] : memref<80000xi32, #tpu.memory_space<hbm>> -> memref<128xi32, #tpu.memory_space<hbm>>
      %dma_start3A_37 = tpu.memref_slice %arg3[%mul3A_4] : memref<80000xi32, #tpu.memory_space<hbm>> -> memref<128xi32, #tpu.memory_space<hbm>>
      tpu.enqueue_dma source(%dma_start3A_37 : memref<128xi32, #tpu.memory_space<hbm>>) target(%arg7 : memref<128xi32, #tpu.memory_space<vmem>>) target_semaphore(%run_scoped3A : memref<!tpu.dma_semaphore, #tpu.memory_space<semaphore_mem>>)
      %dma_wait3A_38 = tpu.memref_slice %arg3[%mul3A_4] : memref<80000xi32, #tpu.memory_space<hbm>> -> memref<128xi32, #tpu.memory_space<hbm>>
      %dma_wait3A_39 = tpu.memref_slice %arg3[%mul3A_4] : memref<80000xi32, #tpu.memory_space<hbm>> -> memref<128xi32, #tpu.memory_space<hbm>>
      tpu.wait_dma2 semaphore(%run_scoped3A : memref<!tpu.dma_semaphore, #tpu.memory_space<semaphore_mem>>) src(%dma_wait3A_39 : memref<128xi32, #tpu.memory_space<hbm>>) dst(%arg7 : memref<128xi32, #tpu.memory_space<vmem>>)
      tpu.yield
    }) : () -> ()
    "tpu.region"() ({
      %run_scoped3A = tpu.sem_alloc : memref<!tpu.dma_semaphore, #tpu.memory_space<semaphore_mem>>
      %dma_start3A_36 = tpu.memref_slice %arg4[%mul3A_4] : memref<80000xi32, #tpu.memory_space<hbm>> -> memref<128xi32, #tpu.memory_space<hbm>>
      %dma_start3A_37 = tpu.memref_slice %arg4[%mul3A_4] : memref<80000xi32, #tpu.memory_space<hbm>> -> memref<128xi32, #tpu.memory_space<hbm>>
      tpu.enqueue_dma source(%dma_start3A_37 : memref<128xi32, #tpu.memory_space<hbm>>) target(%arg8 : memref<128xi32, #tpu.memory_space<vmem>>) target_semaphore(%run_scoped3A : memref<!tpu.dma_semaphore, #tpu.memory_space<semaphore_mem>>)
      %dma_wait3A_38 = tpu.memref_slice %arg4[%mul3A_4] : memref<80000xi32, #tpu.memory_space<hbm>> -> memref<128xi32, #tpu.memory_space<hbm>>
      %dma_wait3A_39 = tpu.memref_slice %arg4[%mul3A_4] : memref<80000xi32, #tpu.memory_space<hbm>> -> memref<128xi32, #tpu.memory_space<hbm>>
      tpu.wait_dma2 semaphore(%run_scoped3A : memref<!tpu.dma_semaphore, #tpu.memory_space<semaphore_mem>>) src(%dma_wait3A_39 : memref<128xi32, #tpu.memory_space<hbm>>) dst(%arg8 : memref<128xi32, #tpu.memory_space<vmem>>)
      tpu.yield
    }) : () -> ()
    %dma_start3A = arith.constant 0 : i32
    %dma_start3A_5 = arith.constant 0 : i32
    %dma_start3A_6 = tpu.memref_slice %arg2[%dma_start3A, %dma_start3A_5] : memref<10000x128xf32, #tpu.memory_space<hbm>> -> memref<10000x128xf32, #tpu.memory_space<hbm>>
    tpu.enqueue_indirect_dma source(%dma_start3A_6 : memref<10000x128xf32, #tpu.memory_space<hbm>>) target(%arg11 : memref<128x128xf32, #tpu.memory_space<vmem>>) offsets(%arg7 : memref<128xi32, #tpu.memory_space<vmem>>) semaphore(%arg15 : memref<!tpu.dma_semaphore, #tpu.memory_space<semaphore_mem>>)
    %dma_start3A_7 = arith.constant 0 : i32
    %dma_start3A_8 = arith.constant 0 : i32
    %dma_start3A_9 = tpu.memref_slice %arg2[%dma_start3A_7, %dma_start3A_8] : memref<10000x128xf32, #tpu.memory_space<hbm>> -> memref<10000x128xf32, #tpu.memory_space<hbm>>
    tpu.enqueue_indirect_dma source(%dma_start3A_9 : memref<10000x128xf32, #tpu.memory_space<hbm>>) target(%arg12 : memref<128x128xf32, #tpu.memory_space<vmem>>) offsets(%arg8 : memref<128xi32, #tpu.memory_space<vmem>>) semaphore(%arg15 : memref<!tpu.dma_semaphore, #tpu.memory_space<semaphore_mem>>)
    %scan3A = arith.constant 0 : i32
    %scan3A_10 = arith.constant 0 : i32
    %scan3A_11 = arith.constant 9 : i32
    %scan3A_12 = arith.addi %scan3A_10, %scan3A_11 : i32
    %scan3A_13 = arith.constant 1 : i32
    scf.for %scan3A_36 = %scan3A_10 to %scan3A_12 step %scan3A_13  : i32 {
      %mul3A_37 = arith.constant 2 : i32
      %mul3A_38 = arith.muli %mul3A_37, %scan3A_36 : i32
      %add3A_39 = arith.constant 0 : i32
      %add3A_40 = arith.addi %mul3A_38, %add3A_39 : i32
      %add3A_41 = arith.constant 1 : i32
      %add3A_42 = arith.addi %add3A_40, %add3A_41 : i32
      %lt3A_43 = arith.constant 18 : i32
      %lt3A_44 = arith.cmpi slt, %add3A_42, %lt3A_43 : i32
      %convert_element_type3A_45 = arith.extui %lt3A_44 : i1 to i32
      %cond3A_46 = arith.constant 0 : i32
      %cond3A_47 = arith.cmpi ne, %convert_element_type3A_45, %cond3A_46 : i32
      scf.if %cond3A_47 {
        %add3A_81 = arith.constant 1 : i32
        %add3A_82 = arith.addi %add3A_40, %add3A_81 : i32
        %mul3A_83 = arith.constant 32 : i32
        %mul3A_84 = arith.muli %add3A_82, %mul3A_83 : i32
        %add3A_85 = arith.addi %add3A, %mul3A_84 : i32
        %mul3A_86 = arith.constant 128 : i32
        %mul3A_87 = arith.muli %add3A_85, %mul3A_86 : i32
        "tpu.region"() ({
          %run_scoped3A = tpu.sem_alloc : memref<!tpu.dma_semaphore, #tpu.memory_space<semaphore_mem>>
          %dma_start3A_94 = tpu.memref_slice %arg3[%mul3A_87] : memref<80000xi32, #tpu.memory_space<hbm>> -> memref<128xi32, #tpu.memory_space<hbm>>
          %dma_start3A_95 = tpu.memref_slice %arg3[%mul3A_87] : memref<80000xi32, #tpu.memory_space<hbm>> -> memref<128xi32, #tpu.memory_space<hbm>>
          tpu.enqueue_dma source(%dma_start3A_95 : memref<128xi32, #tpu.memory_space<hbm>>) target(%arg9 : memref<128xi32, #tpu.memory_space<vmem>>) target_semaphore(%run_scoped3A : memref<!tpu.dma_semaphore, #tpu.memory_space<semaphore_mem>>)
          %dma_wait3A_96 = tpu.memref_slice %arg3[%mul3A_87] : memref<80000xi32, #tpu.memory_space<hbm>> -> memref<128xi32, #tpu.memory_space<hbm>>
          %dma_wait3A_97 = tpu.memref_slice %arg3[%mul3A_87] : memref<80000xi32, #tpu.memory_space<hbm>> -> memref<128xi32, #tpu.memory_space<hbm>>
          tpu.wait_dma2 semaphore(%run_scoped3A : memref<!tpu.dma_semaphore, #tpu.memory_space<semaphore_mem>>) src(%dma_wait3A_97 : memref<128xi32, #tpu.memory_space<hbm>>) dst(%arg9 : memref<128xi32, #tpu.memory_space<vmem>>)
          tpu.yield
        }) : () -> ()
        "tpu.region"() ({
          %run_scoped3A = tpu.sem_alloc : memref<!tpu.dma_semaphore, #tpu.memory_space<semaphore_mem>>
          %dma_start3A_94 = tpu.memref_slice %arg4[%mul3A_87] : memref<80000xi32, #tpu.memory_space<hbm>> -> memref<128xi32, #tpu.memory_space<hbm>>
          %dma_start3A_95 = tpu.memref_slice %arg4[%mul3A_87] : memref<80000xi32, #tpu.memory_space<hbm>> -> memref<128xi32, #tpu.memory_space<hbm>>
          tpu.enqueue_dma source(%dma_start3A_95 : memref<128xi32, #tpu.memory_space<hbm>>) target(%arg10 : memref<128xi32, #tpu.memory_space<vmem>>) target_semaphore(%run_scoped3A : memref<!tpu.dma_semaphore, #tpu.memory_space<semaphore_mem>>)
          %dma_wait3A_96 = tpu.memref_slice %arg4[%mul3A_87] : memref<80000xi32, #tpu.memory_space<hbm>> -> memref<128xi32, #tpu.memory_space<hbm>>
          %dma_wait3A_97 = tpu.memref_slice %arg4[%mul3A_87] : memref<80000xi32, #tpu.memory_space<hbm>> -> memref<128xi32, #tpu.memory_space<hbm>>
          tpu.wait_dma2 semaphore(%run_scoped3A : memref<!tpu.dma_semaphore, #tpu.memory_space<semaphore_mem>>) src(%dma_wait3A_97 : memref<128xi32, #tpu.memory_space<hbm>>) dst(%arg10 : memref<128xi32, #tpu.memory_space<vmem>>)
          tpu.yield
        }) : () -> ()
        %dma_start3A_88 = arith.constant 0 : i32
        %dma_start3A_89 = arith.constant 0 : i32
        %dma_start3A_90 = tpu.memref_slice %arg2[%dma_start3A_88, %dma_start3A_89] : memref<10000x128xf32, #tpu.memory_space<hbm>> -> memref<10000x128xf32, #tpu.memory_space<hbm>>
        tpu.enqueue_indirect_dma source(%dma_start3A_90 : memref<10000x128xf32, #tpu.memory_space<hbm>>) target(%arg13 : memref<128x128xf32, #tpu.memory_space<vmem>>) offsets(%arg9 : memref<128xi32, #tpu.memory_space<vmem>>) semaphore(%arg16 : memref<!tpu.dma_semaphore, #tpu.memory_space<semaphore_mem>>)
        %dma_start3A_91 = arith.constant 0 : i32
        %dma_start3A_92 = arith.constant 0 : i32
        %dma_start3A_93 = tpu.memref_slice %arg2[%dma_start3A_91, %dma_start3A_92] : memref<10000x128xf32, #tpu.memory_space<hbm>> -> memref<10000x128xf32, #tpu.memory_space<hbm>>
        tpu.enqueue_indirect_dma source(%dma_start3A_93 : memref<10000x128xf32, #tpu.memory_space<hbm>>) target(%arg14 : memref<128x128xf32, #tpu.memory_space<vmem>>) offsets(%arg10 : memref<128xi32, #tpu.memory_space<vmem>>) semaphore(%arg16 : memref<!tpu.dma_semaphore, #tpu.memory_space<semaphore_mem>>)
      } else {
      }
      %dma_wait3A_48 = arith.constant 0 : i32
      %dma_wait3A_49 = arith.constant 0 : i32
      %dma_wait3A_50 = tpu.memref_slice %arg2[%dma_wait3A_48, %dma_wait3A_49] : memref<10000x128xf32, #tpu.memory_space<hbm>> -> memref<10000x128xf32, #tpu.memory_space<hbm>>
      tpu.wait_indirect_dma semaphore(%arg15 : memref<!tpu.dma_semaphore, #tpu.memory_space<semaphore_mem>>) src(%dma_wait3A_50 : memref<10000x128xf32, #tpu.memory_space<hbm>>) dst(%arg11 : memref<128x128xf32, #tpu.memory_space<vmem>>)
      %dma_wait3A_51 = arith.constant 0 : i32
      %dma_wait3A_52 = arith.constant 0 : i32
      %dma_wait3A_53 = tpu.memref_slice %arg2[%dma_wait3A_51, %dma_wait3A_52] : memref<10000x128xf32, #tpu.memory_space<hbm>> -> memref<10000x128xf32, #tpu.memory_space<hbm>>
      tpu.wait_indirect_dma semaphore(%arg15 : memref<!tpu.dma_semaphore, #tpu.memory_space<semaphore_mem>>) src(%dma_wait3A_53 : memref<10000x128xf32, #tpu.memory_space<hbm>>) dst(%arg12 : memref<128x128xf32, #tpu.memory_space<vmem>>)
      %mul3A_54 = arith.constant 32 : i32
      %mul3A_55 = arith.muli %add3A_40, %mul3A_54 : i32
      %add3A_56 = arith.addi %add3A, %mul3A_55 : i32
      %mul3A_57 = arith.constant 128 : i32
      %mul3A_58 = arith.muli %add3A_56, %mul3A_57 : i32
      "tpu.region"() ({
        %run_scoped3A = tpu.sem_alloc : memref<!tpu.dma_semaphore, #tpu.memory_space<semaphore_mem>>
        %dma_start3A_81 = arith.constant 0 : i32
        %dma_start3A_82 = tpu.memref_slice %arg5[%mul3A_58, %dma_start3A_81] : memref<80000x128xf32, #tpu.memory_space<hbm>> -> memref<128x128xf32, #tpu.memory_space<hbm>>
        %dma_start3A_83 = arith.constant 0 : i32
        %dma_start3A_84 = tpu.memref_slice %arg5[%mul3A_58, %dma_start3A_83] : memref<80000x128xf32, #tpu.memory_space<hbm>> -> memref<128x128xf32, #tpu.memory_space<hbm>>
        tpu.enqueue_dma source(%arg11 : memref<128x128xf32, #tpu.memory_space<vmem>>) target(%dma_start3A_84 : memref<128x128xf32, #tpu.memory_space<hbm>>) target_semaphore(%run_scoped3A : memref<!tpu.dma_semaphore, #tpu.memory_space<semaphore_mem>>)
        %dma_wait3A_85 = arith.constant 0 : i32
        %dma_wait3A_86 = tpu.memref_slice %arg5[%mul3A_58, %dma_wait3A_85] : memref<80000x128xf32, #tpu.memory_space<hbm>> -> memref<128x128xf32, #tpu.memory_space<hbm>>
        %dma_wait3A_87 = arith.constant 0 : i32
        %dma_wait3A_88 = tpu.memref_slice %arg5[%mul3A_58, %dma_wait3A_87] : memref<80000x128xf32, #tpu.memory_space<hbm>> -> memref<128x128xf32, #tpu.memory_space<hbm>>
        tpu.wait_dma2 semaphore(%run_scoped3A : memref<!tpu.dma_semaphore, #tpu.memory_space<semaphore_mem>>) src(%arg11 : memref<128x128xf32, #tpu.memory_space<vmem>>) dst(%dma_wait3A_88 : memref<128x128xf32, #tpu.memory_space<hbm>>)
        tpu.yield
      }) : () -> ()
      "tpu.region"() ({
        %run_scoped3A = tpu.sem_alloc : memref<!tpu.dma_semaphore, #tpu.memory_space<semaphore_mem>>
        %dma_start3A_81 = arith.constant 0 : i32
        %dma_start3A_82 = tpu.memref_slice %arg6[%mul3A_58, %dma_start3A_81] : memref<80000x128xf32, #tpu.memory_space<hbm>> -> memref<128x128xf32, #tpu.memory_space<hbm>>
        %dma_start3A_83 = arith.constant 0 : i32
        %dma_start3A_84 = tpu.memref_slice %arg6[%mul3A_58, %dma_start3A_83] : memref<80000x128xf32, #tpu.memory_space<hbm>> -> memref<128x128xf32, #tpu.memory_space<hbm>>
        tpu.enqueue_dma source(%arg12 : memref<128x128xf32, #tpu.memory_space<vmem>>) target(%dma_start3A_84 : memref<128x128xf32, #tpu.memory_space<hbm>>) target_semaphore(%run_scoped3A : memref<!tpu.dma_semaphore, #tpu.memory_space<semaphore_mem>>)
        %dma_wait3A_85 = arith.constant 0 : i32
        %dma_wait3A_86 = tpu.memref_slice %arg6[%mul3A_58, %dma_wait3A_85] : memref<80000x128xf32, #tpu.memory_space<hbm>> -> memref<128x128xf32, #tpu.memory_space<hbm>>
        %dma_wait3A_87 = arith.constant 0 : i32
        %dma_wait3A_88 = tpu.memref_slice %arg6[%mul3A_58, %dma_wait3A_87] : memref<80000x128xf32, #tpu.memory_space<hbm>> -> memref<128x128xf32, #tpu.memory_space<hbm>>
        tpu.wait_dma2 semaphore(%run_scoped3A : memref<!tpu.dma_semaphore, #tpu.memory_space<semaphore_mem>>) src(%arg12 : memref<128x128xf32, #tpu.memory_space<vmem>>) dst(%dma_wait3A_88 : memref<128x128xf32, #tpu.memory_space<hbm>>)
        tpu.yield
      }) : () -> ()
      %mul3A_59 = arith.constant 2 : i32
      %mul3A_60 = arith.muli %mul3A_59, %scan3A_36 : i32
      %add3A_61 = arith.constant 1 : i32
      %add3A_62 = arith.addi %mul3A_60, %add3A_61 : i32
      %add3A_63 = arith.constant 1 : i32
      %add3A_64 = arith.addi %add3A_62, %add3A_63 : i32
      %lt3A_65 = arith.constant 18 : i32
      %lt3A_66 = arith.cmpi slt, %add3A_64, %lt3A_65 : i32
      %convert_element_type3A_67 = arith.extui %lt3A_66 : i1 to i32
      %cond3A_68 = arith.constant 0 : i32
      %cond3A_69 = arith.cmpi ne, %convert_element_type3A_67, %cond3A_68 : i32
      scf.if %cond3A_69 {
        %add3A_81 = arith.constant 1 : i32
        %add3A_82 = arith.addi %add3A_62, %add3A_81 : i32
        %mul3A_83 = arith.constant 32 : i32
        %mul3A_84 = arith.muli %add3A_82, %mul3A_83 : i32
        %add3A_85 = arith.addi %add3A, %mul3A_84 : i32
        %mul3A_86 = arith.constant 128 : i32
        %mul3A_87 = arith.muli %add3A_85, %mul3A_86 : i32
        "tpu.region"() ({
          %run_scoped3A = tpu.sem_alloc : memref<!tpu.dma_semaphore, #tpu.memory_space<semaphore_mem>>
          %dma_start3A_94 = tpu.memref_slice %arg3[%mul3A_87] : memref<80000xi32, #tpu.memory_space<hbm>> -> memref<128xi32, #tpu.memory_space<hbm>>
          %dma_start3A_95 = tpu.memref_slice %arg3[%mul3A_87] : memref<80000xi32, #tpu.memory_space<hbm>> -> memref<128xi32, #tpu.memory_space<hbm>>
          tpu.enqueue_dma source(%dma_start3A_95 : memref<128xi32, #tpu.memory_space<hbm>>) target(%arg7 : memref<128xi32, #tpu.memory_space<vmem>>) target_semaphore(%run_scoped3A : memref<!tpu.dma_semaphore, #tpu.memory_space<semaphore_mem>>)
          %dma_wait3A_96 = tpu.memref_slice %arg3[%mul3A_87] : memref<80000xi32, #tpu.memory_space<hbm>> -> memref<128xi32, #tpu.memory_space<hbm>>
          %dma_wait3A_97 = tpu.memref_slice %arg3[%mul3A_87] : memref<80000xi32, #tpu.memory_space<hbm>> -> memref<128xi32, #tpu.memory_space<hbm>>
          tpu.wait_dma2 semaphore(%run_scoped3A : memref<!tpu.dma_semaphore, #tpu.memory_space<semaphore_mem>>) src(%dma_wait3A_97 : memref<128xi32, #tpu.memory_space<hbm>>) dst(%arg7 : memref<128xi32, #tpu.memory_space<vmem>>)
          tpu.yield
        }) : () -> ()
        "tpu.region"() ({
          %run_scoped3A = tpu.sem_alloc : memref<!tpu.dma_semaphore, #tpu.memory_space<semaphore_mem>>
          %dma_start3A_94 = tpu.memref_slice %arg4[%mul3A_87] : memref<80000xi32, #tpu.memory_space<hbm>> -> memref<128xi32, #tpu.memory_space<hbm>>
          %dma_start3A_95 = tpu.memref_slice %arg4[%mul3A_87] : memref<80000xi32, #tpu.memory_space<hbm>> -> memref<128xi32, #tpu.memory_space<hbm>>
          tpu.enqueue_dma source(%dma_start3A_95 : memref<128xi32, #tpu.memory_space<hbm>>) target(%arg8 : memref<128xi32, #tpu.memory_space<vmem>>) target_semaphore(%run_scoped3A : memref<!tpu.dma_semaphore, #tpu.memory_space<semaphore_mem>>)
          %dma_wait3A_96 = tpu.memref_slice %arg4[%mul3A_87] : memref<80000xi32, #tpu.memory_space<hbm>> -> memref<128xi32, #tpu.memory_space<hbm>>
          %dma_wait3A_97 = tpu.memref_slice %arg4[%mul3A_87] : memref<80000xi32, #tpu.memory_space<hbm>> -> memref<128xi32, #tpu.memory_space<hbm>>
          tpu.wait_dma2 semaphore(%run_scoped3A : memref<!tpu.dma_semaphore, #tpu.memory_space<semaphore_mem>>) src(%dma_wait3A_97 : memref<128xi32, #tpu.memory_space<hbm>>) dst(%arg8 : memref<128xi32, #tpu.memory_space<vmem>>)
          tpu.yield
        }) : () -> ()
        %dma_start3A_88 = arith.constant 0 : i32
        %dma_start3A_89 = arith.constant 0 : i32
        %dma_start3A_90 = tpu.memref_slice %arg2[%dma_start3A_88, %dma_start3A_89] : memref<10000x128xf32, #tpu.memory_space<hbm>> -> memref<10000x128xf32, #tpu.memory_space<hbm>>
        tpu.enqueue_indirect_dma source(%dma_start3A_90 : memref<10000x128xf32, #tpu.memory_space<hbm>>) target(%arg11 : memref<128x128xf32, #tpu.memory_space<vmem>>) offsets(%arg7 : memref<128xi32, #tpu.memory_space<vmem>>) semaphore(%arg15 : memref<!tpu.dma_semaphore, #tpu.memory_space<semaphore_mem>>)
        %dma_start3A_91 = arith.constant 0 : i32
        %dma_start3A_92 = arith.constant 0 : i32
        %dma_start3A_93 = tpu.memref_slice %arg2[%dma_start3A_91, %dma_start3A_92] : memref<10000x128xf32, #tpu.memory_space<hbm>> -> memref<10000x128xf32, #tpu.memory_space<hbm>>
        tpu.enqueue_indirect_dma source(%dma_start3A_93 : memref<10000x128xf32, #tpu.memory_space<hbm>>) target(%arg12 : memref<128x128xf32, #tpu.memory_space<vmem>>) offsets(%arg8 : memref<128xi32, #tpu.memory_space<vmem>>) semaphore(%arg15 : memref<!tpu.dma_semaphore, #tpu.memory_space<semaphore_mem>>)
      } else {
      }
      %dma_wait3A_70 = arith.constant 0 : i32
      %dma_wait3A_71 = arith.constant 0 : i32
      %dma_wait3A_72 = tpu.memref_slice %arg2[%dma_wait3A_70, %dma_wait3A_71] : memref<10000x128xf32, #tpu.memory_space<hbm>> -> memref<10000x128xf32, #tpu.memory_space<hbm>>
      tpu.wait_indirect_dma semaphore(%arg16 : memref<!tpu.dma_semaphore, #tpu.memory_space<semaphore_mem>>) src(%dma_wait3A_72 : memref<10000x128xf32, #tpu.memory_space<hbm>>) dst(%arg13 : memref<128x128xf32, #tpu.memory_space<vmem>>)
      %dma_wait3A_73 = arith.constant 0 : i32
      %dma_wait3A_74 = arith.constant 0 : i32
      %dma_wait3A_75 = tpu.memref_slice %arg2[%dma_wait3A_73, %dma_wait3A_74] : memref<10000x128xf32, #tpu.memory_space<hbm>> -> memref<10000x128xf32, #tpu.memory_space<hbm>>
      tpu.wait_indirect_dma semaphore(%arg16 : memref<!tpu.dma_semaphore, #tpu.memory_space<semaphore_mem>>) src(%dma_wait3A_75 : memref<10000x128xf32, #tpu.memory_space<hbm>>) dst(%arg14 : memref<128x128xf32, #tpu.memory_space<vmem>>)
      %mul3A_76 = arith.constant 32 : i32
      %mul3A_77 = arith.muli %add3A_62, %mul3A_76 : i32
      %add3A_78 = arith.addi %add3A, %mul3A_77 : i32
      %mul3A_79 = arith.constant 128 : i32
      %mul3A_80 = arith.muli %add3A_78, %mul3A_79 : i32
      "tpu.region"() ({
        %run_scoped3A = tpu.sem_alloc : memref<!tpu.dma_semaphore, #tpu.memory_space<semaphore_mem>>
        %dma_start3A_81 = arith.constant 0 : i32
        %dma_start3A_82 = tpu.memref_slice %arg5[%mul3A_80, %dma_start3A_81] : memref<80000x128xf32, #tpu.memory_space<hbm>> -> memref<128x128xf32, #tpu.memory_space<hbm>>
        %dma_start3A_83 = arith.constant 0 : i32
        %dma_start3A_84 = tpu.memref_slice %arg5[%mul3A_80, %dma_start3A_83] : memref<80000x128xf32, #tpu.memory_space<hbm>> -> memref<128x128xf32, #tpu.memory_space<hbm>>
        tpu.enqueue_dma source(%arg13 : memref<128x128xf32, #tpu.memory_space<vmem>>) target(%dma_start3A_84 : memref<128x128xf32, #tpu.memory_space<hbm>>) target_semaphore(%run_scoped3A : memref<!tpu.dma_semaphore, #tpu.memory_space<semaphore_mem>>)
        %dma_wait3A_85 = arith.constant 0 : i32
        %dma_wait3A_86 = tpu.memref_slice %arg5[%mul3A_80, %dma_wait3A_85] : memref<80000x128xf32, #tpu.memory_space<hbm>> -> memref<128x128xf32, #tpu.memory_space<hbm>>
        %dma_wait3A_87 = arith.constant 0 : i32
        %dma_wait3A_88 = tpu.memref_slice %arg5[%mul3A_80, %dma_wait3A_87] : memref<80000x128xf32, #tpu.memory_space<hbm>> -> memref<128x128xf32, #tpu.memory_space<hbm>>
        tpu.wait_dma2 semaphore(%run_scoped3A : memref<!tpu.dma_semaphore, #tpu.memory_space<semaphore_mem>>) src(%arg13 : memref<128x128xf32, #tpu.memory_space<vmem>>) dst(%dma_wait3A_88 : memref<128x128xf32, #tpu.memory_space<hbm>>)
        tpu.yield
      }) : () -> ()
      "tpu.region"() ({
        %run_scoped3A = tpu.sem_alloc : memref<!tpu.dma_semaphore, #tpu.memory_space<semaphore_mem>>
        %dma_start3A_81 = arith.constant 0 : i32
        %dma_start3A_82 = tpu.memref_slice %arg6[%mul3A_80, %dma_start3A_81] : memref<80000x128xf32, #tpu.memory_space<hbm>> -> memref<128x128xf32, #tpu.memory_space<hbm>>
        %dma_start3A_83 = arith.constant 0 : i32
        %dma_start3A_84 = tpu.memref_slice %arg6[%mul3A_80, %dma_start3A_83] : memref<80000x128xf32, #tpu.memory_space<hbm>> -> memref<128x128xf32, #tpu.memory_space<hbm>>
        tpu.enqueue_dma source(%arg14 : memref<128x128xf32, #tpu.memory_space<vmem>>) target(%dma_start3A_84 : memref<128x128xf32, #tpu.memory_space<hbm>>) target_semaphore(%run_scoped3A : memref<!tpu.dma_semaphore, #tpu.memory_space<semaphore_mem>>)
        %dma_wait3A_85 = arith.constant 0 : i32
        %dma_wait3A_86 = tpu.memref_slice %arg6[%mul3A_80, %dma_wait3A_85] : memref<80000x128xf32, #tpu.memory_space<hbm>> -> memref<128x128xf32, #tpu.memory_space<hbm>>
        %dma_wait3A_87 = arith.constant 0 : i32
        %dma_wait3A_88 = tpu.memref_slice %arg6[%mul3A_80, %dma_wait3A_87] : memref<80000x128xf32, #tpu.memory_space<hbm>> -> memref<128x128xf32, #tpu.memory_space<hbm>>
        tpu.wait_dma2 semaphore(%run_scoped3A : memref<!tpu.dma_semaphore, #tpu.memory_space<semaphore_mem>>) src(%arg14 : memref<128x128xf32, #tpu.memory_space<vmem>>) dst(%dma_wait3A_88 : memref<128x128xf32, #tpu.memory_space<hbm>>)
        tpu.yield
      }) : () -> ()
    }
    %scan3A_14 = arith.constant 9 : i32
    %add3A_15 = arith.constant 576 : i32
    %add3A_16 = arith.addi %add3A, %add3A_15 : i32
    %mul3A_17 = arith.constant 128 : i32
    %mul3A_18 = arith.muli %add3A_16, %mul3A_17 : i32
    "tpu.region"() ({
      %run_scoped3A = tpu.sem_alloc : memref<!tpu.dma_semaphore, #tpu.memory_space<semaphore_mem>>
      %dma_start3A_36 = tpu.memref_slice %arg3[%mul3A_18] : memref<80000xi32, #tpu.memory_space<hbm>> -> memref<128xi32, #tpu.memory_space<hbm>>
      %dma_start3A_37 = tpu.memref_slice %arg3[%mul3A_18] : memref<80000xi32, #tpu.memory_space<hbm>> -> memref<128xi32, #tpu.memory_space<hbm>>
      tpu.enqueue_dma source(%dma_start3A_37 : memref<128xi32, #tpu.memory_space<hbm>>) target(%arg7 : memref<128xi32, #tpu.memory_space<vmem>>) target_semaphore(%run_scoped3A : memref<!tpu.dma_semaphore, #tpu.memory_space<semaphore_mem>>)
      %dma_wait3A_38 = tpu.memref_slice %arg3[%mul3A_18] : memref<80000xi32, #tpu.memory_space<hbm>> -> memref<128xi32, #tpu.memory_space<hbm>>
      %dma_wait3A_39 = tpu.memref_slice %arg3[%mul3A_18] : memref<80000xi32, #tpu.memory_space<hbm>> -> memref<128xi32, #tpu.memory_space<hbm>>
      tpu.wait_dma2 semaphore(%run_scoped3A : memref<!tpu.dma_semaphore, #tpu.memory_space<semaphore_mem>>) src(%dma_wait3A_39 : memref<128xi32, #tpu.memory_space<hbm>>) dst(%arg7 : memref<128xi32, #tpu.memory_space<vmem>>)
      tpu.yield
    }) : () -> ()
    "tpu.region"() ({
      %run_scoped3A = tpu.sem_alloc : memref<!tpu.dma_semaphore, #tpu.memory_space<semaphore_mem>>
      %dma_start3A_36 = tpu.memref_slice %arg4[%mul3A_18] : memref<80000xi32, #tpu.memory_space<hbm>> -> memref<128xi32, #tpu.memory_space<hbm>>
      %dma_start3A_37 = tpu.memref_slice %arg4[%mul3A_18] : memref<80000xi32, #tpu.memory_space<hbm>> -> memref<128xi32, #tpu.memory_space<hbm>>
      tpu.enqueue_dma source(%dma_start3A_37 : memref<128xi32, #tpu.memory_space<hbm>>) target(%arg8 : memref<128xi32, #tpu.memory_space<vmem>>) target_semaphore(%run_scoped3A : memref<!tpu.dma_semaphore, #tpu.memory_space<semaphore_mem>>)
      %dma_wait3A_38 = tpu.memref_slice %arg4[%mul3A_18] : memref<80000xi32, #tpu.memory_space<hbm>> -> memref<128xi32, #tpu.memory_space<hbm>>
      %dma_wait3A_39 = tpu.memref_slice %arg4[%mul3A_18] : memref<80000xi32, #tpu.memory_space<hbm>> -> memref<128xi32, #tpu.memory_space<hbm>>
      tpu.wait_dma2 semaphore(%run_scoped3A : memref<!tpu.dma_semaphore, #tpu.memory_space<semaphore_mem>>) src(%dma_wait3A_39 : memref<128xi32, #tpu.memory_space<hbm>>) dst(%arg8 : memref<128xi32, #tpu.memory_space<vmem>>)
      tpu.yield
    }) : () -> ()
    %dma_start3A_19 = arith.constant 0 : i32
    %dma_start3A_20 = arith.constant 0 : i32
    %dma_start3A_21 = tpu.memref_slice %arg2[%dma_start3A_19, %dma_start3A_20] : memref<10000x128xf32, #tpu.memory_space<hbm>> -> memref<10000x128xf32, #tpu.memory_space<hbm>>
    tpu.enqueue_indirect_dma source(%dma_start3A_21 : memref<10000x128xf32, #tpu.memory_space<hbm>>) target(%arg11 : memref<128x128xf32, #tpu.memory_space<vmem>>) offsets(%arg7 : memref<128xi32, #tpu.memory_space<vmem>>) semaphore(%arg15 : memref<!tpu.dma_semaphore, #tpu.memory_space<semaphore_mem>>)
    %dma_start3A_22 = arith.constant 0 : i32
    %dma_start3A_23 = arith.constant 0 : i32
    %dma_start3A_24 = tpu.memref_slice %arg2[%dma_start3A_22, %dma_start3A_23] : memref<10000x128xf32, #tpu.memory_space<hbm>> -> memref<10000x128xf32, #tpu.memory_space<hbm>>
    tpu.enqueue_indirect_dma source(%dma_start3A_24 : memref<10000x128xf32, #tpu.memory_space<hbm>>) target(%arg12 : memref<128x128xf32, #tpu.memory_space<vmem>>) offsets(%arg8 : memref<128xi32, #tpu.memory_space<vmem>>) semaphore(%arg15 : memref<!tpu.dma_semaphore, #tpu.memory_space<semaphore_mem>>)
    %dma_wait3A = arith.constant 0 : i32
    %dma_wait3A_25 = arith.constant 0 : i32
    %dma_wait3A_26 = tpu.memref_slice %arg2[%dma_wait3A, %dma_wait3A_25] : memref<10000x128xf32, #tpu.memory_space<hbm>> -> memref<10000x128xf32, #tpu.memory_space<hbm>>
    tpu.wait_indirect_dma semaphore(%arg15 : memref<!tpu.dma_semaphore, #tpu.memory_space<semaphore_mem>>) src(%dma_wait3A_26 : memref<10000x128xf32, #tpu.memory_space<hbm>>) dst(%arg11 : memref<128x128xf32, #tpu.memory_space<vmem>>)
    %dma_wait3A_27 = arith.constant 0 : i32
    %dma_wait3A_28 = arith.constant 0 : i32
    %dma_wait3A_29 = tpu.memref_slice %arg2[%dma_wait3A_27, %dma_wait3A_28] : memref<10000x128xf32, #tpu.memory_space<hbm>> -> memref<10000x128xf32, #tpu.memory_space<hbm>>
    tpu.wait_indirect_dma semaphore(%arg15 : memref<!tpu.dma_semaphore, #tpu.memory_space<semaphore_mem>>) src(%dma_wait3A_29 : memref<10000x128xf32, #tpu.memory_space<hbm>>) dst(%arg12 : memref<128x128xf32, #tpu.memory_space<vmem>>)
    %add3A_30 = arith.constant 576 : i32
    %add3A_31 = arith.addi %add3A, %add3A_30 : i32
    %mul3A_32 = arith.constant 128 : i32
    %mul3A_33 = arith.muli %add3A_31, %mul3A_32 : i32
    "tpu.region"() ({
      %run_scoped3A = tpu.sem_alloc : memref<!tpu.dma_semaphore, #tpu.memory_space<semaphore_mem>>
      %dma_start3A_36 = arith.constant 0 : i32
      %dma_start3A_37 = tpu.memref_slice %arg5[%mul3A_33, %dma_start3A_36] : memref<80000x128xf32, #tpu.memory_space<hbm>> -> memref<128x128xf32, #tpu.memory_space<hbm>>
      %dma_start3A_38 = arith.constant 0 : i32
      %dma_start3A_39 = tpu.memref_slice %arg5[%mul3A_33, %dma_start3A_38] : memref<80000x128xf32, #tpu.memory_space<hbm>> -> memref<128x128xf32, #tpu.memory_space<hbm>>
      tpu.enqueue_dma source(%arg11 : memref<128x128xf32, #tpu.memory_space<vmem>>) target(%dma_start3A_39 : memref<128x128xf32, #tpu.memory_space<hbm>>) target_semaphore(%run_scoped3A : memref<!tpu.dma_semaphore, #tpu.memory_space<semaphore_mem>>)
      %dma_wait3A_40 = arith.constant 0 : i32
      %dma_wait3A_41 = tpu.memref_slice %arg5[%mul3A_33, %dma_wait3A_40] : memref<80000x128xf32, #tpu.memory_space<hbm>> -> memref<128x128xf32, #tpu.memory_space<hbm>>
      %dma_wait3A_42 = arith.constant 0 : i32
      %dma_wait3A_43 = tpu.memref_slice %arg5[%mul3A_33, %dma_wait3A_42] : memref<80000x128xf32, #tpu.memory_space<hbm>> -> memref<128x128xf32, #tpu.memory_space<hbm>>
      tpu.wait_dma2 semaphore(%run_scoped3A : memref<!tpu.dma_semaphore, #tpu.memory_space<semaphore_mem>>) src(%arg11 : memref<128x128xf32, #tpu.memory_space<vmem>>) dst(%dma_wait3A_43 : memref<128x128xf32, #tpu.memory_space<hbm>>)
      tpu.yield
    }) : () -> ()
    "tpu.region"() ({
      %run_scoped3A = tpu.sem_alloc : memref<!tpu.dma_semaphore, #tpu.memory_space<semaphore_mem>>
      %dma_start3A_36 = arith.constant 0 : i32
      %dma_start3A_37 = tpu.memref_slice %arg6[%mul3A_33, %dma_start3A_36] : memref<80000x128xf32, #tpu.memory_space<hbm>> -> memref<128x128xf32, #tpu.memory_space<hbm>>
      %dma_start3A_38 = arith.constant 0 : i32
      %dma_start3A_39 = tpu.memref_slice %arg6[%mul3A_33, %dma_start3A_38] : memref<80000x128xf32, #tpu.memory_space<hbm>> -> memref<128x128xf32, #tpu.memory_space<hbm>>
      tpu.enqueue_dma source(%arg12 : memref<128x128xf32, #tpu.memory_space<vmem>>) target(%dma_start3A_39 : memref<128x128xf32, #tpu.memory_space<hbm>>) target_semaphore(%run_scoped3A : memref<!tpu.dma_semaphore, #tpu.memory_space<semaphore_mem>>)
      %dma_wait3A_40 = arith.constant 0 : i32
      %dma_wait3A_41 = tpu.memref_slice %arg6[%mul3A_33, %dma_wait3A_40] : memref<80000x128xf32, #tpu.memory_space<hbm>> -> memref<128x128xf32, #tpu.memory_space<hbm>>
      %dma_wait3A_42 = arith.constant 0 : i32
      %dma_wait3A_43 = tpu.memref_slice %arg6[%mul3A_33, %dma_wait3A_42] : memref<80000x128xf32, #tpu.memory_space<hbm>> -> memref<128x128xf32, #tpu.memory_space<hbm>>
      tpu.wait_dma2 semaphore(%run_scoped3A : memref<!tpu.dma_semaphore, #tpu.memory_space<semaphore_mem>>) src(%arg12 : memref<128x128xf32, #tpu.memory_space<vmem>>) dst(%dma_wait3A_43 : memref<128x128xf32, #tpu.memory_space<hbm>>)
      tpu.yield
    }) : () -> ()
    %lt3A = arith.constant 17 : i32
    %lt3A_34 = arith.cmpi slt, %add3A, %lt3A : i32
    %convert_element_type3A = arith.extui %lt3A_34 : i1 to i32
    %cond3A = arith.constant 0 : i32
    %cond3A_35 = arith.cmpi ne, %convert_element_type3A, %cond3A : i32
    scf.if %cond3A_35 {
      %add3A_36 = arith.constant 608 : i32
      %add3A_37 = arith.addi %add3A, %add3A_36 : i32
      %mul3A_38 = arith.constant 128 : i32
      %mul3A_39 = arith.muli %add3A_37, %mul3A_38 : i32
      "tpu.region"() ({
        %run_scoped3A = tpu.sem_alloc : memref<!tpu.dma_semaphore, #tpu.memory_space<semaphore_mem>>
        %dma_start3A_56 = tpu.memref_slice %arg3[%mul3A_39] : memref<80000xi32, #tpu.memory_space<hbm>> -> memref<128xi32, #tpu.memory_space<hbm>>
        %dma_start3A_57 = tpu.memref_slice %arg3[%mul3A_39] : memref<80000xi32, #tpu.memory_space<hbm>> -> memref<128xi32, #tpu.memory_space<hbm>>
        tpu.enqueue_dma source(%dma_start3A_57 : memref<128xi32, #tpu.memory_space<hbm>>) target(%arg7 : memref<128xi32, #tpu.memory_space<vmem>>) target_semaphore(%run_scoped3A : memref<!tpu.dma_semaphore, #tpu.memory_space<semaphore_mem>>)
        %dma_wait3A_58 = tpu.memref_slice %arg3[%mul3A_39] : memref<80000xi32, #tpu.memory_space<hbm>> -> memref<128xi32, #tpu.memory_space<hbm>>
        %dma_wait3A_59 = tpu.memref_slice %arg3[%mul3A_39] : memref<80000xi32, #tpu.memory_space<hbm>> -> memref<128xi32, #tpu.memory_space<hbm>>
        tpu.wait_dma2 semaphore(%run_scoped3A : memref<!tpu.dma_semaphore, #tpu.memory_space<semaphore_mem>>) src(%dma_wait3A_59 : memref<128xi32, #tpu.memory_space<hbm>>) dst(%arg7 : memref<128xi32, #tpu.memory_space<vmem>>)
        tpu.yield
      }) : () -> ()
      "tpu.region"() ({
        %run_scoped3A = tpu.sem_alloc : memref<!tpu.dma_semaphore, #tpu.memory_space<semaphore_mem>>
        %dma_start3A_56 = tpu.memref_slice %arg4[%mul3A_39] : memref<80000xi32, #tpu.memory_space<hbm>> -> memref<128xi32, #tpu.memory_space<hbm>>
        %dma_start3A_57 = tpu.memref_slice %arg4[%mul3A_39] : memref<80000xi32, #tpu.memory_space<hbm>> -> memref<128xi32, #tpu.memory_space<hbm>>
        tpu.enqueue_dma source(%dma_start3A_57 : memref<128xi32, #tpu.memory_space<hbm>>) target(%arg8 : memref<128xi32, #tpu.memory_space<vmem>>) target_semaphore(%run_scoped3A : memref<!tpu.dma_semaphore, #tpu.memory_space<semaphore_mem>>)
        %dma_wait3A_58 = tpu.memref_slice %arg4[%mul3A_39] : memref<80000xi32, #tpu.memory_space<hbm>> -> memref<128xi32, #tpu.memory_space<hbm>>
        %dma_wait3A_59 = tpu.memref_slice %arg4[%mul3A_39] : memref<80000xi32, #tpu.memory_space<hbm>> -> memref<128xi32, #tpu.memory_space<hbm>>
        tpu.wait_dma2 semaphore(%run_scoped3A : memref<!tpu.dma_semaphore, #tpu.memory_space<semaphore_mem>>) src(%dma_wait3A_59 : memref<128xi32, #tpu.memory_space<hbm>>) dst(%arg8 : memref<128xi32, #tpu.memory_space<vmem>>)
        tpu.yield
      }) : () -> ()
      %dma_start3A_40 = arith.constant 0 : i32
      %dma_start3A_41 = arith.constant 0 : i32
      %dma_start3A_42 = tpu.memref_slice %arg2[%dma_start3A_40, %dma_start3A_41] : memref<10000x128xf32, #tpu.memory_space<hbm>> -> memref<10000x128xf32, #tpu.memory_space<hbm>>
      tpu.enqueue_indirect_dma source(%dma_start3A_42 : memref<10000x128xf32, #tpu.memory_space<hbm>>) target(%arg11 : memref<128x128xf32, #tpu.memory_space<vmem>>) offsets(%arg7 : memref<128xi32, #tpu.memory_space<vmem>>) semaphore(%arg15 : memref<!tpu.dma_semaphore, #tpu.memory_space<semaphore_mem>>)
      %dma_start3A_43 = arith.constant 0 : i32
      %dma_start3A_44 = arith.constant 0 : i32
      %dma_start3A_45 = tpu.memref_slice %arg2[%dma_start3A_43, %dma_start3A_44] : memref<10000x128xf32, #tpu.memory_space<hbm>> -> memref<10000x128xf32, #tpu.memory_space<hbm>>
      tpu.enqueue_indirect_dma source(%dma_start3A_45 : memref<10000x128xf32, #tpu.memory_space<hbm>>) target(%arg12 : memref<128x128xf32, #tpu.memory_space<vmem>>) offsets(%arg8 : memref<128xi32, #tpu.memory_space<vmem>>) semaphore(%arg15 : memref<!tpu.dma_semaphore, #tpu.memory_space<semaphore_mem>>)
      %dma_wait3A_46 = arith.constant 0 : i32
      %dma_wait3A_47 = arith.constant 0 : i32
      %dma_wait3A_48 = tpu.memref_slice %arg2[%dma_wait3A_46, %dma_wait3A_47] : memref<10000x128xf32, #tpu.memory_space<hbm>> -> memref<10000x128xf32, #tpu.memory_space<hbm>>
      tpu.wait_indirect_dma semaphore(%arg15 : memref<!tpu.dma_semaphore, #tpu.memory_space<semaphore_mem>>) src(%dma_wait3A_48 : memref<10000x128xf32, #tpu.memory_space<hbm>>) dst(%arg11 : memref<128x128xf32, #tpu.memory_space<vmem>>)
      %dma_wait3A_49 = arith.constant 0 : i32
      %dma_wait3A_50 = arith.constant 0 : i32
      %dma_wait3A_51 = tpu.memref_slice %arg2[%dma_wait3A_49, %dma_wait3A_50] : memref<10000x128xf32, #tpu.memory_space<hbm>> -> memref<10000x128xf32, #tpu.memory_space<hbm>>
      tpu.wait_indirect_dma semaphore(%arg15 : memref<!tpu.dma_semaphore, #tpu.memory_space<semaphore_mem>>) src(%dma_wait3A_51 : memref<10000x128xf32, #tpu.memory_space<hbm>>) dst(%arg12 : memref<128x128xf32, #tpu.memory_space<vmem>>)
      %add3A_52 = arith.constant 608 : i32
      %add3A_53 = arith.addi %add3A, %add3A_52 : i32
      %mul3A_54 = arith.constant 128 : i32
      %mul3A_55 = arith.muli %add3A_53, %mul3A_54 : i32
      "tpu.region"() ({
        %run_scoped3A = tpu.sem_alloc : memref<!tpu.dma_semaphore, #tpu.memory_space<semaphore_mem>>
        %dma_start3A_56 = arith.constant 0 : i32
        %dma_start3A_57 = tpu.memref_slice %arg5[%mul3A_55, %dma_start3A_56] : memref<80000x128xf32, #tpu.memory_space<hbm>> -> memref<128x128xf32, #tpu.memory_space<hbm>>
        %dma_start3A_58 = arith.constant 0 : i32
        %dma_start3A_59 = tpu.memref_slice %arg5[%mul3A_55, %dma_start3A_58] : memref<80000x128xf32, #tpu.memory_space<hbm>> -> memref<128x128xf32, #tpu.memory_space<hbm>>
        tpu.enqueue_dma source(%arg11 : memref<128x128xf32, #tpu.memory_space<vmem>>) target(%dma_start3A_59 : memref<128x128xf32, #tpu.memory_space<hbm>>) target_semaphore(%run_scoped3A : memref<!tpu.dma_semaphore, #tpu.memory_space<semaphore_mem>>)
        %dma_wait3A_60 = arith.constant 0 : i32
        %dma_wait3A_61 = tpu.memref_slice %arg5[%mul3A_55, %dma_wait3A_60] : memref<80000x128xf32, #tpu.memory_space<hbm>> -> memref<128x128xf32, #tpu.memory_space<hbm>>
        %dma_wait3A_62 = arith.constant 0 : i32
        %dma_wait3A_63 = tpu.memref_slice %arg5[%mul3A_55, %dma_wait3A_62] : memref<80000x128xf32, #tpu.memory_space<hbm>> -> memref<128x128xf32, #tpu.memory_space<hbm>>
        tpu.wait_dma2 semaphore(%run_scoped3A : memref<!tpu.dma_semaphore, #tpu.memory_space<semaphore_mem>>) src(%arg11 : memref<128x128xf32, #tpu.memory_space<vmem>>) dst(%dma_wait3A_63 : memref<128x128xf32, #tpu.memory_space<hbm>>)
        tpu.yield
      }) : () -> ()
      "tpu.region"() ({
        %run_scoped3A = tpu.sem_alloc : memref<!tpu.dma_semaphore, #tpu.memory_space<semaphore_mem>>
        %dma_start3A_56 = arith.constant 0 : i32
        %dma_start3A_57 = tpu.memref_slice %arg6[%mul3A_55, %dma_start3A_56] : memref<80000x128xf32, #tpu.memory_space<hbm>> -> memref<128x128xf32, #tpu.memory_space<hbm>>
        %dma_start3A_58 = arith.constant 0 : i32
        %dma_start3A_59 = tpu.memref_slice %arg6[%mul3A_55, %dma_start3A_58] : memref<80000x128xf32, #tpu.memory_space<hbm>> -> memref<128x128xf32, #tpu.memory_space<hbm>>
        tpu.enqueue_dma source(%arg12 : memref<128x128xf32, #tpu.memory_space<vmem>>) target(%dma_start3A_59 : memref<128x128xf32, #tpu.memory_space<hbm>>) target_semaphore(%run_scoped3A : memref<!tpu.dma_semaphore, #tpu.memory_space<semaphore_mem>>)
        %dma_wait3A_60 = arith.constant 0 : i32
        %dma_wait3A_61 = tpu.memref_slice %arg6[%mul3A_55, %dma_wait3A_60] : memref<80000x128xf32, #tpu.memory_space<hbm>> -> memref<128x128xf32, #tpu.memory_space<hbm>>
        %dma_wait3A_62 = arith.constant 0 : i32
        %dma_wait3A_63 = tpu.memref_slice %arg6[%mul3A_55, %dma_wait3A_62] : memref<80000x128xf32, #tpu.memory_space<hbm>> -> memref<128x128xf32, #tpu.memory_space<hbm>>
        tpu.wait_dma2 semaphore(%run_scoped3A : memref<!tpu.dma_semaphore, #tpu.memory_space<semaphore_mem>>) src(%arg12 : memref<128x128xf32, #tpu.memory_space<vmem>>) dst(%dma_wait3A_63 : memref<128x128xf32, #tpu.memory_space<hbm>>)
        tpu.yield
      }) : () -> ()
    } else {
    }
    return
  }
}

#map = affine_map<(d0, d1) -> (0, 0)>
#map1 = affine_map<(d0, d1) -> (0)>
module attributes {stable_mosaic.version = 14 : i64} {
  func.func @k(%arg0: i32, %arg1: i32, %arg2: memref<10000x128xf32, #tpu.memory_space<hbm>>, %arg3: memref<80000xi32, #tpu.memory_space<hbm>>, %arg4: memref<80000xi32, #tpu.memory_space<hbm>>, %arg5: memref<80000x128xf32, #tpu.memory_space<hbm>>, %arg6: memref<80000x128xf32, #tpu.memory_space<hbm>>, %arg7: memref<128xi32, #tpu.memory_space<vmem>>, %arg8: memref<128xi32, #tpu.memory_space<vmem>>, %arg9: memref<128xi32, #tpu.memory_space<vmem>>, %arg10: memref<128xi32, #tpu.memory_space<vmem>>, %arg11: memref<128x128xf32, #tpu.memory_space<vmem>>, %arg12: memref<128x128xf32, #tpu.memory_space<vmem>>, %arg13: memref<128x128xf32, #tpu.memory_space<vmem>>, %arg14: memref<128x128xf32, #tpu.memory_space<vmem>>, %arg15: memref<!tpu.dma_semaphore, #tpu.memory_space<semaphore_mem>>, %arg16: memref<!tpu.dma_semaphore, #tpu.memory_space<semaphore_mem>>) attributes {dimension_semantics = [#tpu.dimension_semantics<core_parallel>, #tpu.dimension_semantics<subcore_parallel>], iteration_bounds = array<i64: 2, 16>, scalar_prefetch = 0 : i64, scratch_operands = 10 : i64, tpu.core_type = #tpu.core_type<sc_vector_subcore>, window_params = [{transform_indices = #map}, {transform_indices = #map1}, {transform_indices = #map1}, {transform_indices = #map}, {transform_indices = #map}]} {
    %mul3A = arith.constant 2 : i32
    %mul3A_0 = arith.muli %arg1, %mul3A : i32
    %add3A = arith.addi %mul3A_0, %arg0 : i32
    %add3A_1 = arith.constant 0 : i32
    %add3A_2 = arith.addi %add3A, %add3A_1 : i32
    %mul3A_3 = arith.constant 128 : i32
    %mul3A_4 = arith.muli %add3A_2, %mul3A_3 : i32
    "tpu.region"() ({
      %run_scoped3A = tpu.sem_alloc : memref<!tpu.dma_semaphore, #tpu.memory_space<semaphore_mem>>
      %dma_start3A_36 = tpu.memref_slice %arg3[%mul3A_4] : memref<80000xi32, #tpu.memory_space<hbm>> -> memref<128xi32, #tpu.memory_space<hbm>>
      %dma_start3A_37 = tpu.memref_slice %arg3[%mul3A_4] : memref<80000xi32, #tpu.memory_space<hbm>> -> memref<128xi32, #tpu.memory_space<hbm>>
      tpu.enqueue_dma source(%dma_start3A_37 : memref<128xi32, #tpu.memory_space<hbm>>) target(%arg7 : memref<128xi32, #tpu.memory_space<vmem>>) target_semaphore(%run_scoped3A : memref<!tpu.dma_semaphore, #tpu.memory_space<semaphore_mem>>)
      %dma_wait3A_38 = tpu.memref_slice %arg3[%mul3A_4] : memref<80000xi32, #tpu.memory_space<hbm>> -> memref<128xi32, #tpu.memory_space<hbm>>
      %dma_wait3A_39 = tpu.memref_slice %arg3[%mul3A_4] : memref<80000xi32, #tpu.memory_space<hbm>> -> memref<128xi32, #tpu.memory_space<hbm>>
      tpu.wait_dma2 semaphore(%run_scoped3A : memref<!tpu.dma_semaphore, #tpu.memory_space<semaphore_mem>>) src(%dma_wait3A_39 : memref<128xi32, #tpu.memory_space<hbm>>) dst(%arg7 : memref<128xi32, #tpu.memory_space<vmem>>)
      tpu.yield
    }) : () -> ()
    "tpu.region"() ({
      %run_scoped3A = tpu.sem_alloc : memref<!tpu.dma_semaphore, #tpu.memory_space<semaphore_mem>>
      %dma_start3A_36 = tpu.memref_slice %arg4[%mul3A_4] : memref<80000xi32, #tpu.memory_space<hbm>> -> memref<128xi32, #tpu.memory_space<hbm>>
      %dma_start3A_37 = tpu.memref_slice %arg4[%mul3A_4] : memref<80000xi32, #tpu.memory_space<hbm>> -> memref<128xi32, #tpu.memory_space<hbm>>
      tpu.enqueue_dma source(%dma_start3A_37 : memref<128xi32, #tpu.memory_space<hbm>>) target(%arg8 : memref<128xi32, #tpu.memory_space<vmem>>) target_semaphore(%run_scoped3A : memref<!tpu.dma_semaphore, #tpu.memory_space<semaphore_mem>>)
      %dma_wait3A_38 = tpu.memref_slice %arg4[%mul3A_4] : memref<80000xi32, #tpu.memory_space<hbm>> -> memref<128xi32, #tpu.memory_space<hbm>>
      %dma_wait3A_39 = tpu.memref_slice %arg4[%mul3A_4] : memref<80000xi32, #tpu.memory_space<hbm>> -> memref<128xi32, #tpu.memory_space<hbm>>
      tpu.wait_dma2 semaphore(%run_scoped3A : memref<!tpu.dma_semaphore, #tpu.memory_space<semaphore_mem>>) src(%dma_wait3A_39 : memref<128xi32, #tpu.memory_space<hbm>>) dst(%arg8 : memref<128xi32, #tpu.memory_space<vmem>>)
      tpu.yield
    }) : () -> ()
    %dma_start3A = arith.constant 0 : i32
    %dma_start3A_5 = arith.constant 0 : i32
    %dma_start3A_6 = tpu.memref_slice %arg2[%dma_start3A, %dma_start3A_5] : memref<10000x128xf32, #tpu.memory_space<hbm>> -> memref<10000x128xf32, #tpu.memory_space<hbm>>
    tpu.enqueue_indirect_dma source(%dma_start3A_6 : memref<10000x128xf32, #tpu.memory_space<hbm>>) target(%arg11 : memref<128x128xf32, #tpu.memory_space<vmem>>) offsets(%arg7 : memref<128xi32, #tpu.memory_space<vmem>>) semaphore(%arg15 : memref<!tpu.dma_semaphore, #tpu.memory_space<semaphore_mem>>)
    %dma_start3A_7 = arith.constant 0 : i32
    %dma_start3A_8 = arith.constant 0 : i32
    %dma_start3A_9 = tpu.memref_slice %arg2[%dma_start3A_7, %dma_start3A_8] : memref<10000x128xf32, #tpu.memory_space<hbm>> -> memref<10000x128xf32, #tpu.memory_space<hbm>>
    tpu.enqueue_indirect_dma source(%dma_start3A_9 : memref<10000x128xf32, #tpu.memory_space<hbm>>) target(%arg12 : memref<128x128xf32, #tpu.memory_space<vmem>>) offsets(%arg8 : memref<128xi32, #tpu.memory_space<vmem>>) semaphore(%arg15 : memref<!tpu.dma_semaphore, #tpu.memory_space<semaphore_mem>>)
    %scan3A = arith.constant 0 : i32
    %scan3A_10 = arith.constant 0 : i32
    %scan3A_11 = arith.constant 9 : i32
    %scan3A_12 = arith.addi %scan3A_10, %scan3A_11 : i32
    %scan3A_13 = arith.constant 1 : i32
    scf.for %scan3A_36 = %scan3A_10 to %scan3A_12 step %scan3A_13  : i32 {
      %mul3A_37 = arith.constant 2 : i32
      %mul3A_38 = arith.muli %mul3A_37, %scan3A_36 : i32
      %add3A_39 = arith.constant 0 : i32
      %add3A_40 = arith.addi %mul3A_38, %add3A_39 : i32
      %add3A_41 = arith.constant 1 : i32
      %add3A_42 = arith.addi %add3A_40, %add3A_41 : i32
      %lt3A_43 = arith.constant 18 : i32
      %lt3A_44 = arith.cmpi slt, %add3A_42, %lt3A_43 : i32
      %convert_element_type3A_45 = arith.extui %lt3A_44 : i1 to i32
      %cond3A_46 = arith.constant 0 : i32
      %cond3A_47 = arith.cmpi ne, %convert_element_type3A_45, %cond3A_46 : i32
      scf.if %cond3A_47 {
        %add3A_81 = arith.constant 1 : i32
        %add3A_82 = arith.addi %add3A_40, %add3A_81 : i32
        %mul3A_83 = arith.constant 32 : i32
        %mul3A_84 = arith.muli %add3A_82, %mul3A_83 : i32
        %add3A_85 = arith.addi %add3A, %mul3A_84 : i32
        %mul3A_86 = arith.constant 128 : i32
        %mul3A_87 = arith.muli %add3A_85, %mul3A_86 : i32
        "tpu.region"() ({
          %run_scoped3A = tpu.sem_alloc : memref<!tpu.dma_semaphore, #tpu.memory_space<semaphore_mem>>
          %dma_start3A_94 = tpu.memref_slice %arg3[%mul3A_87] : memref<80000xi32, #tpu.memory_space<hbm>> -> memref<128xi32, #tpu.memory_space<hbm>>
          %dma_start3A_95 = tpu.memref_slice %arg3[%mul3A_87] : memref<80000xi32, #tpu.memory_space<hbm>> -> memref<128xi32, #tpu.memory_space<hbm>>
          tpu.enqueue_dma source(%dma_start3A_95 : memref<128xi32, #tpu.memory_space<hbm>>) target(%arg9 : memref<128xi32, #tpu.memory_space<vmem>>) target_semaphore(%run_scoped3A : memref<!tpu.dma_semaphore, #tpu.memory_space<semaphore_mem>>)
          %dma_wait3A_96 = tpu.memref_slice %arg3[%mul3A_87] : memref<80000xi32, #tpu.memory_space<hbm>> -> memref<128xi32, #tpu.memory_space<hbm>>
          %dma_wait3A_97 = tpu.memref_slice %arg3[%mul3A_87] : memref<80000xi32, #tpu.memory_space<hbm>> -> memref<128xi32, #tpu.memory_space<hbm>>
          tpu.wait_dma2 semaphore(%run_scoped3A : memref<!tpu.dma_semaphore, #tpu.memory_space<semaphore_mem>>) src(%dma_wait3A_97 : memref<128xi32, #tpu.memory_space<hbm>>) dst(%arg9 : memref<128xi32, #tpu.memory_space<vmem>>)
          tpu.yield
        }) : () -> ()
        "tpu.region"() ({
          %run_scoped3A = tpu.sem_alloc : memref<!tpu.dma_semaphore, #tpu.memory_space<semaphore_mem>>
          %dma_start3A_94 = tpu.memref_slice %arg4[%mul3A_87] : memref<80000xi32, #tpu.memory_space<hbm>> -> memref<128xi32, #tpu.memory_space<hbm>>
          %dma_start3A_95 = tpu.memref_slice %arg4[%mul3A_87] : memref<80000xi32, #tpu.memory_space<hbm>> -> memref<128xi32, #tpu.memory_space<hbm>>
          tpu.enqueue_dma source(%dma_start3A_95 : memref<128xi32, #tpu.memory_space<hbm>>) target(%arg10 : memref<128xi32, #tpu.memory_space<vmem>>) target_semaphore(%run_scoped3A : memref<!tpu.dma_semaphore, #tpu.memory_space<semaphore_mem>>)
          %dma_wait3A_96 = tpu.memref_slice %arg4[%mul3A_87] : memref<80000xi32, #tpu.memory_space<hbm>> -> memref<128xi32, #tpu.memory_space<hbm>>
          %dma_wait3A_97 = tpu.memref_slice %arg4[%mul3A_87] : memref<80000xi32, #tpu.memory_space<hbm>> -> memref<128xi32, #tpu.memory_space<hbm>>
          tpu.wait_dma2 semaphore(%run_scoped3A : memref<!tpu.dma_semaphore, #tpu.memory_space<semaphore_mem>>) src(%dma_wait3A_97 : memref<128xi32, #tpu.memory_space<hbm>>) dst(%arg10 : memref<128xi32, #tpu.memory_space<vmem>>)
          tpu.yield
        }) : () -> ()
        %dma_start3A_88 = arith.constant 0 : i32
        %dma_start3A_89 = arith.constant 0 : i32
        %dma_start3A_90 = tpu.memref_slice %arg2[%dma_start3A_88, %dma_start3A_89] : memref<10000x128xf32, #tpu.memory_space<hbm>> -> memref<10000x128xf32, #tpu.memory_space<hbm>>
        tpu.enqueue_indirect_dma source(%dma_start3A_90 : memref<10000x128xf32, #tpu.memory_space<hbm>>) target(%arg13 : memref<128x128xf32, #tpu.memory_space<vmem>>) offsets(%arg9 : memref<128xi32, #tpu.memory_space<vmem>>) semaphore(%arg16 : memref<!tpu.dma_semaphore, #tpu.memory_space<semaphore_mem>>)
        %dma_start3A_91 = arith.constant 0 : i32
        %dma_start3A_92 = arith.constant 0 : i32
        %dma_start3A_93 = tpu.memref_slice %arg2[%dma_start3A_91, %dma_start3A_92] : memref<10000x128xf32, #tpu.memory_space<hbm>> -> memref<10000x128xf32, #tpu.memory_space<hbm>>
        tpu.enqueue_indirect_dma source(%dma_start3A_93 : memref<10000x128xf32, #tpu.memory_space<hbm>>) target(%arg14 : memref<128x128xf32, #tpu.memory_space<vmem>>) offsets(%arg10 : memref<128xi32, #tpu.memory_space<vmem>>) semaphore(%arg16 : memref<!tpu.dma_semaphore, #tpu.memory_space<semaphore_mem>>)
      } else {
      }
      %dma_wait3A_48 = arith.constant 0 : i32
      %dma_wait3A_49 = arith.constant 0 : i32
      %dma_wait3A_50 = tpu.memref_slice %arg2[%dma_wait3A_48, %dma_wait3A_49] : memref<10000x128xf32, #tpu.memory_space<hbm>> -> memref<10000x128xf32, #tpu.memory_space<hbm>>
      tpu.wait_indirect_dma semaphore(%arg15 : memref<!tpu.dma_semaphore, #tpu.memory_space<semaphore_mem>>) src(%dma_wait3A_50 : memref<10000x128xf32, #tpu.memory_space<hbm>>) dst(%arg11 : memref<128x128xf32, #tpu.memory_space<vmem>>)
      %dma_wait3A_51 = arith.constant 0 : i32
      %dma_wait3A_52 = arith.constant 0 : i32
      %dma_wait3A_53 = tpu.memref_slice %arg2[%dma_wait3A_51, %dma_wait3A_52] : memref<10000x128xf32, #tpu.memory_space<hbm>> -> memref<10000x128xf32, #tpu.memory_space<hbm>>
      tpu.wait_indirect_dma semaphore(%arg15 : memref<!tpu.dma_semaphore, #tpu.memory_space<semaphore_mem>>) src(%dma_wait3A_53 : memref<10000x128xf32, #tpu.memory_space<hbm>>) dst(%arg12 : memref<128x128xf32, #tpu.memory_space<vmem>>)
      %mul3A_54 = arith.constant 32 : i32
      %mul3A_55 = arith.muli %add3A_40, %mul3A_54 : i32
      %add3A_56 = arith.addi %add3A, %mul3A_55 : i32
      %mul3A_57 = arith.constant 128 : i32
      %mul3A_58 = arith.muli %add3A_56, %mul3A_57 : i32
      "tpu.region"() ({
        %run_scoped3A = tpu.sem_alloc : memref<!tpu.dma_semaphore, #tpu.memory_space<semaphore_mem>>
        %dma_start3A_81 = arith.constant 0 : i32
        %dma_start3A_82 = tpu.memref_slice %arg5[%mul3A_58, %dma_start3A_81] : memref<80000x128xf32, #tpu.memory_space<hbm>> -> memref<128x128xf32, #tpu.memory_space<hbm>>
        %dma_start3A_83 = arith.constant 0 : i32
        %dma_start3A_84 = tpu.memref_slice %arg5[%mul3A_58, %dma_start3A_83] : memref<80000x128xf32, #tpu.memory_space<hbm>> -> memref<128x128xf32, #tpu.memory_space<hbm>>
        tpu.enqueue_dma source(%arg11 : memref<128x128xf32, #tpu.memory_space<vmem>>) target(%dma_start3A_84 : memref<128x128xf32, #tpu.memory_space<hbm>>) target_semaphore(%run_scoped3A : memref<!tpu.dma_semaphore, #tpu.memory_space<semaphore_mem>>)
        %dma_wait3A_85 = arith.constant 0 : i32
        %dma_wait3A_86 = tpu.memref_slice %arg5[%mul3A_58, %dma_wait3A_85] : memref<80000x128xf32, #tpu.memory_space<hbm>> -> memref<128x128xf32, #tpu.memory_space<hbm>>
        %dma_wait3A_87 = arith.constant 0 : i32
        %dma_wait3A_88 = tpu.memref_slice %arg5[%mul3A_58, %dma_wait3A_87] : memref<80000x128xf32, #tpu.memory_space<hbm>> -> memref<128x128xf32, #tpu.memory_space<hbm>>
        tpu.wait_dma2 semaphore(%run_scoped3A : memref<!tpu.dma_semaphore, #tpu.memory_space<semaphore_mem>>) src(%arg11 : memref<128x128xf32, #tpu.memory_space<vmem>>) dst(%dma_wait3A_88 : memref<128x128xf32, #tpu.memory_space<hbm>>)
        tpu.yield
      }) : () -> ()
      "tpu.region"() ({
        %run_scoped3A = tpu.sem_alloc : memref<!tpu.dma_semaphore, #tpu.memory_space<semaphore_mem>>
        %dma_start3A_81 = arith.constant 0 : i32
        %dma_start3A_82 = tpu.memref_slice %arg6[%mul3A_58, %dma_start3A_81] : memref<80000x128xf32, #tpu.memory_space<hbm>> -> memref<128x128xf32, #tpu.memory_space<hbm>>
        %dma_start3A_83 = arith.constant 0 : i32
        %dma_start3A_84 = tpu.memref_slice %arg6[%mul3A_58, %dma_start3A_83] : memref<80000x128xf32, #tpu.memory_space<hbm>> -> memref<128x128xf32, #tpu.memory_space<hbm>>
        tpu.enqueue_dma source(%arg12 : memref<128x128xf32, #tpu.memory_space<vmem>>) target(%dma_start3A_84 : memref<128x128xf32, #tpu.memory_space<hbm>>) target_semaphore(%run_scoped3A : memref<!tpu.dma_semaphore, #tpu.memory_space<semaphore_mem>>)
        %dma_wait3A_85 = arith.constant 0 : i32
        %dma_wait3A_86 = tpu.memref_slice %arg6[%mul3A_58, %dma_wait3A_85] : memref<80000x128xf32, #tpu.memory_space<hbm>> -> memref<128x128xf32, #tpu.memory_space<hbm>>
        %dma_wait3A_87 = arith.constant 0 : i32
        %dma_wait3A_88 = tpu.memref_slice %arg6[%mul3A_58, %dma_wait3A_87] : memref<80000x128xf32, #tpu.memory_space<hbm>> -> memref<128x128xf32, #tpu.memory_space<hbm>>
        tpu.wait_dma2 semaphore(%run_scoped3A : memref<!tpu.dma_semaphore, #tpu.memory_space<semaphore_mem>>) src(%arg12 : memref<128x128xf32, #tpu.memory_space<vmem>>) dst(%dma_wait3A_88 : memref<128x128xf32, #tpu.memory_space<hbm>>)
        tpu.yield
      }) : () -> ()
      %mul3A_59 = arith.constant 2 : i32
      %mul3A_60 = arith.muli %mul3A_59, %scan3A_36 : i32
      %add3A_61 = arith.constant 1 : i32
      %add3A_62 = arith.addi %mul3A_60, %add3A_61 : i32
      %add3A_63 = arith.constant 1 : i32
      %add3A_64 = arith.addi %add3A_62, %add3A_63 : i32
      %lt3A_65 = arith.constant 18 : i32
      %lt3A_66 = arith.cmpi slt, %add3A_64, %lt3A_65 : i32
      %convert_element_type3A_67 = arith.extui %lt3A_66 : i1 to i32
      %cond3A_68 = arith.constant 0 : i32
      %cond3A_69 = arith.cmpi ne, %convert_element_type3A_67, %cond3A_68 : i32
      scf.if %cond3A_69 {
        %add3A_81 = arith.constant 1 : i32
        %add3A_82 = arith.addi %add3A_62, %add3A_81 : i32
        %mul3A_83 = arith.constant 32 : i32
        %mul3A_84 = arith.muli %add3A_82, %mul3A_83 : i32
        %add3A_85 = arith.addi %add3A, %mul3A_84 : i32
        %mul3A_86 = arith.constant 128 : i32
        %mul3A_87 = arith.muli %add3A_85, %mul3A_86 : i32
        "tpu.region"() ({
          %run_scoped3A = tpu.sem_alloc : memref<!tpu.dma_semaphore, #tpu.memory_space<semaphore_mem>>
          %dma_start3A_94 = tpu.memref_slice %arg3[%mul3A_87] : memref<80000xi32, #tpu.memory_space<hbm>> -> memref<128xi32, #tpu.memory_space<hbm>>
          %dma_start3A_95 = tpu.memref_slice %arg3[%mul3A_87] : memref<80000xi32, #tpu.memory_space<hbm>> -> memref<128xi32, #tpu.memory_space<hbm>>
          tpu.enqueue_dma source(%dma_start3A_95 : memref<128xi32, #tpu.memory_space<hbm>>) target(%arg7 : memref<128xi32, #tpu.memory_space<vmem>>) target_semaphore(%run_scoped3A : memref<!tpu.dma_semaphore, #tpu.memory_space<semaphore_mem>>)
          %dma_wait3A_96 = tpu.memref_slice %arg3[%mul3A_87] : memref<80000xi32, #tpu.memory_space<hbm>> -> memref<128xi32, #tpu.memory_space<hbm>>
          %dma_wait3A_97 = tpu.memref_slice %arg3[%mul3A_87] : memref<80000xi32, #tpu.memory_space<hbm>> -> memref<128xi32, #tpu.memory_space<hbm>>
          tpu.wait_dma2 semaphore(%run_scoped3A : memref<!tpu.dma_semaphore, #tpu.memory_space<semaphore_mem>>) src(%dma_wait3A_97 : memref<128xi32, #tpu.memory_space<hbm>>) dst(%arg7 : memref<128xi32, #tpu.memory_space<vmem>>)
          tpu.yield
        }) : () -> ()
        "tpu.region"() ({
          %run_scoped3A = tpu.sem_alloc : memref<!tpu.dma_semaphore, #tpu.memory_space<semaphore_mem>>
          %dma_start3A_94 = tpu.memref_slice %arg4[%mul3A_87] : memref<80000xi32, #tpu.memory_space<hbm>> -> memref<128xi32, #tpu.memory_space<hbm>>
          %dma_start3A_95 = tpu.memref_slice %arg4[%mul3A_87] : memref<80000xi32, #tpu.memory_space<hbm>> -> memref<128xi32, #tpu.memory_space<hbm>>
          tpu.enqueue_dma source(%dma_start3A_95 : memref<128xi32, #tpu.memory_space<hbm>>) target(%arg8 : memref<128xi32, #tpu.memory_space<vmem>>) target_semaphore(%run_scoped3A : memref<!tpu.dma_semaphore, #tpu.memory_space<semaphore_mem>>)
          %dma_wait3A_96 = tpu.memref_slice %arg4[%mul3A_87] : memref<80000xi32, #tpu.memory_space<hbm>> -> memref<128xi32, #tpu.memory_space<hbm>>
          %dma_wait3A_97 = tpu.memref_slice %arg4[%mul3A_87] : memref<80000xi32, #tpu.memory_space<hbm>> -> memref<128xi32, #tpu.memory_space<hbm>>
          tpu.wait_dma2 semaphore(%run_scoped3A : memref<!tpu.dma_semaphore, #tpu.memory_space<semaphore_mem>>) src(%dma_wait3A_97 : memref<128xi32, #tpu.memory_space<hbm>>) dst(%arg8 : memref<128xi32, #tpu.memory_space<vmem>>)
          tpu.yield
        }) : () -> ()
        %dma_start3A_88 = arith.constant 0 : i32
        %dma_start3A_89 = arith.constant 0 : i32
        %dma_start3A_90 = tpu.memref_slice %arg2[%dma_start3A_88, %dma_start3A_89] : memref<10000x128xf32, #tpu.memory_space<hbm>> -> memref<10000x128xf32, #tpu.memory_space<hbm>>
        tpu.enqueue_indirect_dma source(%dma_start3A_90 : memref<10000x128xf32, #tpu.memory_space<hbm>>) target(%arg11 : memref<128x128xf32, #tpu.memory_space<vmem>>) offsets(%arg7 : memref<128xi32, #tpu.memory_space<vmem>>) semaphore(%arg15 : memref<!tpu.dma_semaphore, #tpu.memory_space<semaphore_mem>>)
        %dma_start3A_91 = arith.constant 0 : i32
        %dma_start3A_92 = arith.constant 0 : i32
        %dma_start3A_93 = tpu.memref_slice %arg2[%dma_start3A_91, %dma_start3A_92] : memref<10000x128xf32, #tpu.memory_space<hbm>> -> memref<10000x128xf32, #tpu.memory_space<hbm>>
        tpu.enqueue_indirect_dma source(%dma_start3A_93 : memref<10000x128xf32, #tpu.memory_space<hbm>>) target(%arg12 : memref<128x128xf32, #tpu.memory_space<vmem>>) offsets(%arg8 : memref<128xi32, #tpu.memory_space<vmem>>) semaphore(%arg15 : memref<!tpu.dma_semaphore, #tpu.memory_space<semaphore_mem>>)
      } else {
      }
      %dma_wait3A_70 = arith.constant 0 : i32
      %dma_wait3A_71 = arith.constant 0 : i32
      %dma_wait3A_72 = tpu.memref_slice %arg2[%dma_wait3A_70, %dma_wait3A_71] : memref<10000x128xf32, #tpu.memory_space<hbm>> -> memref<10000x128xf32, #tpu.memory_space<hbm>>
      tpu.wait_indirect_dma semaphore(%arg16 : memref<!tpu.dma_semaphore, #tpu.memory_space<semaphore_mem>>) src(%dma_wait3A_72 : memref<10000x128xf32, #tpu.memory_space<hbm>>) dst(%arg13 : memref<128x128xf32, #tpu.memory_space<vmem>>)
      %dma_wait3A_73 = arith.constant 0 : i32
      %dma_wait3A_74 = arith.constant 0 : i32
      %dma_wait3A_75 = tpu.memref_slice %arg2[%dma_wait3A_73, %dma_wait3A_74] : memref<10000x128xf32, #tpu.memory_space<hbm>> -> memref<10000x128xf32, #tpu.memory_space<hbm>>
      tpu.wait_indirect_dma semaphore(%arg16 : memref<!tpu.dma_semaphore, #tpu.memory_space<semaphore_mem>>) src(%dma_wait3A_75 : memref<10000x128xf32, #tpu.memory_space<hbm>>) dst(%arg14 : memref<128x128xf32, #tpu.memory_space<vmem>>)
      %mul3A_76 = arith.constant 32 : i32
      %mul3A_77 = arith.muli %add3A_62, %mul3A_76 : i32
      %add3A_78 = arith.addi %add3A, %mul3A_77 : i32
      %mul3A_79 = arith.constant 128 : i32
      %mul3A_80 = arith.muli %add3A_78, %mul3A_79 : i32
      "tpu.region"() ({
        %run_scoped3A = tpu.sem_alloc : memref<!tpu.dma_semaphore, #tpu.memory_space<semaphore_mem>>
        %dma_start3A_81 = arith.constant 0 : i32
        %dma_start3A_82 = tpu.memref_slice %arg5[%mul3A_80, %dma_start3A_81] : memref<80000x128xf32, #tpu.memory_space<hbm>> -> memref<128x128xf32, #tpu.memory_space<hbm>>
        %dma_start3A_83 = arith.constant 0 : i32
        %dma_start3A_84 = tpu.memref_slice %arg5[%mul3A_80, %dma_start3A_83] : memref<80000x128xf32, #tpu.memory_space<hbm>> -> memref<128x128xf32, #tpu.memory_space<hbm>>
        tpu.enqueue_dma source(%arg13 : memref<128x128xf32, #tpu.memory_space<vmem>>) target(%dma_start3A_84 : memref<128x128xf32, #tpu.memory_space<hbm>>) target_semaphore(%run_scoped3A : memref<!tpu.dma_semaphore, #tpu.memory_space<semaphore_mem>>)
        %dma_wait3A_85 = arith.constant 0 : i32
        %dma_wait3A_86 = tpu.memref_slice %arg5[%mul3A_80, %dma_wait3A_85] : memref<80000x128xf32, #tpu.memory_space<hbm>> -> memref<128x128xf32, #tpu.memory_space<hbm>>
        %dma_wait3A_87 = arith.constant 0 : i32
        %dma_wait3A_88 = tpu.memref_slice %arg5[%mul3A_80, %dma_wait3A_87] : memref<80000x128xf32, #tpu.memory_space<hbm>> -> memref<128x128xf32, #tpu.memory_space<hbm>>
        tpu.wait_dma2 semaphore(%run_scoped3A : memref<!tpu.dma_semaphore, #tpu.memory_space<semaphore_mem>>) src(%arg13 : memref<128x128xf32, #tpu.memory_space<vmem>>) dst(%dma_wait3A_88 : memref<128x128xf32, #tpu.memory_space<hbm>>)
        tpu.yield
      }) : () -> ()
      "tpu.region"() ({
        %run_scoped3A = tpu.sem_alloc : memref<!tpu.dma_semaphore, #tpu.memory_space<semaphore_mem>>
        %dma_start3A_81 = arith.constant 0 : i32
        %dma_start3A_82 = tpu.memref_slice %arg6[%mul3A_80, %dma_start3A_81] : memref<80000x128xf32, #tpu.memory_space<hbm>> -> memref<128x128xf32, #tpu.memory_space<hbm>>
        %dma_start3A_83 = arith.constant 0 : i32
        %dma_start3A_84 = tpu.memref_slice %arg6[%mul3A_80, %dma_start3A_83] : memref<80000x128xf32, #tpu.memory_space<hbm>> -> memref<128x128xf32, #tpu.memory_space<hbm>>
        tpu.enqueue_dma source(%arg14 : memref<128x128xf32, #tpu.memory_space<vmem>>) target(%dma_start3A_84 : memref<128x128xf32, #tpu.memory_space<hbm>>) target_semaphore(%run_scoped3A : memref<!tpu.dma_semaphore, #tpu.memory_space<semaphore_mem>>)
        %dma_wait3A_85 = arith.constant 0 : i32
        %dma_wait3A_86 = tpu.memref_slice %arg6[%mul3A_80, %dma_wait3A_85] : memref<80000x128xf32, #tpu.memory_space<hbm>> -> memref<128x128xf32, #tpu.memory_space<hbm>>
        %dma_wait3A_87 = arith.constant 0 : i32
        %dma_wait3A_88 = tpu.memref_slice %arg6[%mul3A_80, %dma_wait3A_87] : memref<80000x128xf32, #tpu.memory_space<hbm>> -> memref<128x128xf32, #tpu.memory_space<hbm>>
        tpu.wait_dma2 semaphore(%run_scoped3A : memref<!tpu.dma_semaphore, #tpu.memory_space<semaphore_mem>>) src(%arg14 : memref<128x128xf32, #tpu.memory_space<vmem>>) dst(%dma_wait3A_88 : memref<128x128xf32, #tpu.memory_space<hbm>>)
        tpu.yield
      }) : () -> ()
    }
    %scan3A_14 = arith.constant 9 : i32
    %add3A_15 = arith.constant 576 : i32
    %add3A_16 = arith.addi %add3A, %add3A_15 : i32
    %mul3A_17 = arith.constant 128 : i32
    %mul3A_18 = arith.muli %add3A_16, %mul3A_17 : i32
    "tpu.region"() ({
      %run_scoped3A = tpu.sem_alloc : memref<!tpu.dma_semaphore, #tpu.memory_space<semaphore_mem>>
      %dma_start3A_36 = tpu.memref_slice %arg3[%mul3A_18] : memref<80000xi32, #tpu.memory_space<hbm>> -> memref<128xi32, #tpu.memory_space<hbm>>
      %dma_start3A_37 = tpu.memref_slice %arg3[%mul3A_18] : memref<80000xi32, #tpu.memory_space<hbm>> -> memref<128xi32, #tpu.memory_space<hbm>>
      tpu.enqueue_dma source(%dma_start3A_37 : memref<128xi32, #tpu.memory_space<hbm>>) target(%arg7 : memref<128xi32, #tpu.memory_space<vmem>>) target_semaphore(%run_scoped3A : memref<!tpu.dma_semaphore, #tpu.memory_space<semaphore_mem>>)
      %dma_wait3A_38 = tpu.memref_slice %arg3[%mul3A_18] : memref<80000xi32, #tpu.memory_space<hbm>> -> memref<128xi32, #tpu.memory_space<hbm>>
      %dma_wait3A_39 = tpu.memref_slice %arg3[%mul3A_18] : memref<80000xi32, #tpu.memory_space<hbm>> -> memref<128xi32, #tpu.memory_space<hbm>>
      tpu.wait_dma2 semaphore(%run_scoped3A : memref<!tpu.dma_semaphore, #tpu.memory_space<semaphore_mem>>) src(%dma_wait3A_39 : memref<128xi32, #tpu.memory_space<hbm>>) dst(%arg7 : memref<128xi32, #tpu.memory_space<vmem>>)
      tpu.yield
    }) : () -> ()
    "tpu.region"() ({
      %run_scoped3A = tpu.sem_alloc : memref<!tpu.dma_semaphore, #tpu.memory_space<semaphore_mem>>
      %dma_start3A_36 = tpu.memref_slice %arg4[%mul3A_18] : memref<80000xi32, #tpu.memory_space<hbm>> -> memref<128xi32, #tpu.memory_space<hbm>>
      %dma_start3A_37 = tpu.memref_slice %arg4[%mul3A_18] : memref<80000xi32, #tpu.memory_space<hbm>> -> memref<128xi32, #tpu.memory_space<hbm>>
      tpu.enqueue_dma source(%dma_start3A_37 : memref<128xi32, #tpu.memory_space<hbm>>) target(%arg8 : memref<128xi32, #tpu.memory_space<vmem>>) target_semaphore(%run_scoped3A : memref<!tpu.dma_semaphore, #tpu.memory_space<semaphore_mem>>)
      %dma_wait3A_38 = tpu.memref_slice %arg4[%mul3A_18] : memref<80000xi32, #tpu.memory_space<hbm>> -> memref<128xi32, #tpu.memory_space<hbm>>
      %dma_wait3A_39 = tpu.memref_slice %arg4[%mul3A_18] : memref<80000xi32, #tpu.memory_space<hbm>> -> memref<128xi32, #tpu.memory_space<hbm>>
      tpu.wait_dma2 semaphore(%run_scoped3A : memref<!tpu.dma_semaphore, #tpu.memory_space<semaphore_mem>>) src(%dma_wait3A_39 : memref<128xi32, #tpu.memory_space<hbm>>) dst(%arg8 : memref<128xi32, #tpu.memory_space<vmem>>)
      tpu.yield
    }) : () -> ()
    %dma_start3A_19 = arith.constant 0 : i32
    %dma_start3A_20 = arith.constant 0 : i32
    %dma_start3A_21 = tpu.memref_slice %arg2[%dma_start3A_19, %dma_start3A_20] : memref<10000x128xf32, #tpu.memory_space<hbm>> -> memref<10000x128xf32, #tpu.memory_space<hbm>>
    tpu.enqueue_indirect_dma source(%dma_start3A_21 : memref<10000x128xf32, #tpu.memory_space<hbm>>) target(%arg11 : memref<128x128xf32, #tpu.memory_space<vmem>>) offsets(%arg7 : memref<128xi32, #tpu.memory_space<vmem>>) semaphore(%arg15 : memref<!tpu.dma_semaphore, #tpu.memory_space<semaphore_mem>>)
    %dma_start3A_22 = arith.constant 0 : i32
    %dma_start3A_23 = arith.constant 0 : i32
    %dma_start3A_24 = tpu.memref_slice %arg2[%dma_start3A_22, %dma_start3A_23] : memref<10000x128xf32, #tpu.memory_space<hbm>> -> memref<10000x128xf32, #tpu.memory_space<hbm>>
    tpu.enqueue_indirect_dma source(%dma_start3A_24 : memref<10000x128xf32, #tpu.memory_space<hbm>>) target(%arg12 : memref<128x128xf32, #tpu.memory_space<vmem>>) offsets(%arg8 : memref<128xi32, #tpu.memory_space<vmem>>) semaphore(%arg15 : memref<!tpu.dma_semaphore, #tpu.memory_space<semaphore_mem>>)
    %dma_wait3A = arith.constant 0 : i32
    %dma_wait3A_25 = arith.constant 0 : i32
    %dma_wait3A_26 = tpu.memref_slice %arg2[%dma_wait3A, %dma_wait3A_25] : memref<10000x128xf32, #tpu.memory_space<hbm>> -> memref<10000x128xf32, #tpu.memory_space<hbm>>
    tpu.wait_indirect_dma semaphore(%arg15 : memref<!tpu.dma_semaphore, #tpu.memory_space<semaphore_mem>>) src(%dma_wait3A_26 : memref<10000x128xf32, #tpu.memory_space<hbm>>) dst(%arg11 : memref<128x128xf32, #tpu.memory_space<vmem>>)
    %dma_wait3A_27 = arith.constant 0 : i32
    %dma_wait3A_28 = arith.constant 0 : i32
    %dma_wait3A_29 = tpu.memref_slice %arg2[%dma_wait3A_27, %dma_wait3A_28] : memref<10000x128xf32, #tpu.memory_space<hbm>> -> memref<10000x128xf32, #tpu.memory_space<hbm>>
    tpu.wait_indirect_dma semaphore(%arg15 : memref<!tpu.dma_semaphore, #tpu.memory_space<semaphore_mem>>) src(%dma_wait3A_29 : memref<10000x128xf32, #tpu.memory_space<hbm>>) dst(%arg12 : memref<128x128xf32, #tpu.memory_space<vmem>>)
    %add3A_30 = arith.constant 576 : i32
    %add3A_31 = arith.addi %add3A, %add3A_30 : i32
    %mul3A_32 = arith.constant 128 : i32
    %mul3A_33 = arith.muli %add3A_31, %mul3A_32 : i32
    "tpu.region"() ({
      %run_scoped3A = tpu.sem_alloc : memref<!tpu.dma_semaphore, #tpu.memory_space<semaphore_mem>>
      %dma_start3A_36 = arith.constant 0 : i32
      %dma_start3A_37 = tpu.memref_slice %arg5[%mul3A_33, %dma_start3A_36] : memref<80000x128xf32, #tpu.memory_space<hbm>> -> memref<128x128xf32, #tpu.memory_space<hbm>>
      %dma_start3A_38 = arith.constant 0 : i32
      %dma_start3A_39 = tpu.memref_slice %arg5[%mul3A_33, %dma_start3A_38] : memref<80000x128xf32, #tpu.memory_space<hbm>> -> memref<128x128xf32, #tpu.memory_space<hbm>>
      tpu.enqueue_dma source(%arg11 : memref<128x128xf32, #tpu.memory_space<vmem>>) target(%dma_start3A_39 : memref<128x128xf32, #tpu.memory_space<hbm>>) target_semaphore(%run_scoped3A : memref<!tpu.dma_semaphore, #tpu.memory_space<semaphore_mem>>)
      %dma_wait3A_40 = arith.constant 0 : i32
      %dma_wait3A_41 = tpu.memref_slice %arg5[%mul3A_33, %dma_wait3A_40] : memref<80000x128xf32, #tpu.memory_space<hbm>> -> memref<128x128xf32, #tpu.memory_space<hbm>>
      %dma_wait3A_42 = arith.constant 0 : i32
      %dma_wait3A_43 = tpu.memref_slice %arg5[%mul3A_33, %dma_wait3A_42] : memref<80000x128xf32, #tpu.memory_space<hbm>> -> memref<128x128xf32, #tpu.memory_space<hbm>>
      tpu.wait_dma2 semaphore(%run_scoped3A : memref<!tpu.dma_semaphore, #tpu.memory_space<semaphore_mem>>) src(%arg11 : memref<128x128xf32, #tpu.memory_space<vmem>>) dst(%dma_wait3A_43 : memref<128x128xf32, #tpu.memory_space<hbm>>)
      tpu.yield
    }) : () -> ()
    "tpu.region"() ({
      %run_scoped3A = tpu.sem_alloc : memref<!tpu.dma_semaphore, #tpu.memory_space<semaphore_mem>>
      %dma_start3A_36 = arith.constant 0 : i32
      %dma_start3A_37 = tpu.memref_slice %arg6[%mul3A_33, %dma_start3A_36] : memref<80000x128xf32, #tpu.memory_space<hbm>> -> memref<128x128xf32, #tpu.memory_space<hbm>>
      %dma_start3A_38 = arith.constant 0 : i32
      %dma_start3A_39 = tpu.memref_slice %arg6[%mul3A_33, %dma_start3A_38] : memref<80000x128xf32, #tpu.memory_space<hbm>> -> memref<128x128xf32, #tpu.memory_space<hbm>>
      tpu.enqueue_dma source(%arg12 : memref<128x128xf32, #tpu.memory_space<vmem>>) target(%dma_start3A_39 : memref<128x128xf32, #tpu.memory_space<hbm>>) target_semaphore(%run_scoped3A : memref<!tpu.dma_semaphore, #tpu.memory_space<semaphore_mem>>)
      %dma_wait3A_40 = arith.constant 0 : i32
      %dma_wait3A_41 = tpu.memref_slice %arg6[%mul3A_33, %dma_wait3A_40] : memref<80000x128xf32, #tpu.memory_space<hbm>> -> memref<128x128xf32, #tpu.memory_space<hbm>>
      %dma_wait3A_42 = arith.constant 0 : i32
      %dma_wait3A_43 = tpu.memref_slice %arg6[%mul3A_33, %dma_wait3A_42] : memref<80000x128xf32, #tpu.memory_space<hbm>> -> memref<128x128xf32, #tpu.memory_space<hbm>>
      tpu.wait_dma2 semaphore(%run_scoped3A : memref<!tpu.dma_semaphore, #tpu.memory_space<semaphore_mem>>) src(%arg12 : memref<128x128xf32, #tpu.memory_space<vmem>>) dst(%dma_wait3A_43 : memref<128x128xf32, #tpu.memory_space<hbm>>)
      tpu.yield
    }) : () -> ()
    %lt3A = arith.constant 17 : i32
    %lt3A_34 = arith.cmpi slt, %add3A, %lt3A : i32
    %convert_element_type3A = arith.extui %lt3A_34 : i1 to i32
    %cond3A = arith.constant 0 : i32
    %cond3A_35 = arith.cmpi ne, %convert_element_type3A, %cond3A : i32
    scf.if %cond3A_35 {
      %add3A_36 = arith.constant 608 : i32
      %add3A_37 = arith.addi %add3A, %add3A_36 : i32
      %mul3A_38 = arith.constant 128 : i32
      %mul3A_39 = arith.muli %add3A_37, %mul3A_38 : i32
      "tpu.region"() ({
        %run_scoped3A = tpu.sem_alloc : memref<!tpu.dma_semaphore, #tpu.memory_space<semaphore_mem>>
        %dma_start3A_56 = tpu.memref_slice %arg3[%mul3A_39] : memref<80000xi32, #tpu.memory_space<hbm>> -> memref<128xi32, #tpu.memory_space<hbm>>
        %dma_start3A_57 = tpu.memref_slice %arg3[%mul3A_39] : memref<80000xi32, #tpu.memory_space<hbm>> -> memref<128xi32, #tpu.memory_space<hbm>>
        tpu.enqueue_dma source(%dma_start3A_57 : memref<128xi32, #tpu.memory_space<hbm>>) target(%arg7 : memref<128xi32, #tpu.memory_space<vmem>>) target_semaphore(%run_scoped3A : memref<!tpu.dma_semaphore, #tpu.memory_space<semaphore_mem>>)
        %dma_wait3A_58 = tpu.memref_slice %arg3[%mul3A_39] : memref<80000xi32, #tpu.memory_space<hbm>> -> memref<128xi32, #tpu.memory_space<hbm>>
        %dma_wait3A_59 = tpu.memref_slice %arg3[%mul3A_39] : memref<80000xi32, #tpu.memory_space<hbm>> -> memref<128xi32, #tpu.memory_space<hbm>>
        tpu.wait_dma2 semaphore(%run_scoped3A : memref<!tpu.dma_semaphore, #tpu.memory_space<semaphore_mem>>) src(%dma_wait3A_59 : memref<128xi32, #tpu.memory_space<hbm>>) dst(%arg7 : memref<128xi32, #tpu.memory_space<vmem>>)
        tpu.yield
      }) : () -> ()
      "tpu.region"() ({
        %run_scoped3A = tpu.sem_alloc : memref<!tpu.dma_semaphore, #tpu.memory_space<semaphore_mem>>
        %dma_start3A_56 = tpu.memref_slice %arg4[%mul3A_39] : memref<80000xi32, #tpu.memory_space<hbm>> -> memref<128xi32, #tpu.memory_space<hbm>>
        %dma_start3A_57 = tpu.memref_slice %arg4[%mul3A_39] : memref<80000xi32, #tpu.memory_space<hbm>> -> memref<128xi32, #tpu.memory_space<hbm>>
        tpu.enqueue_dma source(%dma_start3A_57 : memref<128xi32, #tpu.memory_space<hbm>>) target(%arg8 : memref<128xi32, #tpu.memory_space<vmem>>) target_semaphore(%run_scoped3A : memref<!tpu.dma_semaphore, #tpu.memory_space<semaphore_mem>>)
        %dma_wait3A_58 = tpu.memref_slice %arg4[%mul3A_39] : memref<80000xi32, #tpu.memory_space<hbm>> -> memref<128xi32, #tpu.memory_space<hbm>>
        %dma_wait3A_59 = tpu.memref_slice %arg4[%mul3A_39] : memref<80000xi32, #tpu.memory_space<hbm>> -> memref<128xi32, #tpu.memory_space<hbm>>
        tpu.wait_dma2 semaphore(%run_scoped3A : memref<!tpu.dma_semaphore, #tpu.memory_space<semaphore_mem>>) src(%dma_wait3A_59 : memref<128xi32, #tpu.memory_space<hbm>>) dst(%arg8 : memref<128xi32, #tpu.memory_space<vmem>>)
        tpu.yield
      }) : () -> ()
      %dma_start3A_40 = arith.constant 0 : i32
      %dma_start3A_41 = arith.constant 0 : i32
      %dma_start3A_42 = tpu.memref_slice %arg2[%dma_start3A_40, %dma_start3A_41] : memref<10000x128xf32, #tpu.memory_space<hbm>> -> memref<10000x128xf32, #tpu.memory_space<hbm>>
      tpu.enqueue_indirect_dma source(%dma_start3A_42 : memref<10000x128xf32, #tpu.memory_space<hbm>>) target(%arg11 : memref<128x128xf32, #tpu.memory_space<vmem>>) offsets(%arg7 : memref<128xi32, #tpu.memory_space<vmem>>) semaphore(%arg15 : memref<!tpu.dma_semaphore, #tpu.memory_space<semaphore_mem>>)
      %dma_start3A_43 = arith.constant 0 : i32
      %dma_start3A_44 = arith.constant 0 : i32
      %dma_start3A_45 = tpu.memref_slice %arg2[%dma_start3A_43, %dma_start3A_44] : memref<10000x128xf32, #tpu.memory_space<hbm>> -> memref<10000x128xf32, #tpu.memory_space<hbm>>
      tpu.enqueue_indirect_dma source(%dma_start3A_45 : memref<10000x128xf32, #tpu.memory_space<hbm>>) target(%arg12 : memref<128x128xf32, #tpu.memory_space<vmem>>) offsets(%arg8 : memref<128xi32, #tpu.memory_space<vmem>>) semaphore(%arg15 : memref<!tpu.dma_semaphore, #tpu.memory_space<semaphore_mem>>)
      %dma_wait3A_46 = arith.constant 0 : i32
      %dma_wait3A_47 = arith.constant 0 : i32
      %dma_wait3A_48 = tpu.memref_slice %arg2[%dma_wait3A_46, %dma_wait3A_47] : memref<10000x128xf32, #tpu.memory_space<hbm>> -> memref<10000x128xf32, #tpu.memory_space<hbm>>
      tpu.wait_indirect_dma semaphore(%arg15 : memref<!tpu.dma_semaphore, #tpu.memory_space<semaphore_mem>>) src(%dma_wait3A_48 : memref<10000x128xf32, #tpu.memory_space<hbm>>) dst(%arg11 : memref<128x128xf32, #tpu.memory_space<vmem>>)
      %dma_wait3A_49 = arith.constant 0 : i32
      %dma_wait3A_50 = arith.constant 0 : i32
      %dma_wait3A_51 = tpu.memref_slice %arg2[%dma_wait3A_49, %dma_wait3A_50] : memref<10000x128xf32, #tpu.memory_space<hbm>> -> memref<10000x128xf32, #tpu.memory_space<hbm>>
      tpu.wait_indirect_dma semaphore(%arg15 : memref<!tpu.dma_semaphore, #tpu.memory_space<semaphore_mem>>) src(%dma_wait3A_51 : memref<10000x128xf32, #tpu.memory_space<hbm>>) dst(%arg12 : memref<128x128xf32, #tpu.memory_space<vmem>>)
      %add3A_52 = arith.constant 608 : i32
      %add3A_53 = arith.addi %add3A, %add3A_52 : i32
      %mul3A_54 = arith.constant 128 : i32
      %mul3A_55 = arith.muli %add3A_53, %mul3A_54 : i32
      "tpu.region"() ({
        %run_scoped3A = tpu.sem_alloc : memref<!tpu.dma_semaphore, #tpu.memory_space<semaphore_mem>>
        %dma_start3A_56 = arith.constant 0 : i32
        %dma_start3A_57 = tpu.memref_slice %arg5[%mul3A_55, %dma_start3A_56] : memref<80000x128xf32, #tpu.memory_space<hbm>> -> memref<128x128xf32, #tpu.memory_space<hbm>>
        %dma_start3A_58 = arith.constant 0 : i32
        %dma_start3A_59 = tpu.memref_slice %arg5[%mul3A_55, %dma_start3A_58] : memref<80000x128xf32, #tpu.memory_space<hbm>> -> memref<128x128xf32, #tpu.memory_space<hbm>>
        tpu.enqueue_dma source(%arg11 : memref<128x128xf32, #tpu.memory_space<vmem>>) target(%dma_start3A_59 : memref<128x128xf32, #tpu.memory_space<hbm>>) target_semaphore(%run_scoped3A : memref<!tpu.dma_semaphore, #tpu.memory_space<semaphore_mem>>)
        %dma_wait3A_60 = arith.constant 0 : i32
        %dma_wait3A_61 = tpu.memref_slice %arg5[%mul3A_55, %dma_wait3A_60] : memref<80000x128xf32, #tpu.memory_space<hbm>> -> memref<128x128xf32, #tpu.memory_space<hbm>>
        %dma_wait3A_62 = arith.constant 0 : i32
        %dma_wait3A_63 = tpu.memref_slice %arg5[%mul3A_55, %dma_wait3A_62] : memref<80000x128xf32, #tpu.memory_space<hbm>> -> memref<128x128xf32, #tpu.memory_space<hbm>>
        tpu.wait_dma2 semaphore(%run_scoped3A : memref<!tpu.dma_semaphore, #tpu.memory_space<semaphore_mem>>) src(%arg11 : memref<128x128xf32, #tpu.memory_space<vmem>>) dst(%dma_wait3A_63 : memref<128x128xf32, #tpu.memory_space<hbm>>)
        tpu.yield
      }) : () -> ()
      "tpu.region"() ({
        %run_scoped3A = tpu.sem_alloc : memref<!tpu.dma_semaphore, #tpu.memory_space<semaphore_mem>>
        %dma_start3A_56 = arith.constant 0 : i32
        %dma_start3A_57 = tpu.memref_slice %arg6[%mul3A_55, %dma_start3A_56] : memref<80000x128xf32, #tpu.memory_space<hbm>> -> memref<128x128xf32, #tpu.memory_space<hbm>>
        %dma_start3A_58 = arith.constant 0 : i32
        %dma_start3A_59 = tpu.memref_slice %arg6[%mul3A_55, %dma_start3A_58] : memref<80000x128xf32, #tpu.memory_space<hbm>> -> memref<128x128xf32, #tpu.memory_space<hbm>>
        tpu.enqueue_dma source(%arg12 : memref<128x128xf32, #tpu.memory_space<vmem>>) target(%dma_start3A_59 : memref<128x128xf32, #tpu.memory_space<hbm>>) target_semaphore(%run_scoped3A : memref<!tpu.dma_semaphore, #tpu.memory_space<semaphore_mem>>)
        %dma_wait3A_60 = arith.constant 0 : i32
        %dma_wait3A_61 = tpu.memref_slice %arg6[%mul3A_55, %dma_wait3A_60] : memref<80000x128xf32, #tpu.memory_space<hbm>> -> memref<128x128xf32, #tpu.memory_space<hbm>>
        %dma_wait3A_62 = arith.constant 0 : i32
        %dma_wait3A_63 = tpu.memref_slice %arg6[%mul3A_55, %dma_wait3A_62] : memref<80000x128xf32, #tpu.memory_space<hbm>> -> memref<128x128xf32, #tpu.memory_space<hbm>>
        tpu.wait_dma2 semaphore(%run_scoped3A : memref<!tpu.dma_semaphore, #tpu.memory_space<semaphore_mem>>) src(%arg12 : memref<128x128xf32, #tpu.memory_space<vmem>>) dst(%dma_wait3A_63 : memref<128x128xf32, #tpu.memory_space<hbm>>)
        tpu.yield
      }) : () -> ()
    } else {
    }
    return
  }
}

#map = affine_map<(d0, d1) -> (0, 0)>
#map1 = affine_map<(d0, d1) -> (0)>
module attributes {stable_mosaic.version = 14 : i64} {
  func.func @k(%arg0: i32, %arg1: i32, %arg2: memref<10000x128xf32, #tpu.memory_space<hbm>>, %arg3: memref<80000xi32, #tpu.memory_space<hbm>>, %arg4: memref<80000xi32, #tpu.memory_space<hbm>>, %arg5: memref<80000x128xf32, #tpu.memory_space<hbm>>, %arg6: memref<80000x128xf32, #tpu.memory_space<hbm>>, %arg7: memref<128xi32, #tpu.memory_space<vmem>>, %arg8: memref<128xi32, #tpu.memory_space<vmem>>, %arg9: memref<128xi32, #tpu.memory_space<vmem>>, %arg10: memref<128xi32, #tpu.memory_space<vmem>>, %arg11: memref<128x128xf32, #tpu.memory_space<vmem>>, %arg12: memref<128x128xf32, #tpu.memory_space<vmem>>, %arg13: memref<128x128xf32, #tpu.memory_space<vmem>>, %arg14: memref<128x128xf32, #tpu.memory_space<vmem>>, %arg15: memref<!tpu.dma_semaphore, #tpu.memory_space<semaphore_mem>>, %arg16: memref<!tpu.dma_semaphore, #tpu.memory_space<semaphore_mem>>) attributes {dimension_semantics = [#tpu.dimension_semantics<core_parallel>, #tpu.dimension_semantics<subcore_parallel>], iteration_bounds = array<i64: 2, 16>, scalar_prefetch = 0 : i64, scratch_operands = 10 : i64, tpu.core_type = #tpu.core_type<sc_vector_subcore>, window_params = [{transform_indices = #map}, {transform_indices = #map1}, {transform_indices = #map1}, {transform_indices = #map}, {transform_indices = #map}]} {
    %mul3A = arith.constant 2 : i32
    %mul3A_0 = arith.muli %arg1, %mul3A : i32
    %add3A = arith.addi %mul3A_0, %arg0 : i32
    %add3A_1 = arith.constant 0 : i32
    %add3A_2 = arith.addi %add3A, %add3A_1 : i32
    %mul3A_3 = arith.constant 128 : i32
    %mul3A_4 = arith.muli %add3A_2, %mul3A_3 : i32
    "tpu.region"() ({
      %run_scoped3A = tpu.sem_alloc : memref<!tpu.dma_semaphore, #tpu.memory_space<semaphore_mem>>
      %dma_start3A_36 = tpu.memref_slice %arg3[%mul3A_4] : memref<80000xi32, #tpu.memory_space<hbm>> -> memref<128xi32, #tpu.memory_space<hbm>>
      %dma_start3A_37 = tpu.memref_slice %arg3[%mul3A_4] : memref<80000xi32, #tpu.memory_space<hbm>> -> memref<128xi32, #tpu.memory_space<hbm>>
      tpu.enqueue_dma source(%dma_start3A_37 : memref<128xi32, #tpu.memory_space<hbm>>) target(%arg7 : memref<128xi32, #tpu.memory_space<vmem>>) target_semaphore(%run_scoped3A : memref<!tpu.dma_semaphore, #tpu.memory_space<semaphore_mem>>)
      %dma_wait3A_38 = tpu.memref_slice %arg3[%mul3A_4] : memref<80000xi32, #tpu.memory_space<hbm>> -> memref<128xi32, #tpu.memory_space<hbm>>
      %dma_wait3A_39 = tpu.memref_slice %arg3[%mul3A_4] : memref<80000xi32, #tpu.memory_space<hbm>> -> memref<128xi32, #tpu.memory_space<hbm>>
      tpu.wait_dma2 semaphore(%run_scoped3A : memref<!tpu.dma_semaphore, #tpu.memory_space<semaphore_mem>>) src(%dma_wait3A_39 : memref<128xi32, #tpu.memory_space<hbm>>) dst(%arg7 : memref<128xi32, #tpu.memory_space<vmem>>)
      tpu.yield
    }) : () -> ()
    "tpu.region"() ({
      %run_scoped3A = tpu.sem_alloc : memref<!tpu.dma_semaphore, #tpu.memory_space<semaphore_mem>>
      %dma_start3A_36 = tpu.memref_slice %arg4[%mul3A_4] : memref<80000xi32, #tpu.memory_space<hbm>> -> memref<128xi32, #tpu.memory_space<hbm>>
      %dma_start3A_37 = tpu.memref_slice %arg4[%mul3A_4] : memref<80000xi32, #tpu.memory_space<hbm>> -> memref<128xi32, #tpu.memory_space<hbm>>
      tpu.enqueue_dma source(%dma_start3A_37 : memref<128xi32, #tpu.memory_space<hbm>>) target(%arg8 : memref<128xi32, #tpu.memory_space<vmem>>) target_semaphore(%run_scoped3A : memref<!tpu.dma_semaphore, #tpu.memory_space<semaphore_mem>>)
      %dma_wait3A_38 = tpu.memref_slice %arg4[%mul3A_4] : memref<80000xi32, #tpu.memory_space<hbm>> -> memref<128xi32, #tpu.memory_space<hbm>>
      %dma_wait3A_39 = tpu.memref_slice %arg4[%mul3A_4] : memref<80000xi32, #tpu.memory_space<hbm>> -> memref<128xi32, #tpu.memory_space<hbm>>
      tpu.wait_dma2 semaphore(%run_scoped3A : memref<!tpu.dma_semaphore, #tpu.memory_space<semaphore_mem>>) src(%dma_wait3A_39 : memref<128xi32, #tpu.memory_space<hbm>>) dst(%arg8 : memref<128xi32, #tpu.memory_space<vmem>>)
      tpu.yield
    }) : () -> ()
    %dma_start3A = arith.constant 0 : i32
    %dma_start3A_5 = arith.constant 0 : i32
    %dma_start3A_6 = tpu.memref_slice %arg2[%dma_start3A, %dma_start3A_5] : memref<10000x128xf32, #tpu.memory_space<hbm>> -> memref<10000x128xf32, #tpu.memory_space<hbm>>
    tpu.enqueue_indirect_dma source(%dma_start3A_6 : memref<10000x128xf32, #tpu.memory_space<hbm>>) target(%arg11 : memref<128x128xf32, #tpu.memory_space<vmem>>) offsets(%arg7 : memref<128xi32, #tpu.memory_space<vmem>>) semaphore(%arg15 : memref<!tpu.dma_semaphore, #tpu.memory_space<semaphore_mem>>)
    %dma_start3A_7 = arith.constant 0 : i32
    %dma_start3A_8 = arith.constant 0 : i32
    %dma_start3A_9 = tpu.memref_slice %arg2[%dma_start3A_7, %dma_start3A_8] : memref<10000x128xf32, #tpu.memory_space<hbm>> -> memref<10000x128xf32, #tpu.memory_space<hbm>>
    tpu.enqueue_indirect_dma source(%dma_start3A_9 : memref<10000x128xf32, #tpu.memory_space<hbm>>) target(%arg12 : memref<128x128xf32, #tpu.memory_space<vmem>>) offsets(%arg8 : memref<128xi32, #tpu.memory_space<vmem>>) semaphore(%arg15 : memref<!tpu.dma_semaphore, #tpu.memory_space<semaphore_mem>>)
    %scan3A = arith.constant 0 : i32
    %scan3A_10 = arith.constant 0 : i32
    %scan3A_11 = arith.constant 9 : i32
    %scan3A_12 = arith.addi %scan3A_10, %scan3A_11 : i32
    %scan3A_13 = arith.constant 1 : i32
    scf.for %scan3A_36 = %scan3A_10 to %scan3A_12 step %scan3A_13  : i32 {
      %mul3A_37 = arith.constant 2 : i32
      %mul3A_38 = arith.muli %mul3A_37, %scan3A_36 : i32
      %add3A_39 = arith.constant 0 : i32
      %add3A_40 = arith.addi %mul3A_38, %add3A_39 : i32
      %add3A_41 = arith.constant 1 : i32
      %add3A_42 = arith.addi %add3A_40, %add3A_41 : i32
      %lt3A_43 = arith.constant 18 : i32
      %lt3A_44 = arith.cmpi slt, %add3A_42, %lt3A_43 : i32
      %convert_element_type3A_45 = arith.extui %lt3A_44 : i1 to i32
      %cond3A_46 = arith.constant 0 : i32
      %cond3A_47 = arith.cmpi ne, %convert_element_type3A_45, %cond3A_46 : i32
      scf.if %cond3A_47 {
        %add3A_81 = arith.constant 1 : i32
        %add3A_82 = arith.addi %add3A_40, %add3A_81 : i32
        %mul3A_83 = arith.constant 32 : i32
        %mul3A_84 = arith.muli %add3A_82, %mul3A_83 : i32
        %add3A_85 = arith.addi %add3A, %mul3A_84 : i32
        %mul3A_86 = arith.constant 128 : i32
        %mul3A_87 = arith.muli %add3A_85, %mul3A_86 : i32
        "tpu.region"() ({
          %run_scoped3A = tpu.sem_alloc : memref<!tpu.dma_semaphore, #tpu.memory_space<semaphore_mem>>
          %dma_start3A_94 = tpu.memref_slice %arg3[%mul3A_87] : memref<80000xi32, #tpu.memory_space<hbm>> -> memref<128xi32, #tpu.memory_space<hbm>>
          %dma_start3A_95 = tpu.memref_slice %arg3[%mul3A_87] : memref<80000xi32, #tpu.memory_space<hbm>> -> memref<128xi32, #tpu.memory_space<hbm>>
          tpu.enqueue_dma source(%dma_start3A_95 : memref<128xi32, #tpu.memory_space<hbm>>) target(%arg9 : memref<128xi32, #tpu.memory_space<vmem>>) target_semaphore(%run_scoped3A : memref<!tpu.dma_semaphore, #tpu.memory_space<semaphore_mem>>)
          %dma_wait3A_96 = tpu.memref_slice %arg3[%mul3A_87] : memref<80000xi32, #tpu.memory_space<hbm>> -> memref<128xi32, #tpu.memory_space<hbm>>
          %dma_wait3A_97 = tpu.memref_slice %arg3[%mul3A_87] : memref<80000xi32, #tpu.memory_space<hbm>> -> memref<128xi32, #tpu.memory_space<hbm>>
          tpu.wait_dma2 semaphore(%run_scoped3A : memref<!tpu.dma_semaphore, #tpu.memory_space<semaphore_mem>>) src(%dma_wait3A_97 : memref<128xi32, #tpu.memory_space<hbm>>) dst(%arg9 : memref<128xi32, #tpu.memory_space<vmem>>)
          tpu.yield
        }) : () -> ()
        "tpu.region"() ({
          %run_scoped3A = tpu.sem_alloc : memref<!tpu.dma_semaphore, #tpu.memory_space<semaphore_mem>>
          %dma_start3A_94 = tpu.memref_slice %arg4[%mul3A_87] : memref<80000xi32, #tpu.memory_space<hbm>> -> memref<128xi32, #tpu.memory_space<hbm>>
          %dma_start3A_95 = tpu.memref_slice %arg4[%mul3A_87] : memref<80000xi32, #tpu.memory_space<hbm>> -> memref<128xi32, #tpu.memory_space<hbm>>
          tpu.enqueue_dma source(%dma_start3A_95 : memref<128xi32, #tpu.memory_space<hbm>>) target(%arg10 : memref<128xi32, #tpu.memory_space<vmem>>) target_semaphore(%run_scoped3A : memref<!tpu.dma_semaphore, #tpu.memory_space<semaphore_mem>>)
          %dma_wait3A_96 = tpu.memref_slice %arg4[%mul3A_87] : memref<80000xi32, #tpu.memory_space<hbm>> -> memref<128xi32, #tpu.memory_space<hbm>>
          %dma_wait3A_97 = tpu.memref_slice %arg4[%mul3A_87] : memref<80000xi32, #tpu.memory_space<hbm>> -> memref<128xi32, #tpu.memory_space<hbm>>
          tpu.wait_dma2 semaphore(%run_scoped3A : memref<!tpu.dma_semaphore, #tpu.memory_space<semaphore_mem>>) src(%dma_wait3A_97 : memref<128xi32, #tpu.memory_space<hbm>>) dst(%arg10 : memref<128xi32, #tpu.memory_space<vmem>>)
          tpu.yield
        }) : () -> ()
        %dma_start3A_88 = arith.constant 0 : i32
        %dma_start3A_89 = arith.constant 0 : i32
        %dma_start3A_90 = tpu.memref_slice %arg2[%dma_start3A_88, %dma_start3A_89] : memref<10000x128xf32, #tpu.memory_space<hbm>> -> memref<10000x128xf32, #tpu.memory_space<hbm>>
        tpu.enqueue_indirect_dma source(%dma_start3A_90 : memref<10000x128xf32, #tpu.memory_space<hbm>>) target(%arg13 : memref<128x128xf32, #tpu.memory_space<vmem>>) offsets(%arg9 : memref<128xi32, #tpu.memory_space<vmem>>) semaphore(%arg16 : memref<!tpu.dma_semaphore, #tpu.memory_space<semaphore_mem>>)
        %dma_start3A_91 = arith.constant 0 : i32
        %dma_start3A_92 = arith.constant 0 : i32
        %dma_start3A_93 = tpu.memref_slice %arg2[%dma_start3A_91, %dma_start3A_92] : memref<10000x128xf32, #tpu.memory_space<hbm>> -> memref<10000x128xf32, #tpu.memory_space<hbm>>
        tpu.enqueue_indirect_dma source(%dma_start3A_93 : memref<10000x128xf32, #tpu.memory_space<hbm>>) target(%arg14 : memref<128x128xf32, #tpu.memory_space<vmem>>) offsets(%arg10 : memref<128xi32, #tpu.memory_space<vmem>>) semaphore(%arg16 : memref<!tpu.dma_semaphore, #tpu.memory_space<semaphore_mem>>)
      } else {
      }
      %dma_wait3A_48 = arith.constant 0 : i32
      %dma_wait3A_49 = arith.constant 0 : i32
      %dma_wait3A_50 = tpu.memref_slice %arg2[%dma_wait3A_48, %dma_wait3A_49] : memref<10000x128xf32, #tpu.memory_space<hbm>> -> memref<10000x128xf32, #tpu.memory_space<hbm>>
      tpu.wait_indirect_dma semaphore(%arg15 : memref<!tpu.dma_semaphore, #tpu.memory_space<semaphore_mem>>) src(%dma_wait3A_50 : memref<10000x128xf32, #tpu.memory_space<hbm>>) dst(%arg11 : memref<128x128xf32, #tpu.memory_space<vmem>>)
      %dma_wait3A_51 = arith.constant 0 : i32
      %dma_wait3A_52 = arith.constant 0 : i32
      %dma_wait3A_53 = tpu.memref_slice %arg2[%dma_wait3A_51, %dma_wait3A_52] : memref<10000x128xf32, #tpu.memory_space<hbm>> -> memref<10000x128xf32, #tpu.memory_space<hbm>>
      tpu.wait_indirect_dma semaphore(%arg15 : memref<!tpu.dma_semaphore, #tpu.memory_space<semaphore_mem>>) src(%dma_wait3A_53 : memref<10000x128xf32, #tpu.memory_space<hbm>>) dst(%arg12 : memref<128x128xf32, #tpu.memory_space<vmem>>)
      %mul3A_54 = arith.constant 32 : i32
      %mul3A_55 = arith.muli %add3A_40, %mul3A_54 : i32
      %add3A_56 = arith.addi %add3A, %mul3A_55 : i32
      %mul3A_57 = arith.constant 128 : i32
      %mul3A_58 = arith.muli %add3A_56, %mul3A_57 : i32
      "tpu.region"() ({
        %run_scoped3A = tpu.sem_alloc : memref<!tpu.dma_semaphore, #tpu.memory_space<semaphore_mem>>
        %dma_start3A_81 = arith.constant 0 : i32
        %dma_start3A_82 = tpu.memref_slice %arg5[%mul3A_58, %dma_start3A_81] : memref<80000x128xf32, #tpu.memory_space<hbm>> -> memref<128x128xf32, #tpu.memory_space<hbm>>
        %dma_start3A_83 = arith.constant 0 : i32
        %dma_start3A_84 = tpu.memref_slice %arg5[%mul3A_58, %dma_start3A_83] : memref<80000x128xf32, #tpu.memory_space<hbm>> -> memref<128x128xf32, #tpu.memory_space<hbm>>
        tpu.enqueue_dma source(%arg11 : memref<128x128xf32, #tpu.memory_space<vmem>>) target(%dma_start3A_84 : memref<128x128xf32, #tpu.memory_space<hbm>>) target_semaphore(%run_scoped3A : memref<!tpu.dma_semaphore, #tpu.memory_space<semaphore_mem>>)
        %dma_wait3A_85 = arith.constant 0 : i32
        %dma_wait3A_86 = tpu.memref_slice %arg5[%mul3A_58, %dma_wait3A_85] : memref<80000x128xf32, #tpu.memory_space<hbm>> -> memref<128x128xf32, #tpu.memory_space<hbm>>
        %dma_wait3A_87 = arith.constant 0 : i32
        %dma_wait3A_88 = tpu.memref_slice %arg5[%mul3A_58, %dma_wait3A_87] : memref<80000x128xf32, #tpu.memory_space<hbm>> -> memref<128x128xf32, #tpu.memory_space<hbm>>
        tpu.wait_dma2 semaphore(%run_scoped3A : memref<!tpu.dma_semaphore, #tpu.memory_space<semaphore_mem>>) src(%arg11 : memref<128x128xf32, #tpu.memory_space<vmem>>) dst(%dma_wait3A_88 : memref<128x128xf32, #tpu.memory_space<hbm>>)
        tpu.yield
      }) : () -> ()
      "tpu.region"() ({
        %run_scoped3A = tpu.sem_alloc : memref<!tpu.dma_semaphore, #tpu.memory_space<semaphore_mem>>
        %dma_start3A_81 = arith.constant 0 : i32
        %dma_start3A_82 = tpu.memref_slice %arg6[%mul3A_58, %dma_start3A_81] : memref<80000x128xf32, #tpu.memory_space<hbm>> -> memref<128x128xf32, #tpu.memory_space<hbm>>
        %dma_start3A_83 = arith.constant 0 : i32
        %dma_start3A_84 = tpu.memref_slice %arg6[%mul3A_58, %dma_start3A_83] : memref<80000x128xf32, #tpu.memory_space<hbm>> -> memref<128x128xf32, #tpu.memory_space<hbm>>
        tpu.enqueue_dma source(%arg12 : memref<128x128xf32, #tpu.memory_space<vmem>>) target(%dma_start3A_84 : memref<128x128xf32, #tpu.memory_space<hbm>>) target_semaphore(%run_scoped3A : memref<!tpu.dma_semaphore, #tpu.memory_space<semaphore_mem>>)
        %dma_wait3A_85 = arith.constant 0 : i32
        %dma_wait3A_86 = tpu.memref_slice %arg6[%mul3A_58, %dma_wait3A_85] : memref<80000x128xf32, #tpu.memory_space<hbm>> -> memref<128x128xf32, #tpu.memory_space<hbm>>
        %dma_wait3A_87 = arith.constant 0 : i32
        %dma_wait3A_88 = tpu.memref_slice %arg6[%mul3A_58, %dma_wait3A_87] : memref<80000x128xf32, #tpu.memory_space<hbm>> -> memref<128x128xf32, #tpu.memory_space<hbm>>
        tpu.wait_dma2 semaphore(%run_scoped3A : memref<!tpu.dma_semaphore, #tpu.memory_space<semaphore_mem>>) src(%arg12 : memref<128x128xf32, #tpu.memory_space<vmem>>) dst(%dma_wait3A_88 : memref<128x128xf32, #tpu.memory_space<hbm>>)
        tpu.yield
      }) : () -> ()
      %mul3A_59 = arith.constant 2 : i32
      %mul3A_60 = arith.muli %mul3A_59, %scan3A_36 : i32
      %add3A_61 = arith.constant 1 : i32
      %add3A_62 = arith.addi %mul3A_60, %add3A_61 : i32
      %add3A_63 = arith.constant 1 : i32
      %add3A_64 = arith.addi %add3A_62, %add3A_63 : i32
      %lt3A_65 = arith.constant 18 : i32
      %lt3A_66 = arith.cmpi slt, %add3A_64, %lt3A_65 : i32
      %convert_element_type3A_67 = arith.extui %lt3A_66 : i1 to i32
      %cond3A_68 = arith.constant 0 : i32
      %cond3A_69 = arith.cmpi ne, %convert_element_type3A_67, %cond3A_68 : i32
      scf.if %cond3A_69 {
        %add3A_81 = arith.constant 1 : i32
        %add3A_82 = arith.addi %add3A_62, %add3A_81 : i32
        %mul3A_83 = arith.constant 32 : i32
        %mul3A_84 = arith.muli %add3A_82, %mul3A_83 : i32
        %add3A_85 = arith.addi %add3A, %mul3A_84 : i32
        %mul3A_86 = arith.constant 128 : i32
        %mul3A_87 = arith.muli %add3A_85, %mul3A_86 : i32
        "tpu.region"() ({
          %run_scoped3A = tpu.sem_alloc : memref<!tpu.dma_semaphore, #tpu.memory_space<semaphore_mem>>
          %dma_start3A_94 = tpu.memref_slice %arg3[%mul3A_87] : memref<80000xi32, #tpu.memory_space<hbm>> -> memref<128xi32, #tpu.memory_space<hbm>>
          %dma_start3A_95 = tpu.memref_slice %arg3[%mul3A_87] : memref<80000xi32, #tpu.memory_space<hbm>> -> memref<128xi32, #tpu.memory_space<hbm>>
          tpu.enqueue_dma source(%dma_start3A_95 : memref<128xi32, #tpu.memory_space<hbm>>) target(%arg7 : memref<128xi32, #tpu.memory_space<vmem>>) target_semaphore(%run_scoped3A : memref<!tpu.dma_semaphore, #tpu.memory_space<semaphore_mem>>)
          %dma_wait3A_96 = tpu.memref_slice %arg3[%mul3A_87] : memref<80000xi32, #tpu.memory_space<hbm>> -> memref<128xi32, #tpu.memory_space<hbm>>
          %dma_wait3A_97 = tpu.memref_slice %arg3[%mul3A_87] : memref<80000xi32, #tpu.memory_space<hbm>> -> memref<128xi32, #tpu.memory_space<hbm>>
          tpu.wait_dma2 semaphore(%run_scoped3A : memref<!tpu.dma_semaphore, #tpu.memory_space<semaphore_mem>>) src(%dma_wait3A_97 : memref<128xi32, #tpu.memory_space<hbm>>) dst(%arg7 : memref<128xi32, #tpu.memory_space<vmem>>)
          tpu.yield
        }) : () -> ()
        "tpu.region"() ({
          %run_scoped3A = tpu.sem_alloc : memref<!tpu.dma_semaphore, #tpu.memory_space<semaphore_mem>>
          %dma_start3A_94 = tpu.memref_slice %arg4[%mul3A_87] : memref<80000xi32, #tpu.memory_space<hbm>> -> memref<128xi32, #tpu.memory_space<hbm>>
          %dma_start3A_95 = tpu.memref_slice %arg4[%mul3A_87] : memref<80000xi32, #tpu.memory_space<hbm>> -> memref<128xi32, #tpu.memory_space<hbm>>
          tpu.enqueue_dma source(%dma_start3A_95 : memref<128xi32, #tpu.memory_space<hbm>>) target(%arg8 : memref<128xi32, #tpu.memory_space<vmem>>) target_semaphore(%run_scoped3A : memref<!tpu.dma_semaphore, #tpu.memory_space<semaphore_mem>>)
          %dma_wait3A_96 = tpu.memref_slice %arg4[%mul3A_87] : memref<80000xi32, #tpu.memory_space<hbm>> -> memref<128xi32, #tpu.memory_space<hbm>>
          %dma_wait3A_97 = tpu.memref_slice %arg4[%mul3A_87] : memref<80000xi32, #tpu.memory_space<hbm>> -> memref<128xi32, #tpu.memory_space<hbm>>
          tpu.wait_dma2 semaphore(%run_scoped3A : memref<!tpu.dma_semaphore, #tpu.memory_space<semaphore_mem>>) src(%dma_wait3A_97 : memref<128xi32, #tpu.memory_space<hbm>>) dst(%arg8 : memref<128xi32, #tpu.memory_space<vmem>>)
          tpu.yield
        }) : () -> ()
        %dma_start3A_88 = arith.constant 0 : i32
        %dma_start3A_89 = arith.constant 0 : i32
        %dma_start3A_90 = tpu.memref_slice %arg2[%dma_start3A_88, %dma_start3A_89] : memref<10000x128xf32, #tpu.memory_space<hbm>> -> memref<10000x128xf32, #tpu.memory_space<hbm>>
        tpu.enqueue_indirect_dma source(%dma_start3A_90 : memref<10000x128xf32, #tpu.memory_space<hbm>>) target(%arg11 : memref<128x128xf32, #tpu.memory_space<vmem>>) offsets(%arg7 : memref<128xi32, #tpu.memory_space<vmem>>) semaphore(%arg15 : memref<!tpu.dma_semaphore, #tpu.memory_space<semaphore_mem>>)
        %dma_start3A_91 = arith.constant 0 : i32
        %dma_start3A_92 = arith.constant 0 : i32
        %dma_start3A_93 = tpu.memref_slice %arg2[%dma_start3A_91, %dma_start3A_92] : memref<10000x128xf32, #tpu.memory_space<hbm>> -> memref<10000x128xf32, #tpu.memory_space<hbm>>
        tpu.enqueue_indirect_dma source(%dma_start3A_93 : memref<10000x128xf32, #tpu.memory_space<hbm>>) target(%arg12 : memref<128x128xf32, #tpu.memory_space<vmem>>) offsets(%arg8 : memref<128xi32, #tpu.memory_space<vmem>>) semaphore(%arg15 : memref<!tpu.dma_semaphore, #tpu.memory_space<semaphore_mem>>)
      } else {
      }
      %dma_wait3A_70 = arith.constant 0 : i32
      %dma_wait3A_71 = arith.constant 0 : i32
      %dma_wait3A_72 = tpu.memref_slice %arg2[%dma_wait3A_70, %dma_wait3A_71] : memref<10000x128xf32, #tpu.memory_space<hbm>> -> memref<10000x128xf32, #tpu.memory_space<hbm>>
      tpu.wait_indirect_dma semaphore(%arg16 : memref<!tpu.dma_semaphore, #tpu.memory_space<semaphore_mem>>) src(%dma_wait3A_72 : memref<10000x128xf32, #tpu.memory_space<hbm>>) dst(%arg13 : memref<128x128xf32, #tpu.memory_space<vmem>>)
      %dma_wait3A_73 = arith.constant 0 : i32
      %dma_wait3A_74 = arith.constant 0 : i32
      %dma_wait3A_75 = tpu.memref_slice %arg2[%dma_wait3A_73, %dma_wait3A_74] : memref<10000x128xf32, #tpu.memory_space<hbm>> -> memref<10000x128xf32, #tpu.memory_space<hbm>>
      tpu.wait_indirect_dma semaphore(%arg16 : memref<!tpu.dma_semaphore, #tpu.memory_space<semaphore_mem>>) src(%dma_wait3A_75 : memref<10000x128xf32, #tpu.memory_space<hbm>>) dst(%arg14 : memref<128x128xf32, #tpu.memory_space<vmem>>)
      %mul3A_76 = arith.constant 32 : i32
      %mul3A_77 = arith.muli %add3A_62, %mul3A_76 : i32
      %add3A_78 = arith.addi %add3A, %mul3A_77 : i32
      %mul3A_79 = arith.constant 128 : i32
      %mul3A_80 = arith.muli %add3A_78, %mul3A_79 : i32
      "tpu.region"() ({
        %run_scoped3A = tpu.sem_alloc : memref<!tpu.dma_semaphore, #tpu.memory_space<semaphore_mem>>
        %dma_start3A_81 = arith.constant 0 : i32
        %dma_start3A_82 = tpu.memref_slice %arg5[%mul3A_80, %dma_start3A_81] : memref<80000x128xf32, #tpu.memory_space<hbm>> -> memref<128x128xf32, #tpu.memory_space<hbm>>
        %dma_start3A_83 = arith.constant 0 : i32
        %dma_start3A_84 = tpu.memref_slice %arg5[%mul3A_80, %dma_start3A_83] : memref<80000x128xf32, #tpu.memory_space<hbm>> -> memref<128x128xf32, #tpu.memory_space<hbm>>
        tpu.enqueue_dma source(%arg13 : memref<128x128xf32, #tpu.memory_space<vmem>>) target(%dma_start3A_84 : memref<128x128xf32, #tpu.memory_space<hbm>>) target_semaphore(%run_scoped3A : memref<!tpu.dma_semaphore, #tpu.memory_space<semaphore_mem>>)
        %dma_wait3A_85 = arith.constant 0 : i32
        %dma_wait3A_86 = tpu.memref_slice %arg5[%mul3A_80, %dma_wait3A_85] : memref<80000x128xf32, #tpu.memory_space<hbm>> -> memref<128x128xf32, #tpu.memory_space<hbm>>
        %dma_wait3A_87 = arith.constant 0 : i32
        %dma_wait3A_88 = tpu.memref_slice %arg5[%mul3A_80, %dma_wait3A_87] : memref<80000x128xf32, #tpu.memory_space<hbm>> -> memref<128x128xf32, #tpu.memory_space<hbm>>
        tpu.wait_dma2 semaphore(%run_scoped3A : memref<!tpu.dma_semaphore, #tpu.memory_space<semaphore_mem>>) src(%arg13 : memref<128x128xf32, #tpu.memory_space<vmem>>) dst(%dma_wait3A_88 : memref<128x128xf32, #tpu.memory_space<hbm>>)
        tpu.yield
      }) : () -> ()
      "tpu.region"() ({
        %run_scoped3A = tpu.sem_alloc : memref<!tpu.dma_semaphore, #tpu.memory_space<semaphore_mem>>
        %dma_start3A_81 = arith.constant 0 : i32
        %dma_start3A_82 = tpu.memref_slice %arg6[%mul3A_80, %dma_start3A_81] : memref<80000x128xf32, #tpu.memory_space<hbm>> -> memref<128x128xf32, #tpu.memory_space<hbm>>
        %dma_start3A_83 = arith.constant 0 : i32
        %dma_start3A_84 = tpu.memref_slice %arg6[%mul3A_80, %dma_start3A_83] : memref<80000x128xf32, #tpu.memory_space<hbm>> -> memref<128x128xf32, #tpu.memory_space<hbm>>
        tpu.enqueue_dma source(%arg14 : memref<128x128xf32, #tpu.memory_space<vmem>>) target(%dma_start3A_84 : memref<128x128xf32, #tpu.memory_space<hbm>>) target_semaphore(%run_scoped3A : memref<!tpu.dma_semaphore, #tpu.memory_space<semaphore_mem>>)
        %dma_wait3A_85 = arith.constant 0 : i32
        %dma_wait3A_86 = tpu.memref_slice %arg6[%mul3A_80, %dma_wait3A_85] : memref<80000x128xf32, #tpu.memory_space<hbm>> -> memref<128x128xf32, #tpu.memory_space<hbm>>
        %dma_wait3A_87 = arith.constant 0 : i32
        %dma_wait3A_88 = tpu.memref_slice %arg6[%mul3A_80, %dma_wait3A_87] : memref<80000x128xf32, #tpu.memory_space<hbm>> -> memref<128x128xf32, #tpu.memory_space<hbm>>
        tpu.wait_dma2 semaphore(%run_scoped3A : memref<!tpu.dma_semaphore, #tpu.memory_space<semaphore_mem>>) src(%arg14 : memref<128x128xf32, #tpu.memory_space<vmem>>) dst(%dma_wait3A_88 : memref<128x128xf32, #tpu.memory_space<hbm>>)
        tpu.yield
      }) : () -> ()
    }
    %scan3A_14 = arith.constant 9 : i32
    %add3A_15 = arith.constant 576 : i32
    %add3A_16 = arith.addi %add3A, %add3A_15 : i32
    %mul3A_17 = arith.constant 128 : i32
    %mul3A_18 = arith.muli %add3A_16, %mul3A_17 : i32
    "tpu.region"() ({
      %run_scoped3A = tpu.sem_alloc : memref<!tpu.dma_semaphore, #tpu.memory_space<semaphore_mem>>
      %dma_start3A_36 = tpu.memref_slice %arg3[%mul3A_18] : memref<80000xi32, #tpu.memory_space<hbm>> -> memref<128xi32, #tpu.memory_space<hbm>>
      %dma_start3A_37 = tpu.memref_slice %arg3[%mul3A_18] : memref<80000xi32, #tpu.memory_space<hbm>> -> memref<128xi32, #tpu.memory_space<hbm>>
      tpu.enqueue_dma source(%dma_start3A_37 : memref<128xi32, #tpu.memory_space<hbm>>) target(%arg7 : memref<128xi32, #tpu.memory_space<vmem>>) target_semaphore(%run_scoped3A : memref<!tpu.dma_semaphore, #tpu.memory_space<semaphore_mem>>)
      %dma_wait3A_38 = tpu.memref_slice %arg3[%mul3A_18] : memref<80000xi32, #tpu.memory_space<hbm>> -> memref<128xi32, #tpu.memory_space<hbm>>
      %dma_wait3A_39 = tpu.memref_slice %arg3[%mul3A_18] : memref<80000xi32, #tpu.memory_space<hbm>> -> memref<128xi32, #tpu.memory_space<hbm>>
      tpu.wait_dma2 semaphore(%run_scoped3A : memref<!tpu.dma_semaphore, #tpu.memory_space<semaphore_mem>>) src(%dma_wait3A_39 : memref<128xi32, #tpu.memory_space<hbm>>) dst(%arg7 : memref<128xi32, #tpu.memory_space<vmem>>)
      tpu.yield
    }) : () -> ()
    "tpu.region"() ({
      %run_scoped3A = tpu.sem_alloc : memref<!tpu.dma_semaphore, #tpu.memory_space<semaphore_mem>>
      %dma_start3A_36 = tpu.memref_slice %arg4[%mul3A_18] : memref<80000xi32, #tpu.memory_space<hbm>> -> memref<128xi32, #tpu.memory_space<hbm>>
      %dma_start3A_37 = tpu.memref_slice %arg4[%mul3A_18] : memref<80000xi32, #tpu.memory_space<hbm>> -> memref<128xi32, #tpu.memory_space<hbm>>
      tpu.enqueue_dma source(%dma_start3A_37 : memref<128xi32, #tpu.memory_space<hbm>>) target(%arg8 : memref<128xi32, #tpu.memory_space<vmem>>) target_semaphore(%run_scoped3A : memref<!tpu.dma_semaphore, #tpu.memory_space<semaphore_mem>>)
      %dma_wait3A_38 = tpu.memref_slice %arg4[%mul3A_18] : memref<80000xi32, #tpu.memory_space<hbm>> -> memref<128xi32, #tpu.memory_space<hbm>>
      %dma_wait3A_39 = tpu.memref_slice %arg4[%mul3A_18] : memref<80000xi32, #tpu.memory_space<hbm>> -> memref<128xi32, #tpu.memory_space<hbm>>
      tpu.wait_dma2 semaphore(%run_scoped3A : memref<!tpu.dma_semaphore, #tpu.memory_space<semaphore_mem>>) src(%dma_wait3A_39 : memref<128xi32, #tpu.memory_space<hbm>>) dst(%arg8 : memref<128xi32, #tpu.memory_space<vmem>>)
      tpu.yield
    }) : () -> ()
    %dma_start3A_19 = arith.constant 0 : i32
    %dma_start3A_20 = arith.constant 0 : i32
    %dma_start3A_21 = tpu.memref_slice %arg2[%dma_start3A_19, %dma_start3A_20] : memref<10000x128xf32, #tpu.memory_space<hbm>> -> memref<10000x128xf32, #tpu.memory_space<hbm>>
    tpu.enqueue_indirect_dma source(%dma_start3A_21 : memref<10000x128xf32, #tpu.memory_space<hbm>>) target(%arg11 : memref<128x128xf32, #tpu.memory_space<vmem>>) offsets(%arg7 : memref<128xi32, #tpu.memory_space<vmem>>) semaphore(%arg15 : memref<!tpu.dma_semaphore, #tpu.memory_space<semaphore_mem>>)
    %dma_start3A_22 = arith.constant 0 : i32
    %dma_start3A_23 = arith.constant 0 : i32
    %dma_start3A_24 = tpu.memref_slice %arg2[%dma_start3A_22, %dma_start3A_23] : memref<10000x128xf32, #tpu.memory_space<hbm>> -> memref<10000x128xf32, #tpu.memory_space<hbm>>
    tpu.enqueue_indirect_dma source(%dma_start3A_24 : memref<10000x128xf32, #tpu.memory_space<hbm>>) target(%arg12 : memref<128x128xf32, #tpu.memory_space<vmem>>) offsets(%arg8 : memref<128xi32, #tpu.memory_space<vmem>>) semaphore(%arg15 : memref<!tpu.dma_semaphore, #tpu.memory_space<semaphore_mem>>)
    %dma_wait3A = arith.constant 0 : i32
    %dma_wait3A_25 = arith.constant 0 : i32
    %dma_wait3A_26 = tpu.memref_slice %arg2[%dma_wait3A, %dma_wait3A_25] : memref<10000x128xf32, #tpu.memory_space<hbm>> -> memref<10000x128xf32, #tpu.memory_space<hbm>>
    tpu.wait_indirect_dma semaphore(%arg15 : memref<!tpu.dma_semaphore, #tpu.memory_space<semaphore_mem>>) src(%dma_wait3A_26 : memref<10000x128xf32, #tpu.memory_space<hbm>>) dst(%arg11 : memref<128x128xf32, #tpu.memory_space<vmem>>)
    %dma_wait3A_27 = arith.constant 0 : i32
    %dma_wait3A_28 = arith.constant 0 : i32
    %dma_wait3A_29 = tpu.memref_slice %arg2[%dma_wait3A_27, %dma_wait3A_28] : memref<10000x128xf32, #tpu.memory_space<hbm>> -> memref<10000x128xf32, #tpu.memory_space<hbm>>
    tpu.wait_indirect_dma semaphore(%arg15 : memref<!tpu.dma_semaphore, #tpu.memory_space<semaphore_mem>>) src(%dma_wait3A_29 : memref<10000x128xf32, #tpu.memory_space<hbm>>) dst(%arg12 : memref<128x128xf32, #tpu.memory_space<vmem>>)
    %add3A_30 = arith.constant 576 : i32
    %add3A_31 = arith.addi %add3A, %add3A_30 : i32
    %mul3A_32 = arith.constant 128 : i32
    %mul3A_33 = arith.muli %add3A_31, %mul3A_32 : i32
    "tpu.region"() ({
      %run_scoped3A = tpu.sem_alloc : memref<!tpu.dma_semaphore, #tpu.memory_space<semaphore_mem>>
      %dma_start3A_36 = arith.constant 0 : i32
      %dma_start3A_37 = tpu.memref_slice %arg5[%mul3A_33, %dma_start3A_36] : memref<80000x128xf32, #tpu.memory_space<hbm>> -> memref<128x128xf32, #tpu.memory_space<hbm>>
      %dma_start3A_38 = arith.constant 0 : i32
      %dma_start3A_39 = tpu.memref_slice %arg5[%mul3A_33, %dma_start3A_38] : memref<80000x128xf32, #tpu.memory_space<hbm>> -> memref<128x128xf32, #tpu.memory_space<hbm>>
      tpu.enqueue_dma source(%arg11 : memref<128x128xf32, #tpu.memory_space<vmem>>) target(%dma_start3A_39 : memref<128x128xf32, #tpu.memory_space<hbm>>) target_semaphore(%run_scoped3A : memref<!tpu.dma_semaphore, #tpu.memory_space<semaphore_mem>>)
      %dma_wait3A_40 = arith.constant 0 : i32
      %dma_wait3A_41 = tpu.memref_slice %arg5[%mul3A_33, %dma_wait3A_40] : memref<80000x128xf32, #tpu.memory_space<hbm>> -> memref<128x128xf32, #tpu.memory_space<hbm>>
      %dma_wait3A_42 = arith.constant 0 : i32
      %dma_wait3A_43 = tpu.memref_slice %arg5[%mul3A_33, %dma_wait3A_42] : memref<80000x128xf32, #tpu.memory_space<hbm>> -> memref<128x128xf32, #tpu.memory_space<hbm>>
      tpu.wait_dma2 semaphore(%run_scoped3A : memref<!tpu.dma_semaphore, #tpu.memory_space<semaphore_mem>>) src(%arg11 : memref<128x128xf32, #tpu.memory_space<vmem>>) dst(%dma_wait3A_43 : memref<128x128xf32, #tpu.memory_space<hbm>>)
      tpu.yield
    }) : () -> ()
    "tpu.region"() ({
      %run_scoped3A = tpu.sem_alloc : memref<!tpu.dma_semaphore, #tpu.memory_space<semaphore_mem>>
      %dma_start3A_36 = arith.constant 0 : i32
      %dma_start3A_37 = tpu.memref_slice %arg6[%mul3A_33, %dma_start3A_36] : memref<80000x128xf32, #tpu.memory_space<hbm>> -> memref<128x128xf32, #tpu.memory_space<hbm>>
      %dma_start3A_38 = arith.constant 0 : i32
      %dma_start3A_39 = tpu.memref_slice %arg6[%mul3A_33, %dma_start3A_38] : memref<80000x128xf32, #tpu.memory_space<hbm>> -> memref<128x128xf32, #tpu.memory_space<hbm>>
      tpu.enqueue_dma source(%arg12 : memref<128x128xf32, #tpu.memory_space<vmem>>) target(%dma_start3A_39 : memref<128x128xf32, #tpu.memory_space<hbm>>) target_semaphore(%run_scoped3A : memref<!tpu.dma_semaphore, #tpu.memory_space<semaphore_mem>>)
      %dma_wait3A_40 = arith.constant 0 : i32
      %dma_wait3A_41 = tpu.memref_slice %arg6[%mul3A_33, %dma_wait3A_40] : memref<80000x128xf32, #tpu.memory_space<hbm>> -> memref<128x128xf32, #tpu.memory_space<hbm>>
      %dma_wait3A_42 = arith.constant 0 : i32
      %dma_wait3A_43 = tpu.memref_slice %arg6[%mul3A_33, %dma_wait3A_42] : memref<80000x128xf32, #tpu.memory_space<hbm>> -> memref<128x128xf32, #tpu.memory_space<hbm>>
      tpu.wait_dma2 semaphore(%run_scoped3A : memref<!tpu.dma_semaphore, #tpu.memory_space<semaphore_mem>>) src(%arg12 : memref<128x128xf32, #tpu.memory_space<vmem>>) dst(%dma_wait3A_43 : memref<128x128xf32, #tpu.memory_space<hbm>>)
      tpu.yield
    }) : () -> ()
    %lt3A = arith.constant 17 : i32
    %lt3A_34 = arith.cmpi slt, %add3A, %lt3A : i32
    %convert_element_type3A = arith.extui %lt3A_34 : i1 to i32
    %cond3A = arith.constant 0 : i32
    %cond3A_35 = arith.cmpi ne, %convert_element_type3A, %cond3A : i32
    scf.if %cond3A_35 {
      %add3A_36 = arith.constant 608 : i32
      %add3A_37 = arith.addi %add3A, %add3A_36 : i32
      %mul3A_38 = arith.constant 128 : i32
      %mul3A_39 = arith.muli %add3A_37, %mul3A_38 : i32
      "tpu.region"() ({
        %run_scoped3A = tpu.sem_alloc : memref<!tpu.dma_semaphore, #tpu.memory_space<semaphore_mem>>
        %dma_start3A_56 = tpu.memref_slice %arg3[%mul3A_39] : memref<80000xi32, #tpu.memory_space<hbm>> -> memref<128xi32, #tpu.memory_space<hbm>>
        %dma_start3A_57 = tpu.memref_slice %arg3[%mul3A_39] : memref<80000xi32, #tpu.memory_space<hbm>> -> memref<128xi32, #tpu.memory_space<hbm>>
        tpu.enqueue_dma source(%dma_start3A_57 : memref<128xi32, #tpu.memory_space<hbm>>) target(%arg7 : memref<128xi32, #tpu.memory_space<vmem>>) target_semaphore(%run_scoped3A : memref<!tpu.dma_semaphore, #tpu.memory_space<semaphore_mem>>)
        %dma_wait3A_58 = tpu.memref_slice %arg3[%mul3A_39] : memref<80000xi32, #tpu.memory_space<hbm>> -> memref<128xi32, #tpu.memory_space<hbm>>
        %dma_wait3A_59 = tpu.memref_slice %arg3[%mul3A_39] : memref<80000xi32, #tpu.memory_space<hbm>> -> memref<128xi32, #tpu.memory_space<hbm>>
        tpu.wait_dma2 semaphore(%run_scoped3A : memref<!tpu.dma_semaphore, #tpu.memory_space<semaphore_mem>>) src(%dma_wait3A_59 : memref<128xi32, #tpu.memory_space<hbm>>) dst(%arg7 : memref<128xi32, #tpu.memory_space<vmem>>)
        tpu.yield
      }) : () -> ()
      "tpu.region"() ({
        %run_scoped3A = tpu.sem_alloc : memref<!tpu.dma_semaphore, #tpu.memory_space<semaphore_mem>>
        %dma_start3A_56 = tpu.memref_slice %arg4[%mul3A_39] : memref<80000xi32, #tpu.memory_space<hbm>> -> memref<128xi32, #tpu.memory_space<hbm>>
        %dma_start3A_57 = tpu.memref_slice %arg4[%mul3A_39] : memref<80000xi32, #tpu.memory_space<hbm>> -> memref<128xi32, #tpu.memory_space<hbm>>
        tpu.enqueue_dma source(%dma_start3A_57 : memref<128xi32, #tpu.memory_space<hbm>>) target(%arg8 : memref<128xi32, #tpu.memory_space<vmem>>) target_semaphore(%run_scoped3A : memref<!tpu.dma_semaphore, #tpu.memory_space<semaphore_mem>>)
        %dma_wait3A_58 = tpu.memref_slice %arg4[%mul3A_39] : memref<80000xi32, #tpu.memory_space<hbm>> -> memref<128xi32, #tpu.memory_space<hbm>>
        %dma_wait3A_59 = tpu.memref_slice %arg4[%mul3A_39] : memref<80000xi32, #tpu.memory_space<hbm>> -> memref<128xi32, #tpu.memory_space<hbm>>
        tpu.wait_dma2 semaphore(%run_scoped3A : memref<!tpu.dma_semaphore, #tpu.memory_space<semaphore_mem>>) src(%dma_wait3A_59 : memref<128xi32, #tpu.memory_space<hbm>>) dst(%arg8 : memref<128xi32, #tpu.memory_space<vmem>>)
        tpu.yield
      }) : () -> ()
      %dma_start3A_40 = arith.constant 0 : i32
      %dma_start3A_41 = arith.constant 0 : i32
      %dma_start3A_42 = tpu.memref_slice %arg2[%dma_start3A_40, %dma_start3A_41] : memref<10000x128xf32, #tpu.memory_space<hbm>> -> memref<10000x128xf32, #tpu.memory_space<hbm>>
      tpu.enqueue_indirect_dma source(%dma_start3A_42 : memref<10000x128xf32, #tpu.memory_space<hbm>>) target(%arg11 : memref<128x128xf32, #tpu.memory_space<vmem>>) offsets(%arg7 : memref<128xi32, #tpu.memory_space<vmem>>) semaphore(%arg15 : memref<!tpu.dma_semaphore, #tpu.memory_space<semaphore_mem>>)
      %dma_start3A_43 = arith.constant 0 : i32
      %dma_start3A_44 = arith.constant 0 : i32
      %dma_start3A_45 = tpu.memref_slice %arg2[%dma_start3A_43, %dma_start3A_44] : memref<10000x128xf32, #tpu.memory_space<hbm>> -> memref<10000x128xf32, #tpu.memory_space<hbm>>
      tpu.enqueue_indirect_dma source(%dma_start3A_45 : memref<10000x128xf32, #tpu.memory_space<hbm>>) target(%arg12 : memref<128x128xf32, #tpu.memory_space<vmem>>) offsets(%arg8 : memref<128xi32, #tpu.memory_space<vmem>>) semaphore(%arg15 : memref<!tpu.dma_semaphore, #tpu.memory_space<semaphore_mem>>)
      %dma_wait3A_46 = arith.constant 0 : i32
      %dma_wait3A_47 = arith.constant 0 : i32
      %dma_wait3A_48 = tpu.memref_slice %arg2[%dma_wait3A_46, %dma_wait3A_47] : memref<10000x128xf32, #tpu.memory_space<hbm>> -> memref<10000x128xf32, #tpu.memory_space<hbm>>
      tpu.wait_indirect_dma semaphore(%arg15 : memref<!tpu.dma_semaphore, #tpu.memory_space<semaphore_mem>>) src(%dma_wait3A_48 : memref<10000x128xf32, #tpu.memory_space<hbm>>) dst(%arg11 : memref<128x128xf32, #tpu.memory_space<vmem>>)
      %dma_wait3A_49 = arith.constant 0 : i32
      %dma_wait3A_50 = arith.constant 0 : i32
      %dma_wait3A_51 = tpu.memref_slice %arg2[%dma_wait3A_49, %dma_wait3A_50] : memref<10000x128xf32, #tpu.memory_space<hbm>> -> memref<10000x128xf32, #tpu.memory_space<hbm>>
      tpu.wait_indirect_dma semaphore(%arg15 : memref<!tpu.dma_semaphore, #tpu.memory_space<semaphore_mem>>) src(%dma_wait3A_51 : memref<10000x128xf32, #tpu.memory_space<hbm>>) dst(%arg12 : memref<128x128xf32, #tpu.memory_space<vmem>>)
      %add3A_52 = arith.constant 608 : i32
      %add3A_53 = arith.addi %add3A, %add3A_52 : i32
      %mul3A_54 = arith.constant 128 : i32
      %mul3A_55 = arith.muli %add3A_53, %mul3A_54 : i32
      "tpu.region"() ({
        %run_scoped3A = tpu.sem_alloc : memref<!tpu.dma_semaphore, #tpu.memory_space<semaphore_mem>>
        %dma_start3A_56 = arith.constant 0 : i32
        %dma_start3A_57 = tpu.memref_slice %arg5[%mul3A_55, %dma_start3A_56] : memref<80000x128xf32, #tpu.memory_space<hbm>> -> memref<128x128xf32, #tpu.memory_space<hbm>>
        %dma_start3A_58 = arith.constant 0 : i32
        %dma_start3A_59 = tpu.memref_slice %arg5[%mul3A_55, %dma_start3A_58] : memref<80000x128xf32, #tpu.memory_space<hbm>> -> memref<128x128xf32, #tpu.memory_space<hbm>>
        tpu.enqueue_dma source(%arg11 : memref<128x128xf32, #tpu.memory_space<vmem>>) target(%dma_start3A_59 : memref<128x128xf32, #tpu.memory_space<hbm>>) target_semaphore(%run_scoped3A : memref<!tpu.dma_semaphore, #tpu.memory_space<semaphore_mem>>)
        %dma_wait3A_60 = arith.constant 0 : i32
        %dma_wait3A_61 = tpu.memref_slice %arg5[%mul3A_55, %dma_wait3A_60] : memref<80000x128xf32, #tpu.memory_space<hbm>> -> memref<128x128xf32, #tpu.memory_space<hbm>>
        %dma_wait3A_62 = arith.constant 0 : i32
        %dma_wait3A_63 = tpu.memref_slice %arg5[%mul3A_55, %dma_wait3A_62] : memref<80000x128xf32, #tpu.memory_space<hbm>> -> memref<128x128xf32, #tpu.memory_space<hbm>>
        tpu.wait_dma2 semaphore(%run_scoped3A : memref<!tpu.dma_semaphore, #tpu.memory_space<semaphore_mem>>) src(%arg11 : memref<128x128xf32, #tpu.memory_space<vmem>>) dst(%dma_wait3A_63 : memref<128x128xf32, #tpu.memory_space<hbm>>)
        tpu.yield
      }) : () -> ()
      "tpu.region"() ({
        %run_scoped3A = tpu.sem_alloc : memref<!tpu.dma_semaphore, #tpu.memory_space<semaphore_mem>>
        %dma_start3A_56 = arith.constant 0 : i32
        %dma_start3A_57 = tpu.memref_slice %arg6[%mul3A_55, %dma_start3A_56] : memref<80000x128xf32, #tpu.memory_space<hbm>> -> memref<128x128xf32, #tpu.memory_space<hbm>>
        %dma_start3A_58 = arith.constant 0 : i32
        %dma_start3A_59 = tpu.memref_slice %arg6[%mul3A_55, %dma_start3A_58] : memref<80000x128xf32, #tpu.memory_space<hbm>> -> memref<128x128xf32, #tpu.memory_space<hbm>>
        tpu.enqueue_dma source(%arg12 : memref<128x128xf32, #tpu.memory_space<vmem>>) target(%dma_start3A_59 : memref<128x128xf32, #tpu.memory_space<hbm>>) target_semaphore(%run_scoped3A : memref<!tpu.dma_semaphore, #tpu.memory_space<semaphore_mem>>)
        %dma_wait3A_60 = arith.constant 0 : i32
        %dma_wait3A_61 = tpu.memref_slice %arg6[%mul3A_55, %dma_wait3A_60] : memref<80000x128xf32, #tpu.memory_space<hbm>> -> memref<128x128xf32, #tpu.memory_space<hbm>>
        %dma_wait3A_62 = arith.constant 0 : i32
        %dma_wait3A_63 = tpu.memref_slice %arg6[%mul3A_55, %dma_wait3A_62] : memref<80000x128xf32, #tpu.memory_space<hbm>> -> memref<128x128xf32, #tpu.memory_space<hbm>>
        tpu.wait_dma2 semaphore(%run_scoped3A : memref<!tpu.dma_semaphore, #tpu.memory_space<semaphore_mem>>) src(%arg12 : memref<128x128xf32, #tpu.memory_space<vmem>>) dst(%dma_wait3A_63 : memref<128x128xf32, #tpu.memory_space<hbm>>)
        tpu.yield
      }) : () -> ()
    } else {
    }
    return
  }
}

module attributes {stable_mosaic.version = 14 : i64} {
  func.func @_mlp_body(%arg0: i32, %arg1: memref<2000x128xf32, #tpu.memory_space<vmem>>, %arg2: memref<2000x128xf32, #tpu.memory_space<vmem>>, %arg3: memref<128x256xbf16, #tpu.memory_space<vmem>>, %arg4: memref<128x256xbf16, #tpu.memory_space<vmem>>, %arg5: memref<1x256xf32, #tpu.memory_space<vmem>>, %arg6: memref<256x128xbf16, #tpu.memory_space<vmem>>, %arg7: memref<1x128xf32, #tpu.memory_space<vmem>>, %arg8: memref<128x1xbf16, #tpu.memory_space<vmem>>, %arg9: memref<1x1xf32, #tpu.memory_space<vmem>>, %arg10: memref<2000x1xf32, #tpu.memory_space<vmem>>) attributes {dimension_semantics = [#tpu.dimension_semantics<arbitrary>], iteration_bounds = array<i64: 40>, scalar_prefetch = 0 : i64, scratch_operands = 0 : i64, tpu.core_type = #tpu.core_type<tc>, window_params = [{transform_indices = @transform_0, window_bounds = array<i64: 2000, 128>}, {transform_indices = @transform_1, window_bounds = array<i64: 2000, 128>}, {pipeline_mode = #tpu.pipeline_mode<synchronous>, transform_indices = @transform_2, window_bounds = array<i64: 128, 256>}, {pipeline_mode = #tpu.pipeline_mode<synchronous>, transform_indices = @transform_3, window_bounds = array<i64: 128, 256>}, {pipeline_mode = #tpu.pipeline_mode<synchronous>, transform_indices = @transform_4, window_bounds = array<i64: 1, 256>}, {pipeline_mode = #tpu.pipeline_mode<synchronous>, transform_indices = @transform_5, window_bounds = array<i64: 256, 128>}, {pipeline_mode = #tpu.pipeline_mode<synchronous>, transform_indices = @transform_6, window_bounds = array<i64: 1, 128>}, {pipeline_mode = #tpu.pipeline_mode<synchronous>, transform_indices = @transform_7, window_bounds = array<i64: 128, 1>}, {pipeline_mode = #tpu.pipeline_mode<synchronous>, transform_indices = @transform_8, window_bounds = array<i64: 1, 1>}, {transform_indices = @transform_9, window_bounds = array<i64: 2000, 1>}]} {
    %get3A = arith.constant 0 : index
    %get3A_0 = arith.constant 0 : index
    %get3A_1 = vector.load %arg1[%get3A, %get3A_0] : memref<2000x128xf32, #tpu.memory_space<vmem>>, vector<2000x128xf32>
    %get3A_2 = arith.constant 0 : index
    %get3A_3 = arith.constant 0 : index
    %get3A_4 = vector.load %arg3[%get3A_2, %get3A_3] : memref<128x256xbf16, #tpu.memory_space<vmem>>, vector<128x256xbf16>
    %dot_general3A = arith.constant dense<0.000000e+00> : vector<2000x256xf32>
    %dot_general3A_5 = tpu.matmul %get3A_1, %get3A_4, %dot_general3A {dimension_numbers = #tpu.dot_dimension_numbers<[1], [0], [0], [1], [0, 0, 1, 1], [], []>, transpose_lhs_hint = false} : vector<2000x128xf32>, vector<128x256xbf16>, vector<2000x256xf32> -> vector<2000x256xf32>
    %get3A_6 = arith.constant 0 : index
    %get3A_7 = arith.constant 0 : index
    %get3A_8 = vector.load %arg2[%get3A_6, %get3A_7] : memref<2000x128xf32, #tpu.memory_space<vmem>>, vector<2000x128xf32>
    %get3A_9 = arith.constant 0 : index
    %get3A_10 = arith.constant 0 : index
    %get3A_11 = vector.load %arg4[%get3A_9, %get3A_10] : memref<128x256xbf16, #tpu.memory_space<vmem>>, vector<128x256xbf16>
    %dot_general3A_12 = arith.constant dense<0.000000e+00> : vector<2000x256xf32>
    %dot_general3A_13 = tpu.matmul %get3A_8, %get3A_11, %dot_general3A_12 {dimension_numbers = #tpu.dot_dimension_numbers<[1], [0], [0], [1], [0, 0, 1, 1], [], []>, transpose_lhs_hint = false} : vector<2000x128xf32>, vector<128x256xbf16>, vector<2000x256xf32> -> vector<2000x256xf32>
    %add3A = arith.addf %dot_general3A_5, %dot_general3A_13 : vector<2000x256xf32>
    %get3A_14 = arith.constant 0 : index
    %get3A_15 = arith.constant 0 : index
    %get3A_16 = vector.load %arg5[%get3A_14, %get3A_15] : memref<1x256xf32, #tpu.memory_space<vmem>>, vector<1x256xf32>
    %add3A_17 = vector.broadcast %get3A_16 : vector<1x256xf32> to vector<2000x256xf32>
    %add3A_18 = arith.addf %add3A, %add3A_17 : vector<2000x256xf32>
    %max3A = arith.constant 0.000000e+00 : f32
    %max3A_19 = vector.broadcast %max3A : f32 to vector<2000x256xf32>
    %max3A_20 = arith.maximumf %add3A_18, %max3A_19 : vector<2000x256xf32>
    %get3A_21 = arith.constant 0 : index
    %get3A_22 = arith.constant 0 : index
    %get3A_23 = vector.load %arg6[%get3A_21, %get3A_22] : memref<256x128xbf16, #tpu.memory_space<vmem>>, vector<256x128xbf16>
    %dot_general3A_24 = arith.constant dense<0.000000e+00> : vector<2000x128xf32>
    %dot_general3A_25 = tpu.matmul %max3A_20, %get3A_23, %dot_general3A_24 {dimension_numbers = #tpu.dot_dimension_numbers<[1], [0], [0], [1], [0, 0, 1, 1], [], []>, transpose_lhs_hint = false} : vector<2000x256xf32>, vector<256x128xbf16>, vector<2000x128xf32> -> vector<2000x128xf32>
    %get3A_26 = arith.constant 0 : index
    %get3A_27 = arith.constant 0 : index
    %get3A_28 = vector.load %arg7[%get3A_26, %get3A_27] : memref<1x128xf32, #tpu.memory_space<vmem>>, vector<1x128xf32>
    %add3A_29 = vector.broadcast %get3A_28 : vector<1x128xf32> to vector<2000x128xf32>
    %add3A_30 = arith.addf %dot_general3A_25, %add3A_29 : vector<2000x128xf32>
    %max3A_31 = arith.constant 0.000000e+00 : f32
    %max3A_32 = vector.broadcast %max3A_31 : f32 to vector<2000x128xf32>
    %max3A_33 = arith.maximumf %add3A_30, %max3A_32 : vector<2000x128xf32>
    %get3A_34 = arith.constant 0 : index
    %get3A_35 = arith.constant 0 : index
    %get3A_36 = vector.load %arg8[%get3A_34, %get3A_35] : memref<128x1xbf16, #tpu.memory_space<vmem>>, vector<128x1xbf16>
    %dot_general3A_37 = arith.constant dense<0.000000e+00> : vector<2000x1xf32>
    %dot_general3A_38 = tpu.matmul %max3A_33, %get3A_36, %dot_general3A_37 {dimension_numbers = #tpu.dot_dimension_numbers<[1], [0], [0], [1], [0, 0, 1, 1], [], []>, transpose_lhs_hint = false} : vector<2000x128xf32>, vector<128x1xbf16>, vector<2000x1xf32> -> vector<2000x1xf32>
    %get3A_39 = arith.constant 0 : index
    %get3A_40 = arith.constant 0 : index
    %get3A_41 = vector.load %arg9[%get3A_39, %get3A_40] : memref<1x1xf32, #tpu.memory_space<vmem>>, vector<1x1xf32>
    %add3A_42 = vector.broadcast %get3A_41 : vector<1x1xf32> to vector<2000x1xf32>
    %add3A_43 = arith.addf %dot_general3A_38, %add3A_42 : vector<2000x1xf32>
    %swap3A = arith.constant 0 : index
    %swap3A_44 = arith.constant 0 : index
    %swap3A_45 = vector.load %arg10[%swap3A, %swap3A_44] : memref<2000x1xf32, #tpu.memory_space<vmem>>, vector<2000x1xf32>
    tpu.vector_store %arg10[%swap3A, %swap3A_44], %add3A_43 {strides = array<i32>} : memref<2000x1xf32, #tpu.memory_space<vmem>>, vector<2000x1xf32>,
    return
  }
  func.func @transform_0(%arg0: i32) -> (i32, i32) {
    %c0_i32 = arith.constant 0 : i32
    %c0_i32_0 = arith.constant 0 : i32
    return %arg0, %c0_i32 : i32, i32
  }
  func.func @transform_1(%arg0: i32) -> (i32, i32) {
    %c0_i32 = arith.constant 0 : i32
    %c0_i32_0 = arith.constant 0 : i32
    return %arg0, %c0_i32 : i32, i32
  }
  func.func @transform_2(%arg0: i32) -> (i32, i32) {
    %c0_i32 = arith.constant 0 : i32
    %c0_i32_0 = arith.constant 0 : i32
    %c0_i32_1 = arith.constant 0 : i32
    return %c0_i32, %c0_i32_0 : i32, i32
  }
  func.func @transform_3(%arg0: i32) -> (i32, i32) {
    %c0_i32 = arith.constant 0 : i32
    %c0_i32_0 = arith.constant 0 : i32
    %c0_i32_1 = arith.constant 0 : i32
    return %c0_i32, %c0_i32_0 : i32, i32
  }
  func.func @transform_4(%arg0: i32) -> (i32, i32) {
    %c0_i32 = arith.constant 0 : i32
    %c0_i32_0 = arith.constant 0 : i32
    %c0_i32_1 = arith.constant 0 : i32
    return %c0_i32, %c0_i32_0 : i32, i32
  }
  func.func @transform_5(%arg0: i32) -> (i32, i32) {
    %c0_i32 = arith.constant 0 : i32
    %c0_i32_0 = arith.constant 0 : i32
    %c0_i32_1 = arith.constant 0 : i32
    return %c0_i32, %c0_i32_0 : i32, i32
  }
  func.func @transform_6(%arg0: i32) -> (i32, i32) {
    %c0_i32 = arith.constant 0 : i32
    %c0_i32_0 = arith.constant 0 : i32
    %c0_i32_1 = arith.constant 0 : i32
    return %c0_i32, %c0_i32_0 : i32, i32
  }
  func.func @transform_7(%arg0: i32) -> (i32, i32) {
    %c0_i32 = arith.constant 0 : i32
    %c0_i32_0 = arith.constant 0 : i32
    %c0_i32_1 = arith.constant 0 : i32
    return %c0_i32, %c0_i32_0 : i32, i32
  }
  func.func @transform_8(%arg0: i32) -> (i32, i32) {
    %c0_i32 = arith.constant 0 : i32
    %c0_i32_0 = arith.constant 0 : i32
    %c0_i32_1 = arith.constant 0 : i32
    return %c0_i32, %c0_i32_0 : i32, i32
  }
  func.func @transform_9(%arg0: i32) -> (i32, i32) {
    %c0_i32 = arith.constant 0 : i32
    %c0_i32_0 = arith.constant 0 : i32
    return %arg0, %c0_i32 : i32, i32
  }
}

</mosaic_0001>

<sc_bundles>
// kernel: kernel.10.cloned.1.call-start
scs
__scs_entry_jumppad:
0x0: {  	(pc) =	sbr.rel $0x88, $3  }
0x1: {  	(tag) =	ssettag $0x0;
	lr =	simm.s32 $0x1  }
0x2: {  	[smem:$0x3F99] =	sst lr;
	_ =	strace $0xD0000000  }
0x3: {  	_ = 	snop  }
0x4: {  	_ = 	snop  }
0x5: {  	_ = 	snop  }
0x6: {  	_ = 	snop  }
0x7: {  	_ = 	snop  }
__scs_overlays_trampoline_lowered:
0x8: {  	[smem:$0x3FA8] =	sst s0  }
0x9: {  	[smem:$0x3FA9] =	sst s1  }
0xa: {  	[smem:$0x3FAA] =	sst s2  }
0xb: {  	[smem:$0x3FAB] =	sst s3  }
0xc: {  	[smem:$0x3FAC] =	sst s4  }
0xd: {  	[smem:$0x3FAD] =	sst s5  }
0xe: {  	[smem:$0x3FAE] =	sst s6  }
0xf: {  	[smem:$0x3FAF] =	sst s7  }
0x10: {  	[smem:$0x3FB0] =	sst s8  }
0x11: {  	[smem:$0x3FB1] =	sst s9;
	s0 =	simm.s32 @!p0 $0x0  }
0x12: {  	s1 =	sld [smem:$0x3F97];
	s0 =	simm.s32 @p0 $0x1  }
0x13: {  	[smem:$0x3FB2] =	sst s0;
	s0 =	simm.s32 @!p1 $0x0  }
0x14: {  	s2 =	sld [smem:$0x3F96];
	s0 =	simm.s32 @p1 $0x1  }
0x15: {  	[smem:$0x3FB3] =	sst s0;
	s0 =	simm.s32 @!p2 $0x0  }
0x16: {  	s3 =	sld [smem:$0x3FDB];
	s0 =	simm.s32 @p2 $0x1  }
0x17: {  	s4 =	simm.s32 $0x1BF5;
	[smem:$0x3FB5] =	sst s0  }
0x18: {  	s0 =	sld [smem:$0x3F98];
	_ =	swait.ge [sflag:s4], $0x0  }
0x19: {  	s7 =	sld [smem:$0x3F99]  }
0x1a: {  	s8 =	sadd.s32 $0xFFFFE003, lr  }
0x1b: {  	s9 =	sadd.s32 $0xFFFFFEF7, lr;
	s5 =	simm.s32 $0xFFFFFFFF;
	p2 =	slt.u32 s8, $0xFFFFF086  }
0x1c: {  	p1 =	slt.u32 s9, $0xF7A;
	s5 =	simm.s32 @!p2 $0x0  }
0x1d: {  	s5 =	simm.s32 @p1 $0x1;
	p0 =	seq.s32 s7, s2  }
0x1e: {  	s7 =	smul.u32 @!p0 $0xF7A, s2;
	p2 =	seq.s32 @!p0 s5, $0x0  }
0x1f: {  	s9 =	smul.u32 $0xF7A, s1;
	s8 =	simm.s32 @!p0 $0x1BF5;
	p2 =	por !p2, p0  }
0x20: {  	[sflag:s8] =	ssyncset.s32 @!p0 $0xFFFFF086;
	s6 =	sadd.s32 @!p0 s3, s7;
	s7 =	simm.s32 @!p0 $0x108  }
0x21: {  	s3 =	sadd.s32 s3, s9;
	s6 =	sadd.s32 @!p0 $0x88, s6;
	s7 =	simm.s32 @p2 $0x1082  }
0x22: {  	[simem:s7], [sflag:s8] =	dma.local @!p0 [hbm:s6], $0xF7A  }
0x23: {  	s9 =	sor.u32 $0xD0000000, s2;
	s6 =	simm.s32 $0x108;
	_ =	swait.ge @!p0 [sflag:s8], $0x0  }
0x24: {  	s3 =	sadd.s32 $0x88, s3;
	s6 =	simm.s32 @!p1 $0x1082;
	[sflag:s4] =	ssyncset.s32 $0xFFFFF086  }
0x25: {  	[simem:s6], [sflag:s4] =	dma.local [hbm:s3], $0xF7A  }
0x26: {  	[smem:$0x3F99] =	sst s1;
	(tag) =	ssettag s2;
	_ =	strace s9  }
0x27: {  	s1 =	sld [smem:$0x3FA9]  }
0x28: {  	s2 =	sld [smem:$0x3FAA]  }
0x29: {  	s4 =	sld [smem:$0x3FAC]  }
0x2a: {  	p0 =	seq.s32 s5, $0x0;
	s5 =	sld [smem:$0x3FAD]  }
0x2b: {  	s6 =	sld [smem:$0x3FAE]  }
0x2c: {  	s7 =	sld [smem:$0x3FAF]  }
0x2d: {  	s3 =	simm.s32 $0x108;
	s8 =	sld [smem:$0x3FB0]  }
0x2e: {  	s3 =	simm.s32 @!p0 $0x1082;
	s9 =	sld [smem:$0x3FB1]  }
0x2f: {  	lr =	sadd.s32 s0, s3;
	s0 =	sld [smem:$0x3FA8]  }
0x30: {  	s3 =	sld [smem:$0x3FAB]  }
0x31: {  	[smem:$0x3FB4] =	sst s10  }
0x32: {  	s10 =	sld [smem:$0x3FB2];
	_ =	sdelay $0x3  }
0x33: {  	p0 =	seq.s32 s10, $0x1;
	s10 =	sld [smem:$0x3FB4];
	_ =	sdelay $0x3  }
0x34: {  	[smem:$0x3FB4] =	sst s10  }
0x35: {  	s10 =	sld [smem:$0x3FB3];
	_ =	sdelay $0x3  }
0x36: {  	p1 =	seq.s32 s10, $0x1;
	s10 =	sld [smem:$0x3FB4];
	_ =	sdelay $0x3  }
0x37: {  	[smem:$0x3FB4] =	sst s10  }
0x38: {  	s10 =	sld [smem:$0x3FB5]  }
0x39: {  	_ = 	snop;
	(pc) =	sbr.ind lr, $3  }
0x3a: {  	_ = 	snop  }
0x3b: {  	_ = 	snop  }
0x3c: {  	p2 =	seq.s32 s10, $0x1;
	s10 =	sld [smem:$0x3FB4]  }
0x3d: {  	_ =	shalt  }
0x3e: {  	_ =	shalt  }
0x3f: {  	_ =	shalt  }
0x40: {  	_ =	shalt  }
0x41: {  	_ =	shalt  }
0x42: {  	_ =	shalt  }
0x43: {  	_ =	shalt  }
0x44: {  	_ =	shalt  }
0x45: {  	_ =	shalt  }
0x46: {  	_ =	shalt  }
0x47: {  	_ =	shalt  }
0x48: {  	_ =	shalt  }
0x49: {  	_ =	shalt  }
0x4a: {  	_ =	shalt  }
0x4b: {  	_ =	shalt  }
0x4c: {  	_ =	shalt  }
0x4d: {  	_ =	shalt  }
0x4e: {  	_ =	shalt  }
0x4f: {  	_ =	shalt  }
0x50: {  	_ =	shalt  }
0x51: {  	_ =	shalt  }
0x52: {  	_ =	shalt  }
0x53: {  	_ =	shalt  }
0x54: {  	_ =	shalt  }
0x55: {  	_ =	shalt  }
0x56: {  	_ =	shalt  }
0x57: {  	_ =	shalt  }
0x58: {  	_ =	shalt  }
0x59: {  	_ =	shalt  }
0x5a: {  	_ =	shalt  }
0x5b: {  	_ =	shalt  }
0x5c: {  	_ =	shalt  }
0x5d: {  	_ =	shalt  }
0x5e: {  	_ =	shalt  }
0x5f: {  	_ =	shalt  }
0x60: {  	_ =	shalt  }
0x61: {  	_ =	shalt  }
0x62: {  	_ =	shalt  }
0x63: {  	_ =	shalt  }
0x64: {  	_ =	shalt  }
0x65: {  	_ =	shalt  }
0x66: {  	_ =	shalt  }
0x67: {  	_ =	shalt  }
0x68: {  	_ =	shalt  }
0x69: {  	_ =	shalt  }
0x6a: {  	_ =	shalt  }
0x6b: {  	_ =	shalt  }
0x6c: {  	_ =	shalt  }
0x6d: {  	_ =	shalt  }
0x6e: {  	_ =	shalt  }
0x6f: {  	_ =	shalt  }
0x70: {  	_ =	shalt  }
0x71: {  	_ =	shalt  }
0x72: {  	_ =	shalt  }
0x73: {  	_ =	shalt  }
0x74: {  	_ =	shalt  }
0x75: {  	_ =	shalt  }
0x76: {  	_ =	shalt  }
0x77: {  	_ =	shalt  }
0x78: {  	_ =	shalt  }
0x79: {  	_ =	shalt  }
0x7a: {  	_ =	shalt  }
0x7b: {  	_ =	shalt  }
0x7c: {  	_ =	shalt  }
0x7d: {  	_ =	shalt  }
0x7e: {  	_ =	shalt  }
0x7f: {  	_ =	shalt  }
0x80: {  	_ =	shalt  }
0x81: {  	_ =	shalt  }
0x82: {  	_ =	shalt  }
0x83: {  	_ =	shalt  }
0x84: {  	_ =	shalt  }
0x85: {  	_ =	shalt  }
0x86: {  	_ =	shalt  }
0x87: {  	_ =	shalt  }
.Lfunc_end0:
.L_simem_size_0:
called_computation_lowered:
.L_overlay_start_0:
0x88: {  	s2 =	sld [smem:$0x3FD9]  }
0x89: {  	s3 =	sld [smem:$0x3FFE];
	_ =	sdelay $0x1  }
0x8a: {  	s1 =	srdreg.scid  }
0x8b: {  	s0 =	sand.u32 $0x1, s1  }
0x8c: {  	s17 =	sshll.u32 s0, $0xA;
	s2 =	sadd.s32 s3, s2  }
0x8d: {  	s2 =	sadd.s32 s2, s17  }
0x8e: {  	[smem:$0x3FC0] =	sst s2  }
0x8f: {  	_ = 	snop  }
0x90: {  	s2 =	sld [smem:$0x3FC9]  }
0x91: {  	s18 =	sld [smem:$0x3FD0];
	(tm) =	ssettm $0x1  }
0x92: {  	s4 =	sld [smem:$0x3FFB];
	_ =	sdelay $0x3  }
0x93: {  	_ =	strace s4  }
0x94: {  	s4 =	sld [smem:$0x3FFC];
	_ =	sdelay $0x3  }
0x95: {  	_ =	strace s4  }
0x96: {  	s4 =	sld [smem:$0x3FFD];
	_ =	sdelay $0x3  }
0x97: {  	_ =	strace s4  }
0x98: {  	_ =	strace $0x8FFFFFFF  }
0x99: {  	s19 =	sld [smem:$0x3FDB];
	_ =	sdelay $0x1  }
0x9a: {  	s5 =	simm.s32 $_scs_section_size  }
0x9b: {  	s6 =	simm.s32 $_size__tile_overlayer_lowered;
	s7 =	simm.s32 $_tile_overlayer_lowered  }
0x9c: {  	s22 =	simm.s32 $0x1BFF;
	s21 =	sshll.u32 s7, $0x1;
	s4 =	sadd.s32 s5, s19  }
0x9d: {  	s8 =	simm.s32 $0x0;
	s20 =	sshll.u32 s6, $0x1;
	s6 =	sadd.s32 s21, s4  }
0x9e: {  	[timem:s8], [sflag:s22] =	dma.local [hbm:s6], s20  }
0x9f: {  	_ =	swait.ge [sflag:s22], s20  }
0xa0: {  	s5 =	ssub.s32 $0x0, s20;
	[sflag:s22] =	ssyncset.done $0x0  }
0xa1: {  	[sflag:s22] =	ssyncadd.s32 s5;
	_ =	sdelay $0x1  }
0xa2: {  	s23 =	simm.s32 $0x1B8B  }
0xa3: {  	_ =	swait.ge [sflag:s23], $0x1  }
0xa4: {  	[sflag:s23] =	ssyncset.done $0x0  }
0xa5: {  	s25 =	simm.s32 $0x1B8E;
	s24 =	sld [smem:$0x3FFE];
	[sflag:s23] =	ssyncadd.s32 $0xFFFFFFFF  }
0xa6: {  	s26 =	simm.s32 $execute0_lowered;
	[smem:$0x3FD2] =	sst s25  }
0xa7: {  	s6 =	sshll.u32 s26, $0x1;
	_ =	strace $0x80000046;
	[dreg:$0x1] =	wrdreg $0xFFFFFFFF  }
0xa8: {  	s28 =	simm.s32 $_size_execute0_lowered;
	s4 =	sadd.s32 s4, s6;
	[dreg:$0x0] =	wrdreg $0x0  }
0xa9: {  	s6 =	sshll.u32 s28, $0x1;
	[dreg:$0x2] =	wrdreg s4  }
0xaa: {  	[dreg:$0x3] =	wrdreg s6  }
0xab: {  	[dreg:$0x4] =	wrdreg $0xC0  }
0xac: {  	_ =	task [dreg:s8], $0x5FFFF  }
0xad: {  	[dreg:$0x1] =	wrdreg $0xFFFFFFFF  }
0xae: {  	[dreg:$0x0] =	wrdreg $0x60  }
0xaf: {  	[dreg:$0x2] =	wrdreg s2  }
0xb0: {  	[dreg:$0x3] =	wrdreg s24  }
0xb1: {  	[dreg:$0x4] =	wrdreg s18  }
0xb2: {  	[dreg:$0x5] =	wrdreg $0x9  }
0xb3: {  	_ =	task.clear_ibuf [dreg:s8], $0x6FFFF;
	_ =	strace $0x90000046  }
0xb4: {  	s29 =	simm.s32 $0x9;
	_ =	strace $0x80000048  }
0xb5: {  	_ =	swait.ge [sflag:s29], $0x1  }
0xb6: {  	[sflag:s29] =	ssyncadd.s32 $0xFFFFFFFF  }
0xb7: {  	_ =	strace $0x90000048  }
0xb8: {  	_ =	sfence  }
0xb9: {  	s30 =	sld [smem:$0x0];
	_ =	sdelay $0x2  }
0xba: {  	s31 =	sshll.u32 s1, $0xD;
	s1 =	sshrl.u32 s1, $0x2  }
0xbb: {  	s3 =	sand.u32 $0x4000, s31;
	s1 =	sadd.s32 s1, s30  }
0xbc: {  	s0 =	sor.u32 s3, s0;
	s1 =	sshll.u32 s1, $0x11  }
0xbd: {  	s0 =	sor.u32 s1, s0  }
0xbe: {  	s0 =	sadd.s32 $0x8F2B, s0  }
0xbf: {  	[sflag:s0] =	ssyncadd.remote.s32 $0x1  }
0xc0: {  	_ =	sfence.sel $0xFFFF  }
0xc1: {  	[dreg:$0x0] =	wrdreg $0xFFFFFFFF;
	(pc) =	sbr.abs _section_cstart, $3  }
0xc2: {  	[dreg:$0x1] =	wrdreg $0xFFFFFFFF  }
0xc3: {  	_ =	task.clear_ibuf [dreg:s8], $0x2FFFF;
	_ =	strace $0x9FFFFFFF  }
0xc4: {  	(tm) =	ssettm $0x7FFFFFFF  }
0xc5: {  	_ =	shalt  }
tec
execute0_lowered:
.L_overlay_start_1:
0x0: {  	(tag) =	ssettag $0x1  }
0x1: {  	s1 =	rddreg [dreg:$0x0]  }
0x2: {  	s0 =	rddreg [dreg:$0x1]  }
0x3: {  	s2 =	rddreg [dreg:$0x2];
	s3 =	simm.s32 $0x0  }
0x4: {  	s4 =	srdreg.scid;
	s20 =	stileid.u32;
	s28 =	simm.s32 $0x1  }
0x5: {  	s29 =	simm.s32 $0x2;
	s30 =	simm.s32 $0x0;
	[smem:$0x7FF] =	sst s3  }
0x6: {  	s4 =	sand.u32 $0x1, s4;
	s5 =	sshll.u32 s20, $0x1;
	s16 =	sadd.s32 $0x11800, s0  }
0x7: {  	s17 =	sadd.s32 $0x14A000, s0;
	s18 =	sshll.u32 s20, $0x5;
	s26 =	sshll.u32 s20, $0xC  }
0x8: {  	s20 =	simm.s32 $0x80;
	_ =	strace $0x80000047;
	s5 =	sor.u32 s4, s5  }
0x9: {  	s6 =	ssub.s32 $0x2, s4;
	s25 =	sadd.s32 s18, s2;
	s31 =	sadd.s32 s26, s16  }
0xa: {  	s8 =	sshll.u32 s5, $0x7;
	s7 =	sshrl.u32 s6, $0x1;
	s19 =	sshll.u32 s5, $0x4  }
0xb: {  	p0 =	sgt.u32 s5, $0x10;
	s9 =	sor.u32 $0x12000, s8;
	s14 =	ssub.s32 s6, s7  }
0xc: {  	s10 =	sadd.s32 s0, s19;
	s6 =	sadd.s32 s2, s19;
	s12 =	sor.u32 $0x13000, s8  }
0xd: {  	s19 =	sshll.u32 s4, $0x4;
	s4 =	sshll.u32 s4, $0xB;
	[dreg:$0x4] =	wrdreg s10  }
0xe: {  	s21 =	sshrl.u32 s9, $0x3;
	[dreg:$0x5] =	wrdreg s6;
	s9 =	sshll.u32 s9, $0x4  }
0xf: {  	s11 =	sshrl.u32 s12, $0x3;
	s13 =	sshll.u32 s12, $0x4;
	s14 =	smax.u32 s14, $0x1  }
0x10: {  	s22 =	sadd.s32 s0, s21;
	s23 =	sadd.s32 s2, s21;
	s24 =	sadd.s32 s16, s9  }
0x11: {  	s9 =	sadd.s32 s17, s9;
	s10 =	sadd.s32 s0, s11;
	s11 =	sadd.s32 s2, s11  }
0x12: {  	s12 =	sadd.s32 s16, s13;
	s13 =	sadd.s32 s17, s13;
	s0 =	sadd.s32 s18, s0  }
0x13: {  	s2 =	sadd.s32 s26, s17;
	s16 =	sadd.s32 s19, s25;
	[dreg:$0x6] =	wrdreg s22  }
0x14: {  	s17 =	sadd.s32 s4, s31;
	s21 =	simm.s32 $0x200;
	[dreg:$0x7] =	wrdreg s23  }
0x15: {  	s25 =	simm.s32 $0x8200;
	s26 =	simm.s32 $0xC200;
	[dreg:$0x8] =	wrdreg s24  }
0x16: {  	s15 =	sadd.s32 s19, s0;
	s18 =	sadd.s32 s4, s2;
	s19 =	simm.s32 $0x3  }
0x17: {  	s22 =	simm.s32 $0x4200;
	s23 =	simm.s32 $0x100;
	s24 =	simm.s32 $0x180  }
.LBB2_1:
0x18: {  	s0 =	rddreg [dreg:$0x4]  }
0x19: {  	[tilespmem:s3], [sflag:$0x3] =	stream.linear.gather [hbm4b:s0+s3], $0x80, $0x38;
	[tilespmem:$0x10200] =	vst v63  }
0x1a: {  	_ =	swait.ge [sflag:s19], $0x80  }
0x1b: {  	[sflag:s19] =	ssyncset.done $0x0  }
0x1c: {  	s4 =	rddreg [dreg:$0x5];
	[sflag:s19] =	ssyncadd.s32 $0xFFFFFF80  }
0x1d: {  	[tilespmem:s20], [sflag:$0x3] =	stream.linear.gather [hbm4b:s4+s3], $0x80, $0x38;
	[tilespmem:$0x10200] =	vst v63  }
0x1e: {  	_ =	swait.ge [sflag:s19], $0x80  }
0x1f: {  	[sflag:s19] =	ssyncset.done $0x0  }
0x20: {  	[sflag:s19] =	ssyncadd.s32 $0xFFFFFF80  }
0x21: {  	[tilespmem:s21], [sflag:$0x1] =	stream.indirect.gather [hbm4b:s1+s20], $0x80, s3, s20, $0xb8;
	[tilespmem:$0x10200] =	vst v63  }
0x22: {  	s5 =	sadd.s32 $0x0, s15  }
0x23: {  	[tilespmem:s22], [sflag:$0x1] =	stream.indirect.gather [hbm4b:s1+s20], $0x80, s20, s20, $0xb8;
	[tilespmem:$0x10200] =	vst v63  }
0x24: {  	s0 =	sadd.s32 $0x200, s5  }
0x25: {  	[tilespmem:s23], [sflag:$0x3] =	stream.linear.gather [hbm4b:s0+s3], $0x80, $0x38;
	[tilespmem:$0x10200] =	vst v63  }
0x26: {  	_ =	swait.ge [sflag:s19], $0x80  }
0x27: {  	s6 =	sadd.s32 $0x0, s16;
	[sflag:s19] =	ssyncset.done $0x0  }
0x28: {  	s0 =	sadd.s32 $0x200, s6;
	[sflag:s19] =	ssyncadd.s32 $0xFFFFFF80  }
0x29: {  	[tilespmem:s24], [sflag:$0x3] =	stream.linear.gather [hbm4b:s0+s3], $0x80, $0x38;
	[tilespmem:$0x10200] =	vst v63  }
0x2a: {  	_ =	swait.ge [sflag:s19], $0x80  }
0x2b: {  	[sflag:s19] =	ssyncset.done $0x0  }
0x2c: {  	[sflag:s19] =	ssyncadd.s32 $0xFFFFFF80  }
0x2d: {  	[tilespmem:s25], [sflag:$0x2] =	stream.indirect.gather [hbm4b:s1+s20], $0x80, s23, s20, $0xb8;
	[tilespmem:$0x10200] =	vst v63  }
0x2e: {  	_ = 	snop  }
0x2f: {  	[tilespmem:s26], [sflag:$0x2] =	stream.indirect.gather [hbm4b:s1+s20], $0x80, s24, s20, $0xb8;
	[tilespmem:$0x10200] =	vst v63  }
0x30: {  	_ =	swait.ge [sflag:s28], $0x4000  }
0x31: {  	[sflag:s28] =	ssyncset.done $0x0  }
0x32: {  	[sflag:s28] =	ssyncadd.s32 $0xFFFFC000  }
0x33: {  	_ =	swait.ge [sflag:s28], $0x4000  }
0x34: {  	[sflag:s28] =	ssyncset.done $0x0  }
0x35: {  	[sflag:s28] =	ssyncadd.s32 $0xFFFFC000  }
0x36: {  	[hbm4b:s17+s3] =	stream.linear.scatter [tilespmem:s21], [sflag:$0x3], $0x4000, $0x38;
	[tilespmem:$0x10200] =	vst v63  }
0x37: {  	_ =	swait.ge [sflag:s19], $0x4000  }
0x38: {  	[sflag:s19] =	ssyncset.done $0x0  }
0x39: {  	[sflag:s19] =	ssyncadd.s32 $0xFFFFC000  }
0x3a: {  	[hbm4b:s18+s3] =	stream.linear.scatter [tilespmem:s22], [sflag:$0x3], $0x4000, $0x38;
	[tilespmem:$0x10200] =	vst v63  }
0x3b: {  	p1 =	por $0x0, $0x0;
	_ =	swait.ge [sflag:s19], $0x4000  }
0x3c: {  	s2 =	simm.s32 @!p1 $0x3;
	s0 =	sadd.s32 @!p1 $0x0, s15;
	[sflag:s19] =	ssyncset.done $0x0  }
0x3d: {  	s4 =	simm.s32 @!p1 $0x0;
	s0 =	sadd.s32 @!p1 $0x400, s0;
	[sflag:s19] =	ssyncadd.s32 $0xFFFFC000  }
0x3e: {  	[tilespmem:s4], [sflag:$0x3] =	stream.linear.gather @!p1 [hbm4b:s0+s4], $0x80, $0x38;
	[tilespmem:$0x10200] =	vst v63  }
0x3f: {  	_ =	swait.ge @!p1 [sflag:s2], $0x80  }
0x40: {  	s0 =	sadd.s32 @!p1 $0x0, s16;
	[sflag:s2] =	ssyncset.done @!p1 $0x0  }
0x41: {  	s5 =	simm.s32 @!p1 $0x80;
	s0 =	sadd.s32 @!p1 $0x400, s0;
	[sflag:s2] =	ssyncadd.s32 @!p1 $0xFFFFFF80  }
0x42: {  	[tilespmem:s5], [sflag:$0x3] =	stream.linear.gather @!p1 [hbm4b:s0+s4], $0x80, $0x38;
	[tilespmem:$0x10200] =	vst v63  }
0x43: {  	_ =	swait.ge @!p1 [sflag:s2], $0x80  }
0x44: {  	[sflag:s2] =	ssyncset.done @!p1 $0x0  }
0x45: {  	s0 =	simm.s32 @!p1 $0x200;
	[sflag:s2] =	ssyncadd.s32 @!p1 $0xFFFFFF80  }
0x46: {  	[tilespmem:s0], [sflag:$0x1] =	stream.indirect.gather @!p1 [hbm4b:s1+s5], $0x80, s4, s5, $0xb8;
	[tilespmem:$0x10200] =	vst v63  }
0x47: {  	s0 =	simm.s32 @!p1 $0x4200  }
0x48: {  	[tilespmem:s0], [sflag:$0x1] =	stream.indirect.gather @!p1 [hbm4b:s1+s5], $0x80, s5, s5, $0xb8;
	[tilespmem:$0x10200] =	vst v63  }
0x49: {  	_ =	swait.ge [sflag:s29], $0x4000  }
0x4a: {  	[sflag:s29] =	ssyncset.done $0x0  }
0x4b: {  	[sflag:s29] =	ssyncadd.s32 $0xFFFFC000  }
0x4c: {  	_ =	swait.ge [sflag:s29], $0x4000  }
0x4d: {  	[sflag:s29] =	ssyncset.done $0x0  }
0x4e: {  	s7 =	sadd.s32 $0x10000, s17;
	[sflag:s29] =	ssyncadd.s32 $0xFFFFC000  }
0x4f: {  	[hbm4b:s7+s3] =	stream.linear.scatter [tilespmem:s25], [sflag:$0x3], $0x4000, $0x38;
	[tilespmem:$0x10200] =	vst v63  }
0x50: {  	_ =	swait.ge [sflag:s19], $0x4000  }
0x51: {  	[sflag:s19] =	ssyncset.done $0x0  }
0x52: {  	s8 =	sadd.s32 $0x10000, s18;
	s31 =	sadd.s32 $0x20000, s18;
	[sflag:s19] =	ssyncadd.s32 $0xFFFFC000  }
0x53: {  	[hbm4b:s8+s3] =	stream.linear.scatter [tilespmem:s26], [sflag:$0x3], $0x4000, $0x38;
	[tilespmem:$0x10200] =	vst v63  }
0x54: {  	s2 =	simm.s32 $0x400;
	s4 =	simm.s32 $0x800;
	_ =	swait.ge [sflag:s19], $0x4000  }
0x55: {  	s5 =	sadd.s32 $0x400, s15;
	s0 =	sadd.s32 $0x20000, s17;
	[sflag:s19] =	ssyncset.done $0x0  }
.LBB2_2:
0x56: {  	s6 =	sadd.s32 $0x200, s5  }
0x57: {  	[sflag:s19] =	ssyncadd.s32 $0xFFFFC000;
	s5 =	smov.u32 s4;
	s4 =	sadd.s32 $0x400, s4  }
0x58: {  	[tilespmem:s23], [sflag:$0x3] =	stream.linear.gather [hbm4b:s6+s3], $0x80, $0x38;
	[tilespmem:$0x10200] =	vst v63  }
0x59: {  	p1 =	sne.s32 s4, $0x2400;
	_ =	swait.ge [sflag:s19], $0x80  }
0x5a: {  	s6 =	sadd.s32 s2, s16;
	[sflag:s19] =	ssyncset.done $0x0  }
0x5b: {  	s6 =	sadd.s32 $0x200, s6;
	[sflag:s19] =	ssyncadd.s32 $0xFFFFFF80  }
0x5c: {  	[tilespmem:s24], [sflag:$0x3] =	stream.linear.gather [hbm4b:s6+s3], $0x80, $0x38;
	[tilespmem:$0x10200] =	vst v63  }
0x5d: {  	_ =	swait.ge [sflag:s19], $0x80  }
0x5e: {  	[sflag:s19] =	ssyncset.done $0x0  }
0x5f: {  	[sflag:s19] =	ssyncadd.s32 $0xFFFFFF80  }
0x60: {  	[tilespmem:s25], [sflag:$0x2] =	stream.indirect.gather [hbm4b:s1+s20], $0x80, s23, s20, $0xb8;
	[tilespmem:$0x10200] =	vst v63  }
0x61: {  	_ = 	snop  }
0x62: {  	[tilespmem:s26], [sflag:$0x2] =	stream.indirect.gather [hbm4b:s1+s20], $0x80, s24, s20, $0xb8;
	[tilespmem:$0x10200] =	vst v63  }
0x63: {  	_ =	swait.ge [sflag:s28], $0x4000  }
0x64: {  	[sflag:s28] =	ssyncset.done $0x0  }
0x65: {  	[sflag:s28] =	ssyncadd.s32 $0xFFFFC000  }
0x66: {  	_ =	swait.ge [sflag:s28], $0x4000  }
0x67: {  	[sflag:s28] =	ssyncset.done $0x0  }
0x68: {  	[sflag:s28] =	ssyncadd.s32 $0xFFFFC000  }
0x69: {  	[hbm4b:s0+s3] =	stream.linear.scatter [tilespmem:s21], [sflag:$0x3], $0x4000, $0x38;
	[tilespmem:$0x10200] =	vst v63  }
0x6a: {  	_ =	swait.ge [sflag:s19], $0x4000  }
0x6b: {  	[sflag:s19] =	ssyncset.done $0x0  }
0x6c: {  	[sflag:s19] =	ssyncadd.s32 $0xFFFFC000  }
0x6d: {  	[hbm4b:s31+s3] =	stream.linear.scatter [tilespmem:s22], [sflag:$0x3], $0x4000, $0x38;
	[tilespmem:$0x10200] =	vst v63  }
0x6e: {  	p2 =	seq.s32 s2, $0x2000;
	_ =	swait.ge [sflag:s19], $0x4000  }
0x6f: {  	s7 =	simm.s32 @!p2 $0x3;
	s6 =	sadd.s32 @!p2 s2, s15;
	[sflag:s19] =	ssyncset.done $0x0  }
0x70: {  	s8 =	simm.s32 @!p2 $0x0;
	s6 =	sadd.s32 @!p2 $0x400, s6;
	[sflag:s19] =	ssyncadd.s32 $0xFFFFC000  }
0x71: {  	[tilespmem:s8], [sflag:$0x3] =	stream.linear.gather @!p2 [hbm4b:s6+s8], $0x80, $0x38;
	[tilespmem:$0x10200] =	vst v63  }
0x72: {  	s6 =	sadd.s32 @!p2 s2, s16;
	s2 =	smov.u32 s5;
	_ =	swait.ge @!p2 [sflag:s7], $0x80  }
0x73: {  	s5 =	sadd.s32 @!p2 $0x400, s6;
	[sflag:s7] =	ssyncset.done @!p2 $0x0  }
0x74: {  	s6 =	simm.s32 @!p2 $0x80;
	[sflag:s7] =	ssyncadd.s32 @!p2 $0xFFFFFF80  }
0x75: {  	[tilespmem:s6], [sflag:$0x3] =	stream.linear.gather @!p2 [hbm4b:s5+s8], $0x80, $0x38;
	[tilespmem:$0x10200] =	vst v63  }
0x76: {  	_ =	swait.ge @!p2 [sflag:s7], $0x80  }
0x77: {  	[sflag:s7] =	ssyncset.done @!p2 $0x0  }
0x78: {  	s5 =	simm.s32 @!p2 $0x200;
	[sflag:s7] =	ssyncadd.s32 @!p2 $0xFFFFFF80  }
0x79: {  	[tilespmem:s5], [sflag:$0x1] =	stream.indirect.gather @!p2 [hbm4b:s1+s6], $0x80, s8, s6, $0xb8;
	[tilespmem:$0x10200] =	vst v63  }
0x7a: {  	s5 =	simm.s32 @!p2 $0x4200  }
0x7b: {  	[tilespmem:s5], [sflag:$0x1] =	stream.indirect.gather @!p2 [hbm4b:s1+s6], $0x80, s6, s6, $0xb8;
	[tilespmem:$0x10200] =	vst v63  }
0x7c: {  	_ =	swait.ge [sflag:s29], $0x4000  }
0x7d: {  	[sflag:s29] =	ssyncset.done $0x0  }
0x7e: {  	[sflag:s29] =	ssyncadd.s32 $0xFFFFC000  }
0x7f: {  	_ =	swait.ge [sflag:s29], $0x4000  }
0x80: {  	[sflag:s29] =	ssyncset.done $0x0  }
0x81: {  	s5 =	sadd.s32 $0x10000, s0;
	[sflag:s29] =	ssyncadd.s32 $0xFFFFC000  }
0x82: {  	[hbm4b:s5+s3] =	stream.linear.scatter [tilespmem:s25], [sflag:$0x3], $0x4000, $0x38;
	[tilespmem:$0x10200] =	vst v63  }
0x83: {  	_ =	swait.ge [sflag:s19], $0x4000  }
.Ltmp0:
0x84: {  	[sflag:s19] =	ssyncset.done $0x0;
	(pc) =	sbr.rel @p1 .LBB2_2-.Ltmp0, $4  }
0x85: {  	s5 =	sadd.s32 $0x10000, s31;
	[sflag:s19] =	ssyncadd.s32 $0xFFFFC000  }
0x86: {  	[hbm4b:s5+s3] =	stream.linear.scatter [tilespmem:s26], [sflag:$0x3], $0x4000, $0x38;
	[tilespmem:$0x10200] =	vst v63  }
0x87: {  	s31 =	sadd.s32 $0x20000, s31;
	_ =	swait.ge [sflag:s19], $0x4000  }
0x88: {  	s0 =	sadd.s32 $0x20000, s0;
	s5 =	sadd.s32 s2, s15;
	[sflag:s19] =	ssyncset.done $0x0  }
0x89: {  	s4 =	sadd.s32 $0x200, s5;
	[sflag:s19] =	ssyncadd.s32 $0xFFFFC000  }
0x8a: {  	[tilespmem:s23], [sflag:$0x3] =	stream.linear.gather [hbm4b:s4+s3], $0x80, $0x38;
	[tilespmem:$0x10200] =	vst v63  }
0x8b: {  	_ =	swait.ge [sflag:s19], $0x80  }
0x8c: {  	s8 =	sadd.s32 s2, s16;
	[sflag:s19] =	ssyncset.done $0x0  }
0x8d: {  	s4 =	sadd.s32 $0x200, s8;
	[sflag:s19] =	ssyncadd.s32 $0xFFFFFF80  }
0x8e: {  	[tilespmem:s24], [sflag:$0x3] =	stream.linear.gather [hbm4b:s4+s3], $0x80, $0x38;
	[tilespmem:$0x10200] =	vst v63  }
0x8f: {  	_ =	swait.ge [sflag:s19], $0x80  }
0x90: {  	[sflag:s19] =	ssyncset.done $0x0  }
0x91: {  	[sflag:s19] =	ssyncadd.s32 $0xFFFFFF80  }
0x92: {  	[tilespmem:s25], [sflag:$0x2] =	stream.indirect.gather [hbm4b:s1+s20], $0x80, s23, s20, $0xb8;
	[tilespmem:$0x10200] =	vst v63  }
0x93: {  	_ = 	snop  }
0x94: {  	[tilespmem:s26], [sflag:$0x2] =	stream.indirect.gather [hbm4b:s1+s20], $0x80, s24, s20, $0xb8;
	[tilespmem:$0x10200] =	vst v63  }
0x95: {  	_ =	swait.ge [sflag:s28], $0x4000  }
0x96: {  	[sflag:s28] =	ssyncset.done $0x0  }
0x97: {  	[sflag:s28] =	ssyncadd.s32 $0xFFFFC000  }
0x98: {  	_ =	swait.ge [sflag:s28], $0x4000  }
0x99: {  	[sflag:s28] =	ssyncset.done $0x0  }
0x9a: {  	[sflag:s28] =	ssyncadd.s32 $0xFFFFC000  }
0x9b: {  	[hbm4b:s0+s3] =	stream.linear.scatter [tilespmem:s21], [sflag:$0x3], $0x4000, $0x38;
	[tilespmem:$0x10200] =	vst v63  }
0x9c: {  	_ =	swait.ge [sflag:s19], $0x4000  }
0x9d: {  	[sflag:s19] =	ssyncset.done $0x0  }
0x9e: {  	[sflag:s19] =	ssyncadd.s32 $0xFFFFC000  }
0x9f: {  	[hbm4b:s31+s3] =	stream.linear.scatter [tilespmem:s22], [sflag:$0x3], $0x4000, $0x38;
	[tilespmem:$0x10200] =	vst v63  }
0xa0: {  	p1 =	seq.s32 s2, $0x2000;
	_ =	swait.ge [sflag:s19], $0x4000  }
0xa1: {  	s5 =	simm.s32 @!p1 $0x3;
	s4 =	sadd.s32 @!p1 s2, s15;
	[sflag:s19] =	ssyncset.done $0x0  }
0xa2: {  	s6 =	simm.s32 @!p1 $0x0;
	s4 =	sadd.s32 @!p1 $0x400, s4;
	[sflag:s19] =	ssyncadd.s32 $0xFFFFC000  }
0xa3: {  	[tilespmem:s6], [sflag:$0x3] =	stream.linear.gather @!p1 [hbm4b:s4+s6], $0x80, $0x38;
	[tilespmem:$0x10200] =	vst v63  }
0xa4: {  	_ =	swait.ge @!p1 [sflag:s5], $0x80  }
0xa5: {  	s2 =	sadd.s32 @!p1 s2, s16;
	[sflag:s5] =	ssyncset.done @!p1 $0x0  }
0xa6: {  	s2 =	sadd.s32 @!p1 $0x400, s2;
	s4 =	simm.s32 @!p1 $0x80;
	[sflag:s5] =	ssyncadd.s32 @!p1 $0xFFFFFF80  }
0xa7: {  	[tilespmem:s4], [sflag:$0x3] =	stream.linear.gather @!p1 [hbm4b:s2+s6], $0x80, $0x38;
	[tilespmem:$0x10200] =	vst v63  }
0xa8: {  	_ =	swait.ge @!p1 [sflag:s5], $0x80  }
0xa9: {  	[sflag:s5] =	ssyncset.done @!p1 $0x0  }
0xaa: {  	s2 =	simm.s32 @!p1 $0x200;
	[sflag:s5] =	ssyncadd.s32 @!p1 $0xFFFFFF80  }
0xab: {  	[tilespmem:s2], [sflag:$0x1] =	stream.indirect.gather @!p1 [hbm4b:s1+s4], $0x80, s6, s4, $0xb8;
	[tilespmem:$0x10200] =	vst v63  }
0xac: {  	s2 =	simm.s32 @!p1 $0x4200  }
0xad: {  	[tilespmem:s2], [sflag:$0x1] =	stream.indirect.gather @!p1 [hbm4b:s1+s4], $0x80, s4, s4, $0xb8;
	[tilespmem:$0x10200] =	vst v63  }
0xae: {  	_ =	swait.ge [sflag:s29], $0x4000  }
0xaf: {  	[sflag:s29] =	ssyncset.done $0x0  }
0xb0: {  	[sflag:s29] =	ssyncadd.s32 $0xFFFFC000  }
0xb1: {  	_ =	swait.ge [sflag:s29], $0x4000  }
0xb2: {  	[sflag:s29] =	ssyncset.done $0x0  }
0xb3: {  	s5 =	sadd.s32 $0x10000, s0;
	[sflag:s29] =	ssyncadd.s32 $0xFFFFC000  }
0xb4: {  	[hbm4b:s5+s3] =	stream.linear.scatter [tilespmem:s25], [sflag:$0x3], $0x4000, $0x38;
	[tilespmem:$0x10200] =	vst v63  }
0xb5: {  	_ =	swait.ge [sflag:s19], $0x4000  }
0xb6: {  	[sflag:s19] =	ssyncset.done $0x0  }
0xb7: {  	s6 =	sadd.s32 $0x10000, s31;
	[sflag:s19] =	ssyncadd.s32 $0xFFFFC000  }
0xb8: {  	[hbm4b:s6+s3] =	stream.linear.scatter [tilespmem:s26], [sflag:$0x3], $0x4000, $0x38;
	[tilespmem:$0x10200] =	vst v63  }
0xb9: {  	_ =	swait.ge [sflag:s19], $0x4000  }
0xba: {  	[sflag:s19] =	ssyncset.done $0x0  }
0xbb: {  	s7 =	rddreg [dreg:$0x6];
	[sflag:s19] =	ssyncadd.s32 $0xFFFFC000  }
0xbc: {  	[tilespmem:s3], [sflag:$0x3] =	stream.linear.gather [hbm4b:s7+s3], $0x80, $0x38;
	[tilespmem:$0x10200] =	vst v63  }
0xbd: {  	_ =	swait.ge [sflag:s19], $0x80  }
0xbe: {  	[sflag:s19] =	ssyncset.done $0x0  }
0xbf: {  	s8 =	rddreg [dreg:$0x7];
	[sflag:s19] =	ssyncadd.s32 $0xFFFFFF80  }
0xc0: {  	[tilespmem:s20], [sflag:$0x3] =	stream.linear.gather [hbm4b:s8+s3], $0x80, $0x38;
	[tilespmem:$0x10200] =	vst v63  }
0xc1: {  	_ =	swait.ge [sflag:s19], $0x80  }
0xc2: {  	[sflag:s19] =	ssyncset.done $0x0  }
0xc3: {  	[sflag:s19] =	ssyncadd.s32 $0xFFFFFF80  }
0xc4: {  	[tilespmem:s21], [sflag:$0x1] =	stream.indirect.gather [hbm4b:s1+s20], $0x80, s3, s20, $0xb8;
	[tilespmem:$0x10200] =	vst v63  }
0xc5: {  	_ = 	snop  }
0xc6: {  	[tilespmem:s22], [sflag:$0x1] =	stream.indirect.gather [hbm4b:s1+s20], $0x80, s20, s20, $0xb8;
	[tilespmem:$0x10200] =	vst v63  }
0xc7: {  	_ =	swait.ge [sflag:s28], $0x4000  }
0xc8: {  	[sflag:s28] =	ssyncset.done $0x0  }
0xc9: {  	[sflag:s28] =	ssyncadd.s32 $0xFFFFC000  }
0xca: {  	_ =	swait.ge [sflag:s28], $0x4000  }
0xcb: {  	[sflag:s28] =	ssyncset.done $0x0  }
0xcc: {  	s31 =	rddreg [dreg:$0x8];
	[sflag:s28] =	ssyncadd.s32 $0xFFFFC000  }
0xcd: {  	[hbm4b:s31+s3] =	stream.linear.scatter [tilespmem:s21], [sflag:$0x3], $0x4000, $0x38;
	[tilespmem:$0x10200] =	vst v63  }
0xce: {  	_ =	swait.ge [sflag:s19], $0x4000  }
0xcf: {  	[sflag:s19] =	ssyncset.done $0x0  }
0xd0: {  	[sflag:s19] =	ssyncadd.s32 $0xFFFFC000  }
0xd1: {  	[hbm4b:s9+s3] =	stream.linear.scatter [tilespmem:s22], [sflag:$0x3], $0x4000, $0x38;
	[tilespmem:$0x10200] =	vst v63  }
0xd2: {  	_ =	swait.ge [sflag:s19], $0x4000  }
0xd3: {  	[sflag:s19] =	ssyncset.done $0x0  }
0xd4: {  	s0 =	simm.s32 @!p0 $0x0;
	s2 =	simm.s32 @!p0 $0x3;
	[sflag:s19] =	ssyncadd.s32 $0xFFFFC000  }
0xd5: {  	[tilespmem:s0], [sflag:$0x3] =	stream.linear.gather @!p0 [hbm4b:s10+s0], $0x80, $0x38;
	[tilespmem:$0x10200] =	vst v63  }
0xd6: {  	_ =	swait.ge @!p0 [sflag:s2], $0x80  }
0xd7: {  	[sflag:s2] =	ssyncset.done @!p0 $0x0  }
0xd8: {  	s4 =	simm.s32 @!p0 $0x80;
	[sflag:s2] =	ssyncadd.s32 @!p0 $0xFFFFFF80  }
0xd9: {  	[tilespmem:s4], [sflag:$0x3] =	stream.linear.gather @!p0 [hbm4b:s11+s0], $0x80, $0x38;
	[tilespmem:$0x10200] =	vst v63  }
0xda: {  	_ =	swait.ge @!p0 [sflag:s2], $0x80  }
0xdb: {  	[sflag:s2] =	ssyncset.done @!p0 $0x0  }
0xdc: {  	s5 =	simm.s32 @!p0 $0x200;
	[sflag:s2] =	ssyncadd.s32 @!p0 $0xFFFFFF80  }
0xdd: {  	[tilespmem:s5], [sflag:$0x1] =	stream.indirect.gather @!p0 [hbm4b:s1+s4], $0x80, s0, s4, $0xb8;
	[tilespmem:$0x10200] =	vst v63  }
0xde: {  	s6 =	simm.s32 @!p0 $0x4200  }
0xdf: {  	[tilespmem:s6], [sflag:$0x1] =	stream.indirect.gather @!p0 [hbm4b:s1+s4], $0x80, s4, s4, $0xb8;
	[tilespmem:$0x10200] =	vst v63  }
0xe0: {  	s4 =	simm.s32 @!p0 $0x1  }
0xe1: {  	_ =	swait.ge @!p0 [sflag:s4], $0x4000  }
0xe2: {  	[sflag:s4] =	ssyncset.done @!p0 $0x0  }
0xe3: {  	[sflag:s4] =	ssyncadd.s32 @!p0 $0xFFFFC000  }
0xe4: {  	_ =	swait.ge @!p0 [sflag:s4], $0x4000  }
0xe5: {  	[sflag:s4] =	ssyncset.done @!p0 $0x0  }
0xe6: {  	[sflag:s4] =	ssyncadd.s32 @!p0 $0xFFFFC000  }
0xe7: {  	[hbm4b:s12+s0] =	stream.linear.scatter @!p0 [tilespmem:s5], [sflag:$0x3], $0x4000, $0x38;
	[tilespmem:$0x10200] =	vst v63  }
0xe8: {  	s30 =	sadd.s32 $0x1, s30;
	_ =	swait.ge @!p0 [sflag:s2], $0x4000  }
0xe9: {  	p1 =	sne.s32 s30, s14;
	[sflag:s2] =	ssyncset.done @!p0 $0x0  }
.Ltmp1:
0xea: {  	[sflag:s2] =	ssyncadd.s32 @!p0 $0xFFFFC000;
	(pc) =	sbr.rel @p1 .LBB2_1-.Ltmp1, $4  }
0xeb: {  	[hbm4b:s13+s0] =	stream.linear.scatter @!p0 [tilespmem:s6], [sflag:$0x3], $0x4000, $0x38;
	[tilespmem:$0x10200] =	vst v63  }
0xec: {  	_ =	swait.ge @!p0 [sflag:s2], $0x4000  }
0xed: {  	[sflag:s2] =	ssyncset.done @!p0 $0x0  }
0xee: {  	[sflag:s2] =	ssyncadd.s32 @!p0 $0xFFFFC000  }
0xef: {  	_ =	sfence.sel $0x180000  }
0xf0: {  	[bflag:$0x0] =	sbarrier.arrive $0xFFFF  }
0xf1: {  	_ =	strace $0x90000047  }
0xf2: {  	s0 =	stileid.u32;
	[bflag:$0x2] =	sbarrier.arrive $0xFFFF  }
0xf3: {  	p0 =	sne.s32 s0, $0x0;
	s0 =	rddreg [dreg:$0x3]  }
0xf4: {  	s0 =	sadd.s32 @!p0 $0x100000, s0  }
0xf5: {  	[sflag:s0] =	ssyncadd.tile.s32 @!p0 $0x1;
	_ =	shalt  }
.Lfunc_end2:
_tile_overlayer_lowered:
.L_overlay_start_2:
0xf6: {  	(tag) =	ssettag $0x2  }
0xf7: {  	s0 =	rddreg [dreg:$0x0];
	s2 =	stileid.u32  }
0xf8: {  	s1 =	rddreg [dreg:$0x1];
	p0 =	sne.s32 s2, $0x0  }
0xf9: {  	s3 =	rddreg [dreg:$0x2];
	[bflag:$0x3] =	sbarrier.arrive $0xFFFF;
	s2 =	simm.s32 @!p0 $0x1C03  }
0xfa: {  	[timem:s3], [sflag:s2] =	dma.local @!p0 [hbm:s0], s1  }
0xfb: {  	s0 =	simm.s32 @!p0 $0x3  }
0xfc: {  	_ =	swait.ge @!p0 [sflag:s0], s1  }
0xfd: {  	s1 =	ssub.s32 @!p0 $0x0, s1;
	[sflag:s0] =	ssyncset.done @!p0 $0x0  }
0xfe: {  	[sflag:s0] =	ssyncadd.s32 @!p0 s1  }
0xff: {  	[bflag:$0x3] =	sbarrier.arrive $0xFFFF  }
0x100: {  	_ =	shalt  }

// kernel: kernel.13.cloned.1.call-start
scs
__scs_entry_jumppad:
0x0: {  	(pc) =	sbr.rel $0x88, $3  }
0x1: {  	(tag) =	ssettag $0x0;
	lr =	simm.s32 $0x1  }
0x2: {  	[smem:$0x3F99] =	sst lr;
	_ =	strace $0xD0000000  }
0x3: {  	_ = 	snop  }
0x4: {  	_ = 	snop  }
0x5: {  	_ = 	snop  }
0x6: {  	_ = 	snop  }
0x7: {  	_ = 	snop  }
__scs_overlays_trampoline_lowered:
0x8: {  	[smem:$0x3FA8] =	sst s0  }
0x9: {  	[smem:$0x3FA9] =	sst s1  }
0xa: {  	[smem:$0x3FAA] =	sst s2  }
0xb: {  	[smem:$0x3FAB] =	sst s3  }
0xc: {  	[smem:$0x3FAC] =	sst s4  }
0xd: {  	[smem:$0x3FAD] =	sst s5  }
0xe: {  	[smem:$0x3FAE] =	sst s6  }
0xf: {  	[smem:$0x3FAF] =	sst s7  }
0x10: {  	[smem:$0x3FB0] =	sst s8  }
0x11: {  	[smem:$0x3FB1] =	sst s9;
	s0 =	simm.s32 @!p0 $0x0  }
0x12: {  	s1 =	sld [smem:$0x3F97];
	s0 =	simm.s32 @p0 $0x1  }
0x13: {  	[smem:$0x3FB2] =	sst s0;
	s0 =	simm.s32 @!p1 $0x0  }
0x14: {  	s2 =	sld [smem:$0x3F96];
	s0 =	simm.s32 @p1 $0x1  }
0x15: {  	[smem:$0x3FB3] =	sst s0;
	s0 =	simm.s32 @!p2 $0x0  }
0x16: {  	s3 =	sld [smem:$0x3FDB];
	s0 =	simm.s32 @p2 $0x1  }
0x17: {  	s4 =	simm.s32 $0x1BF5;
	[smem:$0x3FB5] =	sst s0  }
0x18: {  	s0 =	sld [smem:$0x3F98];
	_ =	swait.ge [sflag:s4], $0x0  }
0x19: {  	s7 =	sld [smem:$0x3F99]  }
0x1a: {  	s8 =	sadd.s32 $0xFFFFE003, lr  }
0x1b: {  	s9 =	sadd.s32 $0xFFFFFEF7, lr;
	s5 =	simm.s32 $0xFFFFFFFF;
	p2 =	slt.u32 s8, $0xFFFFF086  }
0x1c: {  	p1 =	slt.u32 s9, $0xF7A;
	s5 =	simm.s32 @!p2 $0x0  }
0x1d: {  	s5 =	simm.s32 @p1 $0x1;
	p0 =	seq.s32 s7, s2  }
0x1e: {  	s7 =	smul.u32 @!p0 $0xF7A, s2;
	p2 =	seq.s32 @!p0 s5, $0x0  }
0x1f: {  	s9 =	smul.u32 $0xF7A, s1;
	s8 =	simm.s32 @!p0 $0x1BF5;
	p2 =	por !p2, p0  }
0x20: {  	[sflag:s8] =	ssyncset.s32 @!p0 $0xFFFFF086;
	s6 =	sadd.s32 @!p0 s3, s7;
	s7 =	simm.s32 @!p0 $0x108  }
0x21: {  	s3 =	sadd.s32 s3, s9;
	s6 =	sadd.s32 @!p0 $0x88, s6;
	s7 =	simm.s32 @p2 $0x1082  }
0x22: {  	[simem:s7], [sflag:s8] =	dma.local @!p0 [hbm:s6], $0xF7A  }
0x23: {  	s9 =	sor.u32 $0xD0000000, s2;
	s6 =	simm.s32 $0x108;
	_ =	swait.ge @!p0 [sflag:s8], $0x0  }
0x24: {  	s3 =	sadd.s32 $0x88, s3;
	s6 =	simm.s32 @!p1 $0x1082;
	[sflag:s4] =	ssyncset.s32 $0xFFFFF086  }
0x25: {  	[simem:s6], [sflag:s4] =	dma.local [hbm:s3], $0xF7A  }
0x26: {  	[smem:$0x3F99] =	sst s1;
	(tag) =	ssettag s2;
	_ =	strace s9  }
0x27: {  	s1 =	sld [smem:$0x3FA9]  }
0x28: {  	s2 =	sld [smem:$0x3FAA]  }
0x29: {  	s4 =	sld [smem:$0x3FAC]  }
0x2a: {  	p0 =	seq.s32 s5, $0x0;
	s5 =	sld [smem:$0x3FAD]  }
0x2b: {  	s6 =	sld [smem:$0x3FAE]  }
0x2c: {  	s7 =	sld [smem:$0x3FAF]  }
0x2d: {  	s3 =	simm.s32 $0x108;
	s8 =	sld [smem:$0x3FB0]  }
0x2e: {  	s3 =	simm.s32 @!p0 $0x1082;
	s9 =	sld [smem:$0x3FB1]  }
0x2f: {  	lr =	sadd.s32 s0, s3;
	s0 =	sld [smem:$0x3FA8]  }
0x30: {  	s3 =	sld [smem:$0x3FAB]  }
0x31: {  	[smem:$0x3FB4] =	sst s10  }
0x32: {  	s10 =	sld [smem:$0x3FB2];
	_ =	sdelay $0x3  }
0x33: {  	p0 =	seq.s32 s10, $0x1;
	s10 =	sld [smem:$0x3FB4];
	_ =	sdelay $0x3  }
0x34: {  	[smem:$0x3FB4] =	sst s10  }
0x35: {  	s10 =	sld [smem:$0x3FB3];
	_ =	sdelay $0x3  }
0x36: {  	p1 =	seq.s32 s10, $0x1;
	s10 =	sld [smem:$0x3FB4];
	_ =	sdelay $0x3  }
0x37: {  	[smem:$0x3FB4] =	sst s10  }
0x38: {  	s10 =	sld [smem:$0x3FB5]  }
0x39: {  	_ = 	snop;
	(pc) =	sbr.ind lr, $3  }
0x3a: {  	_ = 	snop  }
0x3b: {  	_ = 	snop  }
0x3c: {  	p2 =	seq.s32 s10, $0x1;
	s10 =	sld [smem:$0x3FB4]  }
0x3d: {  	_ =	shalt  }
0x3e: {  	_ =	shalt  }
0x3f: {  	_ =	shalt  }
0x40: {  	_ =	shalt  }
0x41: {  	_ =	shalt  }
0x42: {  	_ =	shalt  }
0x43: {  	_ =	shalt  }
0x44: {  	_ =	shalt  }
0x45: {  	_ =	shalt  }
0x46: {  	_ =	shalt  }
0x47: {  	_ =	shalt  }
0x48: {  	_ =	shalt  }
0x49: {  	_ =	shalt  }
0x4a: {  	_ =	shalt  }
0x4b: {  	_ =	shalt  }
0x4c: {  	_ =	shalt  }
0x4d: {  	_ =	shalt  }
0x4e: {  	_ =	shalt  }
0x4f: {  	_ =	shalt  }
0x50: {  	_ =	shalt  }
0x51: {  	_ =	shalt  }
0x52: {  	_ =	shalt  }
0x53: {  	_ =	shalt  }
0x54: {  	_ =	shalt  }
0x55: {  	_ =	shalt  }
0x56: {  	_ =	shalt  }
0x57: {  	_ =	shalt  }
0x58: {  	_ =	shalt  }
0x59: {  	_ =	shalt  }
0x5a: {  	_ =	shalt  }
0x5b: {  	_ =	shalt  }
0x5c: {  	_ =	shalt  }
0x5d: {  	_ =	shalt  }
0x5e: {  	_ =	shalt  }
0x5f: {  	_ =	shalt  }
0x60: {  	_ =	shalt  }
0x61: {  	_ =	shalt  }
0x62: {  	_ =	shalt  }
0x63: {  	_ =	shalt  }
0x64: {  	_ =	shalt  }
0x65: {  	_ =	shalt  }
0x66: {  	_ =	shalt  }
0x67: {  	_ =	shalt  }
0x68: {  	_ =	shalt  }
0x69: {  	_ =	shalt  }
0x6a: {  	_ =	shalt  }
0x6b: {  	_ =	shalt  }
0x6c: {  	_ =	shalt  }
0x6d: {  	_ =	shalt  }
0x6e: {  	_ =	shalt  }
0x6f: {  	_ =	shalt  }
0x70: {  	_ =	shalt  }
0x71: {  	_ =	shalt  }
0x72: {  	_ =	shalt  }
0x73: {  	_ =	shalt  }
0x74: {  	_ =	shalt  }
0x75: {  	_ =	shalt  }
0x76: {  	_ =	shalt  }
0x77: {  	_ =	shalt  }
0x78: {  	_ =	shalt  }
0x79: {  	_ =	shalt  }
0x7a: {  	_ =	shalt  }
0x7b: {  	_ =	shalt  }
0x7c: {  	_ =	shalt  }
0x7d: {  	_ =	shalt  }
0x7e: {  	_ =	shalt  }
0x7f: {  	_ =	shalt  }
0x80: {  	_ =	shalt  }
0x81: {  	_ =	shalt  }
0x82: {  	_ =	shalt  }
0x83: {  	_ =	shalt  }
0x84: {  	_ =	shalt  }
0x85: {  	_ =	shalt  }
0x86: {  	_ =	shalt  }
0x87: {  	_ =	shalt  }
.Lfunc_end0:
.L_simem_size_0:
called_computation.1_lowered:
.L_overlay_start_0:
0x88: {  	s2 =	sld [smem:$0x3FD9]  }
0x89: {  	s3 =	sld [smem:$0x3FFE];
	_ =	sdelay $0x1  }
0x8a: {  	s1 =	srdreg.scid  }
0x8b: {  	s0 =	sand.u32 $0x1, s1  }
0x8c: {  	s17 =	sshll.u32 s0, $0xA;
	s2 =	sadd.s32 s3, s2  }
0x8d: {  	s2 =	sadd.s32 s2, s17  }
0x8e: {  	[smem:$0x3FC0] =	sst s2  }
0x8f: {  	_ = 	snop  }
0x90: {  	s18 =	sld [smem:$0x3FC9];
	(tm) =	ssettm $0x1  }
0x91: {  	s19 =	sld [smem:$0x3FFB];
	_ =	sdelay $0x3  }
0x92: {  	_ =	strace s19  }
0x93: {  	s2 =	sld [smem:$0x3FFC];
	_ =	sdelay $0x3  }
0x94: {  	_ =	strace s2  }
0x95: {  	s2 =	sld [smem:$0x3FFD];
	_ =	sdelay $0x3  }
0x96: {  	_ =	strace s2  }
0x97: {  	_ =	strace $0x8FFFFFFF  }
0x98: {  	s20 =	sld [smem:$0x3FDB];
	_ =	sdelay $0x1  }
0x99: {  	s4 =	simm.s32 $_scs_section_size  }
0x9a: {  	s5 =	simm.s32 $_size__tile_overlayer_lowered;
	s6 =	simm.s32 $_tile_overlayer_lowered  }
0x9b: {  	s7 =	simm.s32 $0x1BFF;
	s21 =	sshll.u32 s6, $0x1;
	s4 =	sadd.s32 s4, s20  }
0x9c: {  	s22 =	simm.s32 $0x0;
	s5 =	sshll.u32 s5, $0x1;
	s6 =	sadd.s32 s21, s4  }
0x9d: {  	[timem:s22], [sflag:s7] =	dma.local [hbm:s6], s5  }
0x9e: {  	_ =	swait.ge [sflag:s7], s5  }
0x9f: {  	s5 =	ssub.s32 $0x0, s5;
	[sflag:s7] =	ssyncset.done $0x0  }
0xa0: {  	[sflag:s7] =	ssyncadd.s32 s5;
	_ =	sdelay $0x1  }
0xa1: {  	s23 =	simm.s32 $0x1B8B  }
0xa2: {  	_ =	swait.ge [sflag:s23], $0x1  }
0xa3: {  	[sflag:s23] =	ssyncset.done $0x0  }
0xa4: {  	[sflag:s23] =	ssyncadd.s32 $0xFFFFFFFF  }
0xa5: {  	s5 =	sld [smem:$0x0]  }
0xa6: {  	s6 =	sand.u32 $0xFFFFFFFE, s1  }
0xa7: {  	p0 =	sne.s32 s1, s6  }
0xa8: {  	s6 =	sshll.u32 @p0 s6, $0xE  }
0xa9: {  	s6 =	sadd.s32 @p0 $0x11B8D, s6;
	s7 =	sshll.u32 @p0 s5, $0x11  }
0xaa: {  	s6 =	sor.u32 @p0 s7, s6  }
0xab: {  	[sflag:s6] =	ssyncadd.remote.s32 @p0 $0x1;
	_ =	sdelay $0x1  }
0xac: {  	s6 =	simm.s32 @p0 $0x1B8D  }
0xad: {  	_ =	swait.eq @p0 [sflag:s6], $0x1  }
0xae: {  	[sflag:s6] =	ssyncadd.s32 @p0 $0xFFFFFFFF  }
0xaf: {  	s7 =	sshll.u32 @!p0 s1, $0xE  }
0xb0: {  	s7 =	sor.u32 @!p0 $0x4000, s7;
	s6 =	simm.s32 @!p0 $0x1B8D  }
0xb1: {  	s5 =	sshll.u32 @!p0 s5, $0x11;
	s7 =	sadd.s32 @!p0 $0x11B8D, s7;
	_ =	swait.eq @!p0 [sflag:s6], $0x1  }
0xb2: {  	s5 =	sor.u32 @!p0 s5, s7;
	[sflag:s6] =	ssyncadd.s32 @!p0 $0xFFFFFFFF  }
0xb3: {  	s25 =	simm.s32 $0x1B8E;
	s24 =	sld [smem:$0x3FFE];
	[sflag:s5] =	ssyncadd.remote.s32 @!p0 $0x1  }
0xb4: {  	s26 =	simm.s32 $execute0_lowered;
	[smem:$0x3FD2] =	sst s25  }
0xb5: {  	s6 =	sshll.u32 s26, $0x1;
	_ =	strace $0x8000004F;
	[dreg:$0x1] =	wrdreg $0xFFFFFFFF  }
0xb6: {  	s28 =	simm.s32 $_size_execute0_lowered;
	s4 =	sadd.s32 s4, s6;
	[dreg:$0x0] =	wrdreg $0x0  }
0xb7: {  	s6 =	sshll.u32 s28, $0x1;
	[dreg:$0x2] =	wrdreg s4  }
0xb8: {  	[dreg:$0x3] =	wrdreg s6  }
0xb9: {  	[dreg:$0x4] =	wrdreg $0xC0  }
0xba: {  	_ =	task [dreg:s22], $0x5FFFF  }
0xbb: {  	[dreg:$0x1] =	wrdreg $0xFFFFFFFF  }
0xbc: {  	[dreg:$0x0] =	wrdreg $0x60  }
0xbd: {  	[dreg:$0x2] =	wrdreg s18  }
0xbe: {  	[dreg:$0x3] =	wrdreg s24  }
0xbf: {  	[dreg:$0x4] =	wrdreg $0xA  }
0xc0: {  	_ =	task.clear_ibuf [dreg:s22], $0x5FFFF;
	_ =	strace $0x9000004F  }
0xc1: {  	s29 =	simm.s32 $0xA;
	_ =	strace $0x80000051  }
0xc2: {  	_ =	swait.ge [sflag:s29], $0x1  }
0xc3: {  	[sflag:s29] =	ssyncadd.s32 $0xFFFFFFFF  }
0xc4: {  	_ =	strace $0x90000051  }
0xc5: {  	_ =	sfence  }
0xc6: {  	s30 =	sld [smem:$0x0];
	_ =	sdelay $0x2  }
0xc7: {  	s31 =	sshll.u32 s1, $0xD;
	s1 =	sshrl.u32 s1, $0x2  }
0xc8: {  	s4 =	sand.u32 $0x4000, s31;
	s1 =	sadd.s32 s1, s30  }
0xc9: {  	s0 =	sor.u32 s4, s0;
	s1 =	sshll.u32 s1, $0x11  }
0xca: {  	s0 =	sor.u32 s1, s0  }
0xcb: {  	s0 =	sadd.s32 $0x8F2B, s0  }
0xcc: {  	[sflag:s0] =	ssyncadd.remote.s32 $0x1  }
0xcd: {  	_ =	sfence.sel $0xFFFF  }
0xce: {  	[dreg:$0x0] =	wrdreg $0xFFFFFFFF;
	(pc) =	sbr.abs _section_cstart, $3  }
0xcf: {  	[dreg:$0x1] =	wrdreg $0xFFFFFFFF  }
0xd0: {  	_ =	task.clear_ibuf [dreg:s22], $0x2FFFF;
	_ =	strace $0x9FFFFFFF  }
0xd1: {  	(tm) =	ssettm $0x7FFFFFFF  }
tec
execute0_lowered:
.L_overlay_start_1:
0x0: {  	(tag) =	ssettag $0x1  }
0x1: {  	s1 =	rddreg [dreg:$0x0]  }
0x2: {  	s0 =	rddreg [dreg:$0x1]  }
0x3: {  	s3 =	simm.s32 $0x0;
	s2 =	srdreg.scid;
	s20 =	stileid.u32  }
0x4: {  	s28 =	simm.s32 $0x1;
	s29 =	simm.s32 $0x2;
	s30 =	simm.s32 $0x0  }
0x5: {  	[smem:$0x7FF] =	sst s3;
	s2 =	sand.u32 $0x1, s2;
	s4 =	sshll.u32 s20, $0x1  }
0x6: {  	s5 =	sadd.s32 $0xF000, s0;
	s16 =	sadd.s32 $0xC800, s0;
	s17 =	sadd.s32 $0x764800, s0  }
0x7: {  	s0 =	sadd.s32 $0x89D000, s0;
	s18 =	sshll.u32 s20, $0x5;
	s31 =	sshll.u32 s20, $0xC  }
0x8: {  	s20 =	simm.s32 $0x80;
	_ =	strace $0x80000050;
	s4 =	sor.u32 s2, s4  }
0x9: {  	s6 =	ssub.s32 $0x2, s2;
	s19 =	sshll.u32 s2, $0x4;
	s26 =	sadd.s32 s18, s16  }
0xa: {  	s2 =	sshll.u32 s2, $0xB;
	s8 =	sshll.u32 s4, $0x7;
	s7 =	sshrl.u32 s6, $0x1  }
0xb: {  	s21 =	sshll.u32 s4, $0x4;
	p0 =	sgt.u32 s4, $0x10;
	s9 =	sor.u32 $0x12000, s8  }
0xc: {  	s14 =	ssub.s32 s6, s7;
	s10 =	sadd.s32 s5, s21;
	s6 =	sadd.s32 s16, s21  }
0xd: {  	s12 =	sor.u32 $0x13000, s8;
	s21 =	simm.s32 $0x200;
	[dreg:$0x3] =	wrdreg s10  }
0xe: {  	s22 =	sshrl.u32 s9, $0x3;
	[dreg:$0x4] =	wrdreg s6;
	s9 =	sshll.u32 s9, $0x4  }
0xf: {  	s11 =	sshrl.u32 s12, $0x3;
	s13 =	sshll.u32 s12, $0x4;
	s14 =	smax.u32 s14, $0x1  }
0x10: {  	s23 =	sadd.s32 s5, s22;
	s24 =	sadd.s32 s16, s22;
	s25 =	sadd.s32 s17, s9  }
0x11: {  	s9 =	sadd.s32 s0, s9;
	s10 =	sadd.s32 s5, s11;
	s11 =	sadd.s32 s16, s11  }
0x12: {  	s12 =	sadd.s32 s17, s13;
	s13 =	sadd.s32 s0, s13;
	s5 =	sadd.s32 s18, s5  }
0x13: {  	s17 =	sadd.s32 s31, s17;
	s0 =	sadd.s32 s31, s0;
	[dreg:$0x5] =	wrdreg s23  }
0x14: {  	s16 =	sadd.s32 s19, s26;
	s22 =	simm.s32 $0x4200;
	[dreg:$0x6] =	wrdreg s24  }
0x15: {  	s26 =	simm.s32 $0xC200;
	[dreg:$0x7] =	wrdreg s25;
	s15 =	sadd.s32 s19, s5  }
0x16: {  	s17 =	sadd.s32 s2, s17;
	s18 =	sadd.s32 s2, s0;
	s19 =	simm.s32 $0x3  }
0x17: {  	s23 =	simm.s32 $0x100;
	s24 =	simm.s32 $0x180;
	s25 =	simm.s32 $0x8200  }
.LBB2_1:
0x18: {  	s0 =	rddreg [dreg:$0x3]  }
0x19: {  	[tilespmem:s3], [sflag:$0x3] =	stream.linear.gather [hbm4b:s0+s3], $0x80, $0x38;
	[tilespmem:$0x10200] =	vst v63  }
0x1a: {  	_ =	swait.ge [sflag:s19], $0x80  }
0x1b: {  	[sflag:s19] =	ssyncset.done $0x0  }
0x1c: {  	s4 =	rddreg [dreg:$0x4];
	[sflag:s19] =	ssyncadd.s32 $0xFFFFFF80  }
0x1d: {  	[tilespmem:s20], [sflag:$0x3] =	stream.linear.gather [hbm4b:s4+s3], $0x80, $0x38;
	[tilespmem:$0x10200] =	vst v63  }
0x1e: {  	_ =	swait.ge [sflag:s19], $0x80  }
0x1f: {  	[sflag:s19] =	ssyncset.done $0x0  }
0x20: {  	[sflag:s19] =	ssyncadd.s32 $0xFFFFFF80  }
0x21: {  	[tilespmem:s21], [sflag:$0x1] =	stream.indirect.gather [hbm4b:s1+s20], $0x80, s3, s20, $0xb8;
	[tilespmem:$0x10200] =	vst v63  }
0x22: {  	s5 =	sadd.s32 $0x0, s15  }
0x23: {  	[tilespmem:s22], [sflag:$0x1] =	stream.indirect.gather [hbm4b:s1+s20], $0x80, s20, s20, $0xb8;
	[tilespmem:$0x10200] =	vst v63  }
0x24: {  	s0 =	sadd.s32 $0x200, s5  }
0x25: {  	[tilespmem:s23], [sflag:$0x3] =	stream.linear.gather [hbm4b:s0+s3], $0x80, $0x38;
	[tilespmem:$0x10200] =	vst v63  }
0x26: {  	_ =	swait.ge [sflag:s19], $0x80  }
0x27: {  	s6 =	sadd.s32 $0x0, s16;
	[sflag:s19] =	ssyncset.done $0x0  }
0x28: {  	s0 =	sadd.s32 $0x200, s6;
	[sflag:s19] =	ssyncadd.s32 $0xFFFFFF80  }
0x29: {  	[tilespmem:s24], [sflag:$0x3] =	stream.linear.gather [hbm4b:s0+s3], $0x80, $0x38;
	[tilespmem:$0x10200] =	vst v63  }
0x2a: {  	_ =	swait.ge [sflag:s19], $0x80  }
0x2b: {  	[sflag:s19] =	ssyncset.done $0x0  }
0x2c: {  	[sflag:s19] =	ssyncadd.s32 $0xFFFFFF80  }
0x2d: {  	[tilespmem:s25], [sflag:$0x2] =	stream.indirect.gather [hbm4b:s1+s20], $0x80, s23, s20, $0xb8;
	[tilespmem:$0x10200] =	vst v63  }
0x2e: {  	_ = 	snop  }
0x2f: {  	[tilespmem:s26], [sflag:$0x2] =	stream.indirect.gather [hbm4b:s1+s20], $0x80, s24, s20, $0xb8;
	[tilespmem:$0x10200] =	vst v63  }
0x30: {  	_ =	swait.ge [sflag:s28], $0x4000  }
0x31: {  	[sflag:s28] =	ssyncset.done $0x0  }
0x32: {  	[sflag:s28] =	ssyncadd.s32 $0xFFFFC000  }
0x33: {  	_ =	swait.ge [sflag:s28], $0x4000  }
0x34: {  	[sflag:s28] =	ssyncset.done $0x0  }
0x35: {  	[sflag:s28] =	ssyncadd.s32 $0xFFFFC000  }
0x36: {  	[hbm4b:s17+s3] =	stream.linear.scatter [tilespmem:s21], [sflag:$0x3], $0x4000, $0x38;
	[tilespmem:$0x10200] =	vst v63  }
0x37: {  	_ =	swait.ge [sflag:s19], $0x4000  }
0x38: {  	[sflag:s19] =	ssyncset.done $0x0  }
0x39: {  	[sflag:s19] =	ssyncadd.s32 $0xFFFFC000  }
0x3a: {  	[hbm4b:s18+s3] =	stream.linear.scatter [tilespmem:s22], [sflag:$0x3], $0x4000, $0x38;
	[tilespmem:$0x10200] =	vst v63  }
0x3b: {  	p1 =	por $0x0, $0x0;
	_ =	swait.ge [sflag:s19], $0x4000  }
0x3c: {  	s2 =	simm.s32 @!p1 $0x3;
	s0 =	sadd.s32 @!p1 $0x0, s15;
	[sflag:s19] =	ssyncset.done $0x0  }
0x3d: {  	s4 =	simm.s32 @!p1 $0x0;
	s0 =	sadd.s32 @!p1 $0x400, s0;
	[sflag:s19] =	ssyncadd.s32 $0xFFFFC000  }
0x3e: {  	[tilespmem:s4], [sflag:$0x3] =	stream.linear.gather @!p1 [hbm4b:s0+s4], $0x80, $0x38;
	[tilespmem:$0x10200] =	vst v63  }
0x3f: {  	_ =	swait.ge @!p1 [sflag:s2], $0x80  }
0x40: {  	s0 =	sadd.s32 @!p1 $0x0, s16;
	[sflag:s2] =	ssyncset.done @!p1 $0x0  }
0x41: {  	s5 =	simm.s32 @!p1 $0x80;
	s0 =	sadd.s32 @!p1 $0x400, s0;
	[sflag:s2] =	ssyncadd.s32 @!p1 $0xFFFFFF80  }
0x42: {  	[tilespmem:s5], [sflag:$0x3] =	stream.linear.gather @!p1 [hbm4b:s0+s4], $0x80, $0x38;
	[tilespmem:$0x10200] =	vst v63  }
0x43: {  	_ =	swait.ge @!p1 [sflag:s2], $0x80  }
0x44: {  	[sflag:s2] =	ssyncset.done @!p1 $0x0  }
0x45: {  	s0 =	simm.s32 @!p1 $0x200;
	[sflag:s2] =	ssyncadd.s32 @!p1 $0xFFFFFF80  }
0x46: {  	[tilespmem:s0], [sflag:$0x1] =	stream.indirect.gather @!p1 [hbm4b:s1+s5], $0x80, s4, s5, $0xb8;
	[tilespmem:$0x10200] =	vst v63  }
0x47: {  	s0 =	simm.s32 @!p1 $0x4200  }
0x48: {  	[tilespmem:s0], [sflag:$0x1] =	stream.indirect.gather @!p1 [hbm4b:s1+s5], $0x80, s5, s5, $0xb8;
	[tilespmem:$0x10200] =	vst v63  }
0x49: {  	_ =	swait.ge [sflag:s29], $0x4000  }
0x4a: {  	[sflag:s29] =	ssyncset.done $0x0  }
0x4b: {  	[sflag:s29] =	ssyncadd.s32 $0xFFFFC000  }
0x4c: {  	_ =	swait.ge [sflag:s29], $0x4000  }
0x4d: {  	[sflag:s29] =	ssyncset.done $0x0  }
0x4e: {  	s7 =	sadd.s32 $0x10000, s17;
	[sflag:s29] =	ssyncadd.s32 $0xFFFFC000  }
0x4f: {  	[hbm4b:s7+s3] =	stream.linear.scatter [tilespmem:s25], [sflag:$0x3], $0x4000, $0x38;
	[tilespmem:$0x10200] =	vst v63  }
0x50: {  	_ =	swait.ge [sflag:s19], $0x4000  }
0x51: {  	[sflag:s19] =	ssyncset.done $0x0  }
0x52: {  	s8 =	sadd.s32 $0x10000, s18;
	s31 =	sadd.s32 $0x20000, s18;
	[sflag:s19] =	ssyncadd.s32 $0xFFFFC000  }
0x53: {  	[hbm4b:s8+s3] =	stream.linear.scatter [tilespmem:s26], [sflag:$0x3], $0x4000, $0x38;
	[tilespmem:$0x10200] =	vst v63  }
0x54: {  	s2 =	simm.s32 $0x400;
	s4 =	simm.s32 $0x800;
	_ =	swait.ge [sflag:s19], $0x4000  }
0x55: {  	s5 =	sadd.s32 $0x400, s15;
	s0 =	sadd.s32 $0x20000, s17;
	[sflag:s19] =	ssyncset.done $0x0  }
.LBB2_2:
0x56: {  	s6 =	sadd.s32 $0x200, s5  }
0x57: {  	[sflag:s19] =	ssyncadd.s32 $0xFFFFC000;
	s5 =	smov.u32 s4;
	s4 =	sadd.s32 $0x400, s4  }
0x58: {  	[tilespmem:s23], [sflag:$0x3] =	stream.linear.gather [hbm4b:s6+s3], $0x80, $0x38;
	[tilespmem:$0x10200] =	vst v63  }
0x59: {  	p1 =	sne.s32 s4, $0x2400;
	_ =	swait.ge [sflag:s19], $0x80  }
0x5a: {  	s6 =	sadd.s32 s2, s16;
	[sflag:s19] =	ssyncset.done $0x0  }
0x5b: {  	s6 =	sadd.s32 $0x200, s6;
	[sflag:s19] =	ssyncadd.s32 $0xFFFFFF80  }
0x5c: {  	[tilespmem:s24], [sflag:$0x3] =	stream.linear.gather [hbm4b:s6+s3], $0x80, $0x38;
	[tilespmem:$0x10200] =	vst v63  }
0x5d: {  	_ =	swait.ge [sflag:s19], $0x80  }
0x5e: {  	[sflag:s19] =	ssyncset.done $0x0  }
0x5f: {  	[sflag:s19] =	ssyncadd.s32 $0xFFFFFF80  }
0x60: {  	[tilespmem:s25], [sflag:$0x2] =	stream.indirect.gather [hbm4b:s1+s20], $0x80, s23, s20, $0xb8;
	[tilespmem:$0x10200] =	vst v63  }
0x61: {  	_ = 	snop  }
0x62: {  	[tilespmem:s26], [sflag:$0x2] =	stream.indirect.gather [hbm4b:s1+s20], $0x80, s24, s20, $0xb8;
	[tilespmem:$0x10200] =	vst v63  }
0x63: {  	_ =	swait.ge [sflag:s28], $0x4000  }
0x64: {  	[sflag:s28] =	ssyncset.done $0x0  }
0x65: {  	[sflag:s28] =	ssyncadd.s32 $0xFFFFC000  }
0x66: {  	_ =	swait.ge [sflag:s28], $0x4000  }
0x67: {  	[sflag:s28] =	ssyncset.done $0x0  }
0x68: {  	[sflag:s28] =	ssyncadd.s32 $0xFFFFC000  }
0x69: {  	[hbm4b:s0+s3] =	stream.linear.scatter [tilespmem:s21], [sflag:$0x3], $0x4000, $0x38;
	[tilespmem:$0x10200] =	vst v63  }
0x6a: {  	_ =	swait.ge [sflag:s19], $0x4000  }
0x6b: {  	[sflag:s19] =	ssyncset.done $0x0  }
0x6c: {  	[sflag:s19] =	ssyncadd.s32 $0xFFFFC000  }
0x6d: {  	[hbm4b:s31+s3] =	stream.linear.scatter [tilespmem:s22], [sflag:$0x3], $0x4000, $0x38;
	[tilespmem:$0x10200] =	vst v63  }
0x6e: {  	p2 =	seq.s32 s2, $0x2000;
	_ =	swait.ge [sflag:s19], $0x4000  }
0x6f: {  	s7 =	simm.s32 @!p2 $0x3;
	s6 =	sadd.s32 @!p2 s2, s15;
	[sflag:s19] =	ssyncset.done $0x0  }
0x70: {  	s8 =	simm.s32 @!p2 $0x0;
	s6 =	sadd.s32 @!p2 $0x400, s6;
	[sflag:s19] =	ssyncadd.s32 $0xFFFFC000  }
0x71: {  	[tilespmem:s8], [sflag:$0x3] =	stream.linear.gather @!p2 [hbm4b:s6+s8], $0x80, $0x38;
	[tilespmem:$0x10200] =	vst v63  }
0x72: {  	s6 =	sadd.s32 @!p2 s2, s16;
	s2 =	smov.u32 s5;
	_ =	swait.ge @!p2 [sflag:s7], $0x80  }
0x73: {  	s5 =	sadd.s32 @!p2 $0x400, s6;
	[sflag:s7] =	ssyncset.done @!p2 $0x0  }
0x74: {  	s6 =	simm.s32 @!p2 $0x80;
	[sflag:s7] =	ssyncadd.s32 @!p2 $0xFFFFFF80  }
0x75: {  	[tilespmem:s6], [sflag:$0x3] =	stream.linear.gather @!p2 [hbm4b:s5+s8], $0x80, $0x38;
	[tilespmem:$0x10200] =	vst v63  }
0x76: {  	_ =	swait.ge @!p2 [sflag:s7], $0x80  }
0x77: {  	[sflag:s7] =	ssyncset.done @!p2 $0x0  }
0x78: {  	s5 =	simm.s32 @!p2 $0x200;
	[sflag:s7] =	ssyncadd.s32 @!p2 $0xFFFFFF80  }
0x79: {  	[tilespmem:s5], [sflag:$0x1] =	stream.indirect.gather @!p2 [hbm4b:s1+s6], $0x80, s8, s6, $0xb8;
	[tilespmem:$0x10200] =	vst v63  }
0x7a: {  	s5 =	simm.s32 @!p2 $0x4200  }
0x7b: {  	[tilespmem:s5], [sflag:$0x1] =	stream.indirect.gather @!p2 [hbm4b:s1+s6], $0x80, s6, s6, $0xb8;
	[tilespmem:$0x10200] =	vst v63  }
0x7c: {  	_ =	swait.ge [sflag:s29], $0x4000  }
0x7d: {  	[sflag:s29] =	ssyncset.done $0x0  }
0x7e: {  	[sflag:s29] =	ssyncadd.s32 $0xFFFFC000  }
0x7f: {  	_ =	swait.ge [sflag:s29], $0x4000  }
0x80: {  	[sflag:s29] =	ssyncset.done $0x0  }
0x81: {  	s5 =	sadd.s32 $0x10000, s0;
	[sflag:s29] =	ssyncadd.s32 $0xFFFFC000  }
0x82: {  	[hbm4b:s5+s3] =	stream.linear.scatter [tilespmem:s25], [sflag:$0x3], $0x4000, $0x38;
	[tilespmem:$0x10200] =	vst v63  }
0x83: {  	_ =	swait.ge [sflag:s19], $0x4000  }
.Ltmp0:
0x84: {  	[sflag:s19] =	ssyncset.done $0x0;
	(pc) =	sbr.rel @p1 .LBB2_2-.Ltmp0, $4  }
0x85: {  	s5 =	sadd.s32 $0x10000, s31;
	[sflag:s19] =	ssyncadd.s32 $0xFFFFC000  }
0x86: {  	[hbm4b:s5+s3] =	stream.linear.scatter [tilespmem:s26], [sflag:$0x3], $0x4000, $0x38;
	[tilespmem:$0x10200] =	vst v63  }
0x87: {  	s31 =	sadd.s32 $0x20000, s31;
	_ =	swait.ge [sflag:s19], $0x4000  }
0x88: {  	s0 =	sadd.s32 $0x20000, s0;
	s5 =	sadd.s32 s2, s15;
	[sflag:s19] =	ssyncset.done $0x0  }
0x89: {  	s4 =	sadd.s32 $0x200, s5;
	[sflag:s19] =	ssyncadd.s32 $0xFFFFC000  }
0x8a: {  	[tilespmem:s23], [sflag:$0x3] =	stream.linear.gather [hbm4b:s4+s3], $0x80, $0x38;
	[tilespmem:$0x10200] =	vst v63  }
0x8b: {  	_ =	swait.ge [sflag:s19], $0x80  }
0x8c: {  	s8 =	sadd.s32 s2, s16;
	[sflag:s19] =	ssyncset.done $0x0  }
0x8d: {  	s4 =	sadd.s32 $0x200, s8;
	[sflag:s19] =	ssyncadd.s32 $0xFFFFFF80  }
0x8e: {  	[tilespmem:s24], [sflag:$0x3] =	stream.linear.gather [hbm4b:s4+s3], $0x80, $0x38;
	[tilespmem:$0x10200] =	vst v63  }
0x8f: {  	_ =	swait.ge [sflag:s19], $0x80  }
0x90: {  	[sflag:s19] =	ssyncset.done $0x0  }
0x91: {  	[sflag:s19] =	ssyncadd.s32 $0xFFFFFF80  }
0x92: {  	[tilespmem:s25], [sflag:$0x2] =	stream.indirect.gather [hbm4b:s1+s20], $0x80, s23, s20, $0xb8;
	[tilespmem:$0x10200] =	vst v63  }
0x93: {  	_ = 	snop  }
0x94: {  	[tilespmem:s26], [sflag:$0x2] =	stream.indirect.gather [hbm4b:s1+s20], $0x80, s24, s20, $0xb8;
	[tilespmem:$0x10200] =	vst v63  }
0x95: {  	_ =	swait.ge [sflag:s28], $0x4000  }
0x96: {  	[sflag:s28] =	ssyncset.done $0x0  }
0x97: {  	[sflag:s28] =	ssyncadd.s32 $0xFFFFC000  }
0x98: {  	_ =	swait.ge [sflag:s28], $0x4000  }
0x99: {  	[sflag:s28] =	ssyncset.done $0x0  }
0x9a: {  	[sflag:s28] =	ssyncadd.s32 $0xFFFFC000  }
0x9b: {  	[hbm4b:s0+s3] =	stream.linear.scatter [tilespmem:s21], [sflag:$0x3], $0x4000, $0x38;
	[tilespmem:$0x10200] =	vst v63  }
0x9c: {  	_ =	swait.ge [sflag:s19], $0x4000  }
0x9d: {  	[sflag:s19] =	ssyncset.done $0x0  }
0x9e: {  	[sflag:s19] =	ssyncadd.s32 $0xFFFFC000  }
0x9f: {  	[hbm4b:s31+s3] =	stream.linear.scatter [tilespmem:s22], [sflag:$0x3], $0x4000, $0x38;
	[tilespmem:$0x10200] =	vst v63  }
0xa0: {  	p1 =	seq.s32 s2, $0x2000;
	_ =	swait.ge [sflag:s19], $0x4000  }
0xa1: {  	s5 =	simm.s32 @!p1 $0x3;
	s4 =	sadd.s32 @!p1 s2, s15;
	[sflag:s19] =	ssyncset.done $0x0  }
0xa2: {  	s6 =	simm.s32 @!p1 $0x0;
	s4 =	sadd.s32 @!p1 $0x400, s4;
	[sflag:s19] =	ssyncadd.s32 $0xFFFFC000  }
0xa3: {  	[tilespmem:s6], [sflag:$0x3] =	stream.linear.gather @!p1 [hbm4b:s4+s6], $0x80, $0x38;
	[tilespmem:$0x10200] =	vst v63  }
0xa4: {  	_ =	swait.ge @!p1 [sflag:s5], $0x80  }
0xa5: {  	s2 =	sadd.s32 @!p1 s2, s16;
	[sflag:s5] =	ssyncset.done @!p1 $0x0  }
0xa6: {  	s2 =	sadd.s32 @!p1 $0x400, s2;
	s4 =	simm.s32 @!p1 $0x80;
	[sflag:s5] =	ssyncadd.s32 @!p1 $0xFFFFFF80  }
0xa7: {  	[tilespmem:s4], [sflag:$0x3] =	stream.linear.gather @!p1 [hbm4b:s2+s6], $0x80, $0x38;
	[tilespmem:$0x10200] =	vst v63  }
0xa8: {  	_ =	swait.ge @!p1 [sflag:s5], $0x80  }
0xa9: {  	[sflag:s5] =	ssyncset.done @!p1 $0x0  }
0xaa: {  	s2 =	simm.s32 @!p1 $0x200;
	[sflag:s5] =	ssyncadd.s32 @!p1 $0xFFFFFF80  }
0xab: {  	[tilespmem:s2], [sflag:$0x1] =	stream.indirect.gather @!p1 [hbm4b:s1+s4], $0x80, s6, s4, $0xb8;
	[tilespmem:$0x10200] =	vst v63  }
0xac: {  	s2 =	simm.s32 @!p1 $0x4200  }
0xad: {  	[tilespmem:s2], [sflag:$0x1] =	stream.indirect.gather @!p1 [hbm4b:s1+s4], $0x80, s4, s4, $0xb8;
	[tilespmem:$0x10200] =	vst v63  }
0xae: {  	_ =	swait.ge [sflag:s29], $0x4000  }
0xaf: {  	[sflag:s29] =	ssyncset.done $0x0  }
0xb0: {  	[sflag:s29] =	ssyncadd.s32 $0xFFFFC000  }
0xb1: {  	_ =	swait.ge [sflag:s29], $0x4000  }
0xb2: {  	[sflag:s29] =	ssyncset.done $0x0  }
0xb3: {  	s5 =	sadd.s32 $0x10000, s0;
	[sflag:s29] =	ssyncadd.s32 $0xFFFFC000  }
0xb4: {  	[hbm4b:s5+s3] =	stream.linear.scatter [tilespmem:s25], [sflag:$0x3], $0x4000, $0x38;
	[tilespmem:$0x10200] =	vst v63  }
0xb5: {  	_ =	swait.ge [sflag:s19], $0x4000  }
0xb6: {  	[sflag:s19] =	ssyncset.done $0x0  }
0xb7: {  	s6 =	sadd.s32 $0x10000, s31;
	[sflag:s19] =	ssyncadd.s32 $0xFFFFC000  }
0xb8: {  	[hbm4b:s6+s3] =	stream.linear.scatter [tilespmem:s26], [sflag:$0x3], $0x4000, $0x38;
	[tilespmem:$0x10200] =	vst v63  }
0xb9: {  	_ =	swait.ge [sflag:s19], $0x4000  }
0xba: {  	[sflag:s19] =	ssyncset.done $0x0  }
0xbb: {  	s7 =	rddreg [dreg:$0x5];
	[sflag:s19] =	ssyncadd.s32 $0xFFFFC000  }
0xbc: {  	[tilespmem:s3], [sflag:$0x3] =	stream.linear.gather [hbm4b:s7+s3], $0x80, $0x38;
	[tilespmem:$0x10200] =	vst v63  }
0xbd: {  	_ =	swait.ge [sflag:s19], $0x80  }
0xbe: {  	[sflag:s19] =	ssyncset.done $0x0  }
0xbf: {  	s8 =	rddreg [dreg:$0x6];
	[sflag:s19] =	ssyncadd.s32 $0xFFFFFF80  }
0xc0: {  	[tilespmem:s20], [sflag:$0x3] =	stream.linear.gather [hbm4b:s8+s3], $0x80, $0x38;
	[tilespmem:$0x10200] =	vst v63  }
0xc1: {  	_ =	swait.ge [sflag:s19], $0x80  }
0xc2: {  	[sflag:s19] =	ssyncset.done $0x0  }
0xc3: {  	[sflag:s19] =	ssyncadd.s32 $0xFFFFFF80  }
0xc4: {  	[tilespmem:s21], [sflag:$0x1] =	stream.indirect.gather [hbm4b:s1+s20], $0x80, s3, s20, $0xb8;
	[tilespmem:$0x10200] =	vst v63  }
0xc5: {  	_ = 	snop  }
0xc6: {  	[tilespmem:s22], [sflag:$0x1] =	stream.indirect.gather [hbm4b:s1+s20], $0x80, s20, s20, $0xb8;
	[tilespmem:$0x10200] =	vst v63  }
0xc7: {  	_ =	swait.ge [sflag:s28], $0x4000  }
0xc8: {  	[sflag:s28] =	ssyncset.done $0x0  }
0xc9: {  	[sflag:s28] =	ssyncadd.s32 $0xFFFFC000  }
0xca: {  	_ =	swait.ge [sflag:s28], $0x4000  }
0xcb: {  	[sflag:s28] =	ssyncset.done $0x0  }
0xcc: {  	s31 =	rddreg [dreg:$0x7];
	[sflag:s28] =	ssyncadd.s32 $0xFFFFC000  }
0xcd: {  	[hbm4b:s31+s3] =	stream.linear.scatter [tilespmem:s21], [sflag:$0x3], $0x4000, $0x38;
	[tilespmem:$0x10200] =	vst v63  }
0xce: {  	_ =	swait.ge [sflag:s19], $0x4000  }
0xcf: {  	[sflag:s19] =	ssyncset.done $0x0  }
0xd0: {  	[sflag:s19] =	ssyncadd.s32 $0xFFFFC000  }
0xd1: {  	[hbm4b:s9+s3] =	stream.linear.scatter [tilespmem:s22], [sflag:$0x3], $0x4000, $0x38;
	[tilespmem:$0x10200] =	vst v63  }
0xd2: {  	_ =	swait.ge [sflag:s19], $0x4000  }
0xd3: {  	[sflag:s19] =	ssyncset.done $0x0  }
0xd4: {  	s0 =	simm.s32 @!p0 $0x0;
	s2 =	simm.s32 @!p0 $0x3;
	[sflag:s19] =	ssyncadd.s32 $0xFFFFC000  }
0xd5: {  	[tilespmem:s0], [sflag:$0x3] =	stream.linear.gather @!p0 [hbm4b:s10+s0], $0x80, $0x38;
	[tilespmem:$0x10200] =	vst v63  }
0xd6: {  	_ =	swait.ge @!p0 [sflag:s2], $0x80  }
0xd7: {  	[sflag:s2] =	ssyncset.done @!p0 $0x0  }
0xd8: {  	s4 =	simm.s32 @!p0 $0x80;
	[sflag:s2] =	ssyncadd.s32 @!p0 $0xFFFFFF80  }
0xd9: {  	[tilespmem:s4], [sflag:$0x3] =	stream.linear.gather @!p0 [hbm4b:s11+s0], $0x80, $0x38;
	[tilespmem:$0x10200] =	vst v63  }
0xda: {  	_ =	swait.ge @!p0 [sflag:s2], $0x80  }
0xdb: {  	[sflag:s2] =	ssyncset.done @!p0 $0x0  }
0xdc: {  	s5 =	simm.s32 @!p0 $0x200;
	[sflag:s2] =	ssyncadd.s32 @!p0 $0xFFFFFF80  }
0xdd: {  	[tilespmem:s5], [sflag:$0x1] =	stream.indirect.gather @!p0 [hbm4b:s1+s4], $0x80, s0, s4, $0xb8;
	[tilespmem:$0x10200] =	vst v63  }
0xde: {  	s6 =	simm.s32 @!p0 $0x4200  }
0xdf: {  	[tilespmem:s6], [sflag:$0x1] =	stream.indirect.gather @!p0 [hbm4b:s1+s4], $0x80, s4, s4, $0xb8;
	[tilespmem:$0x10200] =	vst v63  }
0xe0: {  	s4 =	simm.s32 @!p0 $0x1  }
0xe1: {  	_ =	swait.ge @!p0 [sflag:s4], $0x4000  }
0xe2: {  	[sflag:s4] =	ssyncset.done @!p0 $0x0  }
0xe3: {  	[sflag:s4] =	ssyncadd.s32 @!p0 $0xFFFFC000  }
0xe4: {  	_ =	swait.ge @!p0 [sflag:s4], $0x4000  }
0xe5: {  	[sflag:s4] =	ssyncset.done @!p0 $0x0  }
0xe6: {  	[sflag:s4] =	ssyncadd.s32 @!p0 $0xFFFFC000  }
0xe7: {  	[hbm4b:s12+s0] =	stream.linear.scatter @!p0 [tilespmem:s5], [sflag:$0x3], $0x4000, $0x38;
	[tilespmem:$0x10200] =	vst v63  }
0xe8: {  	s30 =	sadd.s32 $0x1, s30;
	_ =	swait.ge @!p0 [sflag:s2], $0x4000  }
0xe9: {  	p1 =	sne.s32 s30, s14;
	[sflag:s2] =	ssyncset.done @!p0 $0x0  }
.Ltmp1:
0xea: {  	[sflag:s2] =	ssyncadd.s32 @!p0 $0xFFFFC000;
	(pc) =	sbr.rel @p1 .LBB2_1-.Ltmp1, $4  }
0xeb: {  	[hbm4b:s13+s0] =	stream.linear.scatter @!p0 [tilespmem:s6], [sflag:$0x3], $0x4000, $0x38;
	[tilespmem:$0x10200] =	vst v63  }
0xec: {  	_ =	swait.ge @!p0 [sflag:s2], $0x4000  }
0xed: {  	[sflag:s2] =	ssyncset.done @!p0 $0x0  }
0xee: {  	[sflag:s2] =	ssyncadd.s32 @!p0 $0xFFFFC000  }
0xef: {  	_ =	sfence.sel $0x180000  }
0xf0: {  	[bflag:$0x0] =	sbarrier.arrive $0xFFFF  }
0xf1: {  	_ =	strace $0x90000050  }
0xf2: {  	s0 =	stileid.u32;
	[bflag:$0x2] =	sbarrier.arrive $0xFFFF  }
0xf3: {  	p0 =	sne.s32 s0, $0x0;
	s0 =	rddreg [dreg:$0x2]  }
0xf4: {  	s0 =	sadd.s32 @!p0 $0x100000, s0  }
0xf5: {  	[sflag:s0] =	ssyncadd.tile.s32 @!p0 $0x1;
	_ =	shalt  }
.Lfunc_end2:
_tile_overlayer_lowered:
.L_overlay_start_2:
0xf6: {  	(tag) =	ssettag $0x2  }
0xf7: {  	s0 =	rddreg [dreg:$0x0];
	s2 =	stileid.u32  }
0xf8: {  	s1 =	rddreg [dreg:$0x1];
	p0 =	sne.s32 s2, $0x0  }
0xf9: {  	s3 =	rddreg [dreg:$0x2];
	[bflag:$0x3] =	sbarrier.arrive $0xFFFF;
	s2 =	simm.s32 @!p0 $0x1C03  }
0xfa: {  	[timem:s3], [sflag:s2] =	dma.local @!p0 [hbm:s0], s1  }
0xfb: {  	s0 =	simm.s32 @!p0 $0x3  }
0xfc: {  	_ =	swait.ge @!p0 [sflag:s0], s1  }
0xfd: {  	s1 =	ssub.s32 @!p0 $0x0, s1;
	[sflag:s0] =	ssyncset.done @!p0 $0x0  }
0xfe: {  	[sflag:s0] =	ssyncadd.s32 @!p0 s1  }
0xff: {  	[bflag:$0x3] =	sbarrier.arrive $0xFFFF  }
0x100: {  	_ =	shalt  }

// kernel: kernel.16.cloned.1.call-start
scs
__scs_entry_jumppad:
0x0: {  	(pc) =	sbr.rel $0x88, $3  }
0x1: {  	(tag) =	ssettag $0x0;
	lr =	simm.s32 $0x1  }
0x2: {  	[smem:$0x3F99] =	sst lr;
	_ =	strace $0xD0000000  }
0x3: {  	_ = 	snop  }
0x4: {  	_ = 	snop  }
0x5: {  	_ = 	snop  }
0x6: {  	_ = 	snop  }
0x7: {  	_ = 	snop  }
__scs_overlays_trampoline_lowered:
0x8: {  	[smem:$0x3FA8] =	sst s0  }
0x9: {  	[smem:$0x3FA9] =	sst s1  }
0xa: {  	[smem:$0x3FAA] =	sst s2  }
0xb: {  	[smem:$0x3FAB] =	sst s3  }
0xc: {  	[smem:$0x3FAC] =	sst s4  }
0xd: {  	[smem:$0x3FAD] =	sst s5  }
0xe: {  	[smem:$0x3FAE] =	sst s6  }
0xf: {  	[smem:$0x3FAF] =	sst s7  }
0x10: {  	[smem:$0x3FB0] =	sst s8  }
0x11: {  	[smem:$0x3FB1] =	sst s9;
	s0 =	simm.s32 @!p0 $0x0  }
0x12: {  	s1 =	sld [smem:$0x3F97];
	s0 =	simm.s32 @p0 $0x1  }
0x13: {  	[smem:$0x3FB2] =	sst s0;
	s0 =	simm.s32 @!p1 $0x0  }
0x14: {  	s2 =	sld [smem:$0x3F96];
	s0 =	simm.s32 @p1 $0x1  }
0x15: {  	[smem:$0x3FB3] =	sst s0;
	s0 =	simm.s32 @!p2 $0x0  }
0x16: {  	s3 =	sld [smem:$0x3FDB];
	s0 =	simm.s32 @p2 $0x1  }
0x17: {  	s4 =	simm.s32 $0x1BF5;
	[smem:$0x3FB5] =	sst s0  }
0x18: {  	s0 =	sld [smem:$0x3F98];
	_ =	swait.ge [sflag:s4], $0x0  }
0x19: {  	s7 =	sld [smem:$0x3F99]  }
0x1a: {  	s8 =	sadd.s32 $0xFFFFE003, lr  }
0x1b: {  	s9 =	sadd.s32 $0xFFFFFEF7, lr;
	s5 =	simm.s32 $0xFFFFFFFF;
	p2 =	slt.u32 s8, $0xFFFFF086  }
0x1c: {  	p1 =	slt.u32 s9, $0xF7A;
	s5 =	simm.s32 @!p2 $0x0  }
0x1d: {  	s5 =	simm.s32 @p1 $0x1;
	p0 =	seq.s32 s7, s2  }
0x1e: {  	s7 =	smul.u32 @!p0 $0xF7A, s2;
	p2 =	seq.s32 @!p0 s5, $0x0  }
0x1f: {  	s9 =	smul.u32 $0xF7A, s1;
	s8 =	simm.s32 @!p0 $0x1BF5;
	p2 =	por !p2, p0  }
0x20: {  	[sflag:s8] =	ssyncset.s32 @!p0 $0xFFFFF086;
	s6 =	sadd.s32 @!p0 s3, s7;
	s7 =	simm.s32 @!p0 $0x108  }
0x21: {  	s3 =	sadd.s32 s3, s9;
	s6 =	sadd.s32 @!p0 $0x88, s6;
	s7 =	simm.s32 @p2 $0x1082  }
0x22: {  	[simem:s7], [sflag:s8] =	dma.local @!p0 [hbm:s6], $0xF7A  }
0x23: {  	s9 =	sor.u32 $0xD0000000, s2;
	s6 =	simm.s32 $0x108;
	_ =	swait.ge @!p0 [sflag:s8], $0x0  }
0x24: {  	s3 =	sadd.s32 $0x88, s3;
	s6 =	simm.s32 @!p1 $0x1082;
	[sflag:s4] =	ssyncset.s32 $0xFFFFF086  }
0x25: {  	[simem:s6], [sflag:s4] =	dma.local [hbm:s3], $0xF7A  }
0x26: {  	[smem:$0x3F99] =	sst s1;
	(tag) =	ssettag s2;
	_ =	strace s9  }
0x27: {  	s1 =	sld [smem:$0x3FA9]  }
0x28: {  	s2 =	sld [smem:$0x3FAA]  }
0x29: {  	s4 =	sld [smem:$0x3FAC]  }
0x2a: {  	p0 =	seq.s32 s5, $0x0;
	s5 =	sld [smem:$0x3FAD]  }
0x2b: {  	s6 =	sld [smem:$0x3FAE]  }
0x2c: {  	s7 =	sld [smem:$0x3FAF]  }
0x2d: {  	s3 =	simm.s32 $0x108;
	s8 =	sld [smem:$0x3FB0]  }
0x2e: {  	s3 =	simm.s32 @!p0 $0x1082;
	s9 =	sld [smem:$0x3FB1]  }
0x2f: {  	lr =	sadd.s32 s0, s3;
	s0 =	sld [smem:$0x3FA8]  }
0x30: {  	s3 =	sld [smem:$0x3FAB]  }
0x31: {  	[smem:$0x3FB4] =	sst s10  }
0x32: {  	s10 =	sld [smem:$0x3FB2];
	_ =	sdelay $0x3  }
0x33: {  	p0 =	seq.s32 s10, $0x1;
	s10 =	sld [smem:$0x3FB4];
	_ =	sdelay $0x3  }
0x34: {  	[smem:$0x3FB4] =	sst s10  }
0x35: {  	s10 =	sld [smem:$0x3FB3];
	_ =	sdelay $0x3  }
0x36: {  	p1 =	seq.s32 s10, $0x1;
	s10 =	sld [smem:$0x3FB4];
	_ =	sdelay $0x3  }
0x37: {  	[smem:$0x3FB4] =	sst s10  }
0x38: {  	s10 =	sld [smem:$0x3FB5]  }
0x39: {  	_ = 	snop;
	(pc) =	sbr.ind lr, $3  }
0x3a: {  	_ = 	snop  }
0x3b: {  	_ = 	snop  }
0x3c: {  	p2 =	seq.s32 s10, $0x1;
	s10 =	sld [smem:$0x3FB4]  }
0x3d: {  	_ =	shalt  }
0x3e: {  	_ =	shalt  }
0x3f: {  	_ =	shalt  }
0x40: {  	_ =	shalt  }
0x41: {  	_ =	shalt  }
0x42: {  	_ =	shalt  }
0x43: {  	_ =	shalt  }
0x44: {  	_ =	shalt  }
0x45: {  	_ =	shalt  }
0x46: {  	_ =	shalt  }
0x47: {  	_ =	shalt  }
0x48: {  	_ =	shalt  }
0x49: {  	_ =	shalt  }
0x4a: {  	_ =	shalt  }
0x4b: {  	_ =	shalt  }
0x4c: {  	_ =	shalt  }
0x4d: {  	_ =	shalt  }
0x4e: {  	_ =	shalt  }
0x4f: {  	_ =	shalt  }
0x50: {  	_ =	shalt  }
0x51: {  	_ =	shalt  }
0x52: {  	_ =	shalt  }
0x53: {  	_ =	shalt  }
0x54: {  	_ =	shalt  }
0x55: {  	_ =	shalt  }
0x56: {  	_ =	shalt  }
0x57: {  	_ =	shalt  }
0x58: {  	_ =	shalt  }
0x59: {  	_ =	shalt  }
0x5a: {  	_ =	shalt  }
0x5b: {  	_ =	shalt  }
0x5c: {  	_ =	shalt  }
0x5d: {  	_ =	shalt  }
0x5e: {  	_ =	shalt  }
0x5f: {  	_ =	shalt  }
0x60: {  	_ =	shalt  }
0x61: {  	_ =	shalt  }
0x62: {  	_ =	shalt  }
0x63: {  	_ =	shalt  }
0x64: {  	_ =	shalt  }
0x65: {  	_ =	shalt  }
0x66: {  	_ =	shalt  }
0x67: {  	_ =	shalt  }
0x68: {  	_ =	shalt  }
0x69: {  	_ =	shalt  }
0x6a: {  	_ =	shalt  }
0x6b: {  	_ =	shalt  }
0x6c: {  	_ =	shalt  }
0x6d: {  	_ =	shalt  }
0x6e: {  	_ =	shalt  }
0x6f: {  	_ =	shalt  }
0x70: {  	_ =	shalt  }
0x71: {  	_ =	shalt  }
0x72: {  	_ =	shalt  }
0x73: {  	_ =	shalt  }
0x74: {  	_ =	shalt  }
0x75: {  	_ =	shalt  }
0x76: {  	_ =	shalt  }
0x77: {  	_ =	shalt  }
0x78: {  	_ =	shalt  }
0x79: {  	_ =	shalt  }
0x7a: {  	_ =	shalt  }
0x7b: {  	_ =	shalt  }
0x7c: {  	_ =	shalt  }
0x7d: {  	_ =	shalt  }
0x7e: {  	_ =	shalt  }
0x7f: {  	_ =	shalt  }
0x80: {  	_ =	shalt  }
0x81: {  	_ =	shalt  }
0x82: {  	_ =	shalt  }
0x83: {  	_ =	shalt  }
0x84: {  	_ =	shalt  }
0x85: {  	_ =	shalt  }
0x86: {  	_ =	shalt  }
0x87: {  	_ =	shalt  }
.Lfunc_end0:
.L_simem_size_0:
called_computation.2_lowered:
.L_overlay_start_0:
0x88: {  	s2 =	sld [smem:$0x3FD9]  }
0x89: {  	s3 =	sld [smem:$0x3FFE];
	_ =	sdelay $0x1  }
0x8a: {  	s1 =	srdreg.scid  }
0x8b: {  	s0 =	sand.u32 $0x1, s1  }
0x8c: {  	s17 =	sshll.u32 s0, $0xA;
	s2 =	sadd.s32 s3, s2  }
0x8d: {  	s2 =	sadd.s32 s2, s17  }
0x8e: {  	[smem:$0x3FC0] =	sst s2  }
0x8f: {  	_ = 	snop  }
0x90: {  	s18 =	sld [smem:$0x3FC9];
	(tm) =	ssettm $0x1  }
0x91: {  	s19 =	sld [smem:$0x3FFB];
	_ =	sdelay $0x3  }
0x92: {  	_ =	strace s19  }
0x93: {  	s2 =	sld [smem:$0x3FFC];
	_ =	sdelay $0x3  }
0x94: {  	_ =	strace s2  }
0x95: {  	s2 =	sld [smem:$0x3FFD];
	_ =	sdelay $0x3  }
0x96: {  	_ =	strace s2  }
0x97: {  	_ =	strace $0x8FFFFFFF  }
0x98: {  	s20 =	sld [smem:$0x3FDB];
	_ =	sdelay $0x1  }
0x99: {  	s4 =	simm.s32 $_scs_section_size  }
0x9a: {  	s5 =	simm.s32 $_size__tile_overlayer_lowered;
	s6 =	simm.s32 $_tile_overlayer_lowered  }
0x9b: {  	s7 =	simm.s32 $0x1BFF;
	s21 =	sshll.u32 s6, $0x1;
	s4 =	sadd.s32 s4, s20  }
0x9c: {  	s22 =	simm.s32 $0x0;
	s5 =	sshll.u32 s5, $0x1;
	s6 =	sadd.s32 s21, s4  }
0x9d: {  	[timem:s22], [sflag:s7] =	dma.local [hbm:s6], s5  }
0x9e: {  	_ =	swait.ge [sflag:s7], s5  }
0x9f: {  	s5 =	ssub.s32 $0x0, s5;
	[sflag:s7] =	ssyncset.done $0x0  }
0xa0: {  	[sflag:s7] =	ssyncadd.s32 s5;
	_ =	sdelay $0x1  }
0xa1: {  	s23 =	simm.s32 $0x1B8B  }
0xa2: {  	_ =	swait.ge [sflag:s23], $0x1  }
0xa3: {  	[sflag:s23] =	ssyncset.done $0x0  }
0xa4: {  	[sflag:s23] =	ssyncadd.s32 $0xFFFFFFFF  }
0xa5: {  	s5 =	sld [smem:$0x0]  }
0xa6: {  	s6 =	sand.u32 $0xFFFFFFFE, s1  }
0xa7: {  	p0 =	sne.s32 s1, s6  }
0xa8: {  	s6 =	sshll.u32 @p0 s6, $0xE  }
0xa9: {  	s6 =	sadd.s32 @p0 $0x11B8D, s6;
	s7 =	sshll.u32 @p0 s5, $0x11  }
0xaa: {  	s6 =	sor.u32 @p0 s7, s6  }
0xab: {  	[sflag:s6] =	ssyncadd.remote.s32 @p0 $0x1;
	_ =	sdelay $0x1  }
0xac: {  	s6 =	simm.s32 @p0 $0x1B8D  }
0xad: {  	_ =	swait.eq @p0 [sflag:s6], $0x1  }
0xae: {  	[sflag:s6] =	ssyncadd.s32 @p0 $0xFFFFFFFF  }
0xaf: {  	s7 =	sshll.u32 @!p0 s1, $0xE  }
0xb0: {  	s7 =	sor.u32 @!p0 $0x4000, s7;
	s6 =	simm.s32 @!p0 $0x1B8D  }
0xb1: {  	s5 =	sshll.u32 @!p0 s5, $0x11;
	s7 =	sadd.s32 @!p0 $0x11B8D, s7;
	_ =	swait.eq @!p0 [sflag:s6], $0x1  }
0xb2: {  	s5 =	sor.u32 @!p0 s5, s7;
	[sflag:s6] =	ssyncadd.s32 @!p0 $0xFFFFFFFF  }
0xb3: {  	s25 =	simm.s32 $0x1B8E;
	s24 =	sld [smem:$0x3FFE];
	[sflag:s5] =	ssyncadd.remote.s32 @!p0 $0x1  }
0xb4: {  	s26 =	simm.s32 $execute0_lowered;
	[smem:$0x3FD2] =	sst s25  }
0xb5: {  	s6 =	sshll.u32 s26, $0x1;
	_ =	strace $0x8000004C;
	[dreg:$0x1] =	wrdreg $0xFFFFFFFF  }
0xb6: {  	s28 =	simm.s32 $_size_execute0_lowered;
	s4 =	sadd.s32 s4, s6;
	[dreg:$0x0] =	wrdreg $0x0  }
0xb7: {  	s6 =	sshll.u32 s28, $0x1;
	[dreg:$0x2] =	wrdreg s4  }
0xb8: {  	[dreg:$0x3] =	wrdreg s6  }
0xb9: {  	[dreg:$0x4] =	wrdreg $0xC0  }
0xba: {  	_ =	task [dreg:s22], $0x5FFFF  }
0xbb: {  	[dreg:$0x1] =	wrdreg $0xFFFFFFFF  }
0xbc: {  	[dreg:$0x0] =	wrdreg $0x60  }
0xbd: {  	[dreg:$0x2] =	wrdreg s18  }
0xbe: {  	[dreg:$0x3] =	wrdreg s24  }
0xbf: {  	[dreg:$0x4] =	wrdreg $0xB  }
0xc0: {  	_ =	task.clear_ibuf [dreg:s22], $0x5FFFF;
	_ =	strace $0x9000004C  }
0xc1: {  	s29 =	simm.s32 $0xB;
	_ =	strace $0x8000004E  }
0xc2: {  	_ =	swait.ge [sflag:s29], $0x1  }
0xc3: {  	[sflag:s29] =	ssyncadd.s32 $0xFFFFFFFF  }
0xc4: {  	_ =	strace $0x9000004E  }
0xc5: {  	_ =	sfence  }
0xc6: {  	s30 =	sld [smem:$0x0];
	_ =	sdelay $0x2  }
0xc7: {  	s31 =	sshll.u32 s1, $0xD;
	s1 =	sshrl.u32 s1, $0x2  }
0xc8: {  	s4 =	sand.u32 $0x4000, s31;
	s1 =	sadd.s32 s1, s30  }
0xc9: {  	s0 =	sor.u32 s4, s0;
	s1 =	sshll.u32 s1, $0x11  }
0xca: {  	s0 =	sor.u32 s1, s0  }
0xcb: {  	s0 =	sadd.s32 $0x8F2B, s0  }
0xcc: {  	[sflag:s0] =	ssyncadd.remote.s32 $0x1  }
0xcd: {  	_ =	sfence.sel $0xFFFF  }
0xce: {  	[dreg:$0x0] =	wrdreg $0xFFFFFFFF;
	(pc) =	sbr.abs _section_cstart, $3  }
0xcf: {  	[dreg:$0x1] =	wrdreg $0xFFFFFFFF  }
0xd0: {  	_ =	task.clear_ibuf [dreg:s22], $0x2FFFF;
	_ =	strace $0x9FFFFFFF  }
0xd1: {  	(tm) =	ssettm $0x7FFFFFFF  }
tec
execute0_lowered:
.L_overlay_start_1:
0x0: {  	(tag) =	ssettag $0x1  }
0x1: {  	s1 =	rddreg [dreg:$0x0]  }
0x2: {  	s0 =	rddreg [dreg:$0x1]  }
0x3: {  	s3 =	simm.s32 $0x0;
	s2 =	srdreg.scid;
	s20 =	stileid.u32  }
0x4: {  	s28 =	simm.s32 $0x1;
	s29 =	simm.s32 $0x2;
	s30 =	simm.s32 $0x0  }
0x5: {  	[smem:$0x7FF] =	sst s3;
	s2 =	sand.u32 $0x1, s2;
	s4 =	sshll.u32 s20, $0x1  }
0x6: {  	s5 =	sadd.s32 $0xA000, s0;
	s16 =	sadd.s32 $0x7800, s0;
	s17 =	sadd.s32 $0x4F3800, s0  }
0x7: {  	s0 =	sadd.s32 $0x62C000, s0;
	s18 =	sshll.u32 s20, $0x5;
	s31 =	sshll.u32 s20, $0xC  }
0x8: {  	s20 =	simm.s32 $0x80;
	_ =	strace $0x8000004D;
	s4 =	sor.u32 s2, s4  }
0x9: {  	s6 =	ssub.s32 $0x2, s2;
	s19 =	sshll.u32 s2, $0x4;
	s26 =	sadd.s32 s18, s16  }
0xa: {  	s2 =	sshll.u32 s2, $0xB;
	s8 =	sshll.u32 s4, $0x7;
	s7 =	sshrl.u32 s6, $0x1  }
0xb: {  	s21 =	sshll.u32 s4, $0x4;
	p0 =	sgt.u32 s4, $0x10;
	s9 =	sor.u32 $0x12000, s8  }
0xc: {  	s14 =	ssub.s32 s6, s7;
	s10 =	sadd.s32 s5, s21;
	s6 =	sadd.s32 s16, s21  }
0xd: {  	s12 =	sor.u32 $0x13000, s8;
	s21 =	simm.s32 $0x200;
	[dreg:$0x3] =	wrdreg s10  }
0xe: {  	s22 =	sshrl.u32 s9, $0x3;
	[dreg:$0x4] =	wrdreg s6;
	s9 =	sshll.u32 s9, $0x4  }
0xf: {  	s11 =	sshrl.u32 s12, $0x3;
	s13 =	sshll.u32 s12, $0x4;
	s14 =	smax.u32 s14, $0x1  }
0x10: {  	s23 =	sadd.s32 s5, s22;
	s24 =	sadd.s32 s16, s22;
	s25 =	sadd.s32 s17, s9  }
0x11: {  	s9 =	sadd.s32 s0, s9;
	s10 =	sadd.s32 s5, s11;
	s11 =	sadd.s32 s16, s11  }
0x12: {  	s12 =	sadd.s32 s17, s13;
	s13 =	sadd.s32 s0, s13;
	s5 =	sadd.s32 s18, s5  }
0x13: {  	s17 =	sadd.s32 s31, s17;
	s0 =	sadd.s32 s31, s0;
	[dreg:$0x5] =	wrdreg s23  }
0x14: {  	s16 =	sadd.s32 s19, s26;
	s22 =	simm.s32 $0x4200;
	[dreg:$0x6] =	wrdreg s24  }
0x15: {  	s26 =	simm.s32 $0xC200;
	[dreg:$0x7] =	wrdreg s25;
	s15 =	sadd.s32 s19, s5  }
0x16: {  	s17 =	sadd.s32 s2, s17;
	s18 =	sadd.s32 s2, s0;
	s19 =	simm.s32 $0x3  }
0x17: {  	s23 =	simm.s32 $0x100;
	s24 =	simm.s32 $0x180;
	s25 =	simm.s32 $0x8200  }
.LBB2_1:
0x18: {  	s0 =	rddreg [dreg:$0x3]  }
0x19: {  	[tilespmem:s3], [sflag:$0x3] =	stream.linear.gather [hbm4b:s0+s3], $0x80, $0x38;
	[tilespmem:$0x10200] =	vst v63  }
0x1a: {  	_ =	swait.ge [sflag:s19], $0x80  }
0x1b: {  	[sflag:s19] =	ssyncset.done $0x0  }
0x1c: {  	s4 =	rddreg [dreg:$0x4];
	[sflag:s19] =	ssyncadd.s32 $0xFFFFFF80  }
0x1d: {  	[tilespmem:s20], [sflag:$0x3] =	stream.linear.gather [hbm4b:s4+s3], $0x80, $0x38;
	[tilespmem:$0x10200] =	vst v63  }
0x1e: {  	_ =	swait.ge [sflag:s19], $0x80  }
0x1f: {  	[sflag:s19] =	ssyncset.done $0x0  }
0x20: {  	[sflag:s19] =	ssyncadd.s32 $0xFFFFFF80  }
0x21: {  	[tilespmem:s21], [sflag:$0x1] =	stream.indirect.gather [hbm4b:s1+s20], $0x80, s3, s20, $0xb8;
	[tilespmem:$0x10200] =	vst v63  }
0x22: {  	s5 =	sadd.s32 $0x0, s15  }
0x23: {  	[tilespmem:s22], [sflag:$0x1] =	stream.indirect.gather [hbm4b:s1+s20], $0x80, s20, s20, $0xb8;
	[tilespmem:$0x10200] =	vst v63  }
0x24: {  	s0 =	sadd.s32 $0x200, s5  }
0x25: {  	[tilespmem:s23], [sflag:$0x3] =	stream.linear.gather [hbm4b:s0+s3], $0x80, $0x38;
	[tilespmem:$0x10200] =	vst v63  }
0x26: {  	_ =	swait.ge [sflag:s19], $0x80  }
0x27: {  	s6 =	sadd.s32 $0x0, s16;
	[sflag:s19] =	ssyncset.done $0x0  }
0x28: {  	s0 =	sadd.s32 $0x200, s6;
	[sflag:s19] =	ssyncadd.s32 $0xFFFFFF80  }
0x29: {  	[tilespmem:s24], [sflag:$0x3] =	stream.linear.gather [hbm4b:s0+s3], $0x80, $0x38;
	[tilespmem:$0x10200] =	vst v63  }
0x2a: {  	_ =	swait.ge [sflag:s19], $0x80  }
0x2b: {  	[sflag:s19] =	ssyncset.done $0x0  }
0x2c: {  	[sflag:s19] =	ssyncadd.s32 $0xFFFFFF80  }
0x2d: {  	[tilespmem:s25], [sflag:$0x2] =	stream.indirect.gather [hbm4b:s1+s20], $0x80, s23, s20, $0xb8;
	[tilespmem:$0x10200] =	vst v63  }
0x2e: {  	_ = 	snop  }
0x2f: {  	[tilespmem:s26], [sflag:$0x2] =	stream.indirect.gather [hbm4b:s1+s20], $0x80, s24, s20, $0xb8;
	[tilespmem:$0x10200] =	vst v63  }
0x30: {  	_ =	swait.ge [sflag:s28], $0x4000  }
0x31: {  	[sflag:s28] =	ssyncset.done $0x0  }
0x32: {  	[sflag:s28] =	ssyncadd.s32 $0xFFFFC000  }
0x33: {  	_ =	swait.ge [sflag:s28], $0x4000  }
0x34: {  	[sflag:s28] =	ssyncset.done $0x0  }
0x35: {  	[sflag:s28] =	ssyncadd.s32 $0xFFFFC000  }
0x36: {  	[hbm4b:s17+s3] =	stream.linear.scatter [tilespmem:s21], [sflag:$0x3], $0x4000, $0x38;
	[tilespmem:$0x10200] =	vst v63  }
0x37: {  	_ =	swait.ge [sflag:s19], $0x4000  }
0x38: {  	[sflag:s19] =	ssyncset.done $0x0  }
0x39: {  	[sflag:s19] =	ssyncadd.s32 $0xFFFFC000  }
0x3a: {  	[hbm4b:s18+s3] =	stream.linear.scatter [tilespmem:s22], [sflag:$0x3], $0x4000, $0x38;
	[tilespmem:$0x10200] =	vst v63  }
0x3b: {  	p1 =	por $0x0, $0x0;
	_ =	swait.ge [sflag:s19], $0x4000  }
0x3c: {  	s2 =	simm.s32 @!p1 $0x3;
	s0 =	sadd.s32 @!p1 $0x0, s15;
	[sflag:s19] =	ssyncset.done $0x0  }
0x3d: {  	s4 =	simm.s32 @!p1 $0x0;
	s0 =	sadd.s32 @!p1 $0x400, s0;
	[sflag:s19] =	ssyncadd.s32 $0xFFFFC000  }
0x3e: {  	[tilespmem:s4], [sflag:$0x3] =	stream.linear.gather @!p1 [hbm4b:s0+s4], $0x80, $0x38;
	[tilespmem:$0x10200] =	vst v63  }
0x3f: {  	_ =	swait.ge @!p1 [sflag:s2], $0x80  }
0x40: {  	s0 =	sadd.s32 @!p1 $0x0, s16;
	[sflag:s2] =	ssyncset.done @!p1 $0x0  }
0x41: {  	s5 =	simm.s32 @!p1 $0x80;
	s0 =	sadd.s32 @!p1 $0x400, s0;
	[sflag:s2] =	ssyncadd.s32 @!p1 $0xFFFFFF80  }
0x42: {  	[tilespmem:s5], [sflag:$0x3] =	stream.linear.gather @!p1 [hbm4b:s0+s4], $0x80, $0x38;
	[tilespmem:$0x10200] =	vst v63  }
0x43: {  	_ =	swait.ge @!p1 [sflag:s2], $0x80  }
0x44: {  	[sflag:s2] =	ssyncset.done @!p1 $0x0  }
0x45: {  	s0 =	simm.s32 @!p1 $0x200;
	[sflag:s2] =	ssyncadd.s32 @!p1 $0xFFFFFF80  }
0x46: {  	[tilespmem:s0], [sflag:$0x1] =	stream.indirect.gather @!p1 [hbm4b:s1+s5], $0x80, s4, s5, $0xb8;
	[tilespmem:$0x10200] =	vst v63  }
0x47: {  	s0 =	simm.s32 @!p1 $0x4200  }
0x48: {  	[tilespmem:s0], [sflag:$0x1] =	stream.indirect.gather @!p1 [hbm4b:s1+s5], $0x80, s5, s5, $0xb8;
	[tilespmem:$0x10200] =	vst v63  }
0x49: {  	_ =	swait.ge [sflag:s29], $0x4000  }
0x4a: {  	[sflag:s29] =	ssyncset.done $0x0  }
0x4b: {  	[sflag:s29] =	ssyncadd.s32 $0xFFFFC000  }
0x4c: {  	_ =	swait.ge [sflag:s29], $0x4000  }
0x4d: {  	[sflag:s29] =	ssyncset.done $0x0  }
0x4e: {  	s7 =	sadd.s32 $0x10000, s17;
	[sflag:s29] =	ssyncadd.s32 $0xFFFFC000  }
0x4f: {  	[hbm4b:s7+s3] =	stream.linear.scatter [tilespmem:s25], [sflag:$0x3], $0x4000, $0x38;
	[tilespmem:$0x10200] =	vst v63  }
0x50: {  	_ =	swait.ge [sflag:s19], $0x4000  }
0x51: {  	[sflag:s19] =	ssyncset.done $0x0  }
0x52: {  	s8 =	sadd.s32 $0x10000, s18;
	s31 =	sadd.s32 $0x20000, s18;
	[sflag:s19] =	ssyncadd.s32 $0xFFFFC000  }
0x53: {  	[hbm4b:s8+s3] =	stream.linear.scatter [tilespmem:s26], [sflag:$0x3], $0x4000, $0x38;
	[tilespmem:$0x10200] =	vst v63  }
0x54: {  	s2 =	simm.s32 $0x400;
	s4 =	simm.s32 $0x800;
	_ =	swait.ge [sflag:s19], $0x4000  }
0x55: {  	s5 =	sadd.s32 $0x400, s15;
	s0 =	sadd.s32 $0x20000, s17;
	[sflag:s19] =	ssyncset.done $0x0  }
.LBB2_2:
0x56: {  	s6 =	sadd.s32 $0x200, s5  }
0x57: {  	[sflag:s19] =	ssyncadd.s32 $0xFFFFC000;
	s5 =	smov.u32 s4;
	s4 =	sadd.s32 $0x400, s4  }
0x58: {  	[tilespmem:s23], [sflag:$0x3] =	stream.linear.gather [hbm4b:s6+s3], $0x80, $0x38;
	[tilespmem:$0x10200] =	vst v63  }
0x59: {  	p1 =	sne.s32 s4, $0x2400;
	_ =	swait.ge [sflag:s19], $0x80  }
0x5a: {  	s6 =	sadd.s32 s2, s16;
	[sflag:s19] =	ssyncset.done $0x0  }
0x5b: {  	s6 =	sadd.s32 $0x200, s6;
	[sflag:s19] =	ssyncadd.s32 $0xFFFFFF80  }
0x5c: {  	[tilespmem:s24], [sflag:$0x3] =	stream.linear.gather [hbm4b:s6+s3], $0x80, $0x38;
	[tilespmem:$0x10200] =	vst v63  }
0x5d: {  	_ =	swait.ge [sflag:s19], $0x80  }
0x5e: {  	[sflag:s19] =	ssyncset.done $0x0  }
0x5f: {  	[sflag:s19] =	ssyncadd.s32 $0xFFFFFF80  }
0x60: {  	[tilespmem:s25], [sflag:$0x2] =	stream.indirect.gather [hbm4b:s1+s20], $0x80, s23, s20, $0xb8;
	[tilespmem:$0x10200] =	vst v63  }
0x61: {  	_ = 	snop  }
0x62: {  	[tilespmem:s26], [sflag:$0x2] =	stream.indirect.gather [hbm4b:s1+s20], $0x80, s24, s20, $0xb8;
	[tilespmem:$0x10200] =	vst v63  }
0x63: {  	_ =	swait.ge [sflag:s28], $0x4000  }
0x64: {  	[sflag:s28] =	ssyncset.done $0x0  }
0x65: {  	[sflag:s28] =	ssyncadd.s32 $0xFFFFC000  }
0x66: {  	_ =	swait.ge [sflag:s28], $0x4000  }
0x67: {  	[sflag:s28] =	ssyncset.done $0x0  }
0x68: {  	[sflag:s28] =	ssyncadd.s32 $0xFFFFC000  }
0x69: {  	[hbm4b:s0+s3] =	stream.linear.scatter [tilespmem:s21], [sflag:$0x3], $0x4000, $0x38;
	[tilespmem:$0x10200] =	vst v63  }
0x6a: {  	_ =	swait.ge [sflag:s19], $0x4000  }
0x6b: {  	[sflag:s19] =	ssyncset.done $0x0  }
0x6c: {  	[sflag:s19] =	ssyncadd.s32 $0xFFFFC000  }
0x6d: {  	[hbm4b:s31+s3] =	stream.linear.scatter [tilespmem:s22], [sflag:$0x3], $0x4000, $0x38;
	[tilespmem:$0x10200] =	vst v63  }
0x6e: {  	p2 =	seq.s32 s2, $0x2000;
	_ =	swait.ge [sflag:s19], $0x4000  }
0x6f: {  	s7 =	simm.s32 @!p2 $0x3;
	s6 =	sadd.s32 @!p2 s2, s15;
	[sflag:s19] =	ssyncset.done $0x0  }
0x70: {  	s8 =	simm.s32 @!p2 $0x0;
	s6 =	sadd.s32 @!p2 $0x400, s6;
	[sflag:s19] =	ssyncadd.s32 $0xFFFFC000  }
0x71: {  	[tilespmem:s8], [sflag:$0x3] =	stream.linear.gather @!p2 [hbm4b:s6+s8], $0x80, $0x38;
	[tilespmem:$0x10200] =	vst v63  }
0x72: {  	s6 =	sadd.s32 @!p2 s2, s16;
	s2 =	smov.u32 s5;
	_ =	swait.ge @!p2 [sflag:s7], $0x80  }
0x73: {  	s5 =	sadd.s32 @!p2 $0x400, s6;
	[sflag:s7] =	ssyncset.done @!p2 $0x0  }
0x74: {  	s6 =	simm.s32 @!p2 $0x80;
	[sflag:s7] =	ssyncadd.s32 @!p2 $0xFFFFFF80  }
0x75: {  	[tilespmem:s6], [sflag:$0x3] =	stream.linear.gather @!p2 [hbm4b:s5+s8], $0x80, $0x38;
	[tilespmem:$0x10200] =	vst v63  }
0x76: {  	_ =	swait.ge @!p2 [sflag:s7], $0x80  }
0x77: {  	[sflag:s7] =	ssyncset.done @!p2 $0x0  }
0x78: {  	s5 =	simm.s32 @!p2 $0x200;
	[sflag:s7] =	ssyncadd.s32 @!p2 $0xFFFFFF80  }
0x79: {  	[tilespmem:s5], [sflag:$0x1] =	stream.indirect.gather @!p2 [hbm4b:s1+s6], $0x80, s8, s6, $0xb8;
	[tilespmem:$0x10200] =	vst v63  }
0x7a: {  	s5 =	simm.s32 @!p2 $0x4200  }
0x7b: {  	[tilespmem:s5], [sflag:$0x1] =	stream.indirect.gather @!p2 [hbm4b:s1+s6], $0x80, s6, s6, $0xb8;
	[tilespmem:$0x10200] =	vst v63  }
0x7c: {  	_ =	swait.ge [sflag:s29], $0x4000  }
0x7d: {  	[sflag:s29] =	ssyncset.done $0x0  }
0x7e: {  	[sflag:s29] =	ssyncadd.s32 $0xFFFFC000  }
0x7f: {  	_ =	swait.ge [sflag:s29], $0x4000  }
0x80: {  	[sflag:s29] =	ssyncset.done $0x0  }
0x81: {  	s5 =	sadd.s32 $0x10000, s0;
	[sflag:s29] =	ssyncadd.s32 $0xFFFFC000  }
0x82: {  	[hbm4b:s5+s3] =	stream.linear.scatter [tilespmem:s25], [sflag:$0x3], $0x4000, $0x38;
	[tilespmem:$0x10200] =	vst v63  }
0x83: {  	_ =	swait.ge [sflag:s19], $0x4000  }
.Ltmp0:
0x84: {  	[sflag:s19] =	ssyncset.done $0x0;
	(pc) =	sbr.rel @p1 .LBB2_2-.Ltmp0, $4  }
0x85: {  	s5 =	sadd.s32 $0x10000, s31;
	[sflag:s19] =	ssyncadd.s32 $0xFFFFC000  }
0x86: {  	[hbm4b:s5+s3] =	stream.linear.scatter [tilespmem:s26], [sflag:$0x3], $0x4000, $0x38;
	[tilespmem:$0x10200] =	vst v63  }
0x87: {  	s31 =	sadd.s32 $0x20000, s31;
	_ =	swait.ge [sflag:s19], $0x4000  }
0x88: {  	s0 =	sadd.s32 $0x20000, s0;
	s5 =	sadd.s32 s2, s15;
	[sflag:s19] =	ssyncset.done $0x0  }
0x89: {  	s4 =	sadd.s32 $0x200, s5;
	[sflag:s19] =	ssyncadd.s32 $0xFFFFC000  }
0x8a: {  	[tilespmem:s23], [sflag:$0x3] =	stream.linear.gather [hbm4b:s4+s3], $0x80, $0x38;
	[tilespmem:$0x10200] =	vst v63  }
0x8b: {  	_ =	swait.ge [sflag:s19], $0x80  }
0x8c: {  	s8 =	sadd.s32 s2, s16;
	[sflag:s19] =	ssyncset.done $0x0  }
0x8d: {  	s4 =	sadd.s32 $0x200, s8;
	[sflag:s19] =	ssyncadd.s32 $0xFFFFFF80  }
0x8e: {  	[tilespmem:s24], [sflag:$0x3] =	stream.linear.gather [hbm4b:s4+s3], $0x80, $0x38;
	[tilespmem:$0x10200] =	vst v63  }
0x8f: {  	_ =	swait.ge [sflag:s19], $0x80  }
0x90: {  	[sflag:s19] =	ssyncset.done $0x0  }
0x91: {  	[sflag:s19] =	ssyncadd.s32 $0xFFFFFF80  }
0x92: {  	[tilespmem:s25], [sflag:$0x2] =	stream.indirect.gather [hbm4b:s1+s20], $0x80, s23, s20, $0xb8;
	[tilespmem:$0x10200] =	vst v63  }
0x93: {  	_ = 	snop  }
0x94: {  	[tilespmem:s26], [sflag:$0x2] =	stream.indirect.gather [hbm4b:s1+s20], $0x80, s24, s20, $0xb8;
	[tilespmem:$0x10200] =	vst v63  }
0x95: {  	_ =	swait.ge [sflag:s28], $0x4000  }
0x96: {  	[sflag:s28] =	ssyncset.done $0x0  }
0x97: {  	[sflag:s28] =	ssyncadd.s32 $0xFFFFC000  }
0x98: {  	_ =	swait.ge [sflag:s28], $0x4000  }
0x99: {  	[sflag:s28] =	ssyncset.done $0x0  }
0x9a: {  	[sflag:s28] =	ssyncadd.s32 $0xFFFFC000  }
0x9b: {  	[hbm4b:s0+s3] =	stream.linear.scatter [tilespmem:s21], [sflag:$0x3], $0x4000, $0x38;
	[tilespmem:$0x10200] =	vst v63  }
0x9c: {  	_ =	swait.ge [sflag:s19], $0x4000  }
0x9d: {  	[sflag:s19] =	ssyncset.done $0x0  }
0x9e: {  	[sflag:s19] =	ssyncadd.s32 $0xFFFFC000  }
0x9f: {  	[hbm4b:s31+s3] =	stream.linear.scatter [tilespmem:s22], [sflag:$0x3], $0x4000, $0x38;
	[tilespmem:$0x10200] =	vst v63  }
0xa0: {  	p1 =	seq.s32 s2, $0x2000;
	_ =	swait.ge [sflag:s19], $0x4000  }
0xa1: {  	s5 =	simm.s32 @!p1 $0x3;
	s4 =	sadd.s32 @!p1 s2, s15;
	[sflag:s19] =	ssyncset.done $0x0  }
0xa2: {  	s6 =	simm.s32 @!p1 $0x0;
	s4 =	sadd.s32 @!p1 $0x400, s4;
	[sflag:s19] =	ssyncadd.s32 $0xFFFFC000  }
0xa3: {  	[tilespmem:s6], [sflag:$0x3] =	stream.linear.gather @!p1 [hbm4b:s4+s6], $0x80, $0x38;
	[tilespmem:$0x10200] =	vst v63  }
0xa4: {  	_ =	swait.ge @!p1 [sflag:s5], $0x80  }
0xa5: {  	s2 =	sadd.s32 @!p1 s2, s16;
	[sflag:s5] =	ssyncset.done @!p1 $0x0  }
0xa6: {  	s2 =	sadd.s32 @!p1 $0x400, s2;
	s4 =	simm.s32 @!p1 $0x80;
	[sflag:s5] =	ssyncadd.s32 @!p1 $0xFFFFFF80  }
0xa7: {  	[tilespmem:s4], [sflag:$0x3] =	stream.linear.gather @!p1 [hbm4b:s2+s6], $0x80, $0x38;
	[tilespmem:$0x10200] =	vst v63  }
0xa8: {  	_ =	swait.ge @!p1 [sflag:s5], $0x80  }
0xa9: {  	[sflag:s5] =	ssyncset.done @!p1 $0x0  }
0xaa: {  	s2 =	simm.s32 @!p1 $0x200;
	[sflag:s5] =	ssyncadd.s32 @!p1 $0xFFFFFF80  }
0xab: {  	[tilespmem:s2], [sflag:$0x1] =	stream.indirect.gather @!p1 [hbm4b:s1+s4], $0x80, s6, s4, $0xb8;
	[tilespmem:$0x10200] =	vst v63  }
0xac: {  	s2 =	simm.s32 @!p1 $0x4200  }
0xad: {  	[tilespmem:s2], [sflag:$0x1] =	stream.indirect.gather @!p1 [hbm4b:s1+s4], $0x80, s4, s4, $0xb8;
	[tilespmem:$0x10200] =	vst v63  }
0xae: {  	_ =	swait.ge [sflag:s29], $0x4000  }
0xaf: {  	[sflag:s29] =	ssyncset.done $0x0  }
0xb0: {  	[sflag:s29] =	ssyncadd.s32 $0xFFFFC000  }
0xb1: {  	_ =	swait.ge [sflag:s29], $0x4000  }
0xb2: {  	[sflag:s29] =	ssyncset.done $0x0  }
0xb3: {  	s5 =	sadd.s32 $0x10000, s0;
	[sflag:s29] =	ssyncadd.s32 $0xFFFFC000  }
0xb4: {  	[hbm4b:s5+s3] =	stream.linear.scatter [tilespmem:s25], [sflag:$0x3], $0x4000, $0x38;
	[tilespmem:$0x10200] =	vst v63  }
0xb5: {  	_ =	swait.ge [sflag:s19], $0x4000  }
0xb6: {  	[sflag:s19] =	ssyncset.done $0x0  }
0xb7: {  	s6 =	sadd.s32 $0x10000, s31;
	[sflag:s19] =	ssyncadd.s32 $0xFFFFC000  }
0xb8: {  	[hbm4b:s6+s3] =	stream.linear.scatter [tilespmem:s26], [sflag:$0x3], $0x4000, $0x38;
	[tilespmem:$0x10200] =	vst v63  }
0xb9: {  	_ =	swait.ge [sflag:s19], $0x4000  }
0xba: {  	[sflag:s19] =	ssyncset.done $0x0  }
0xbb: {  	s7 =	rddreg [dreg:$0x5];
	[sflag:s19] =	ssyncadd.s32 $0xFFFFC000  }
0xbc: {  	[tilespmem:s3], [sflag:$0x3] =	stream.linear.gather [hbm4b:s7+s3], $0x80, $0x38;
	[tilespmem:$0x10200] =	vst v63  }
0xbd: {  	_ =	swait.ge [sflag:s19], $0x80  }
0xbe: {  	[sflag:s19] =	ssyncset.done $0x0  }
0xbf: {  	s8 =	rddreg [dreg:$0x6];
	[sflag:s19] =	ssyncadd.s32 $0xFFFFFF80  }
0xc0: {  	[tilespmem:s20], [sflag:$0x3] =	stream.linear.gather [hbm4b:s8+s3], $0x80, $0x38;
	[tilespmem:$0x10200] =	vst v63  }
0xc1: {  	_ =	swait.ge [sflag:s19], $0x80  }
0xc2: {  	[sflag:s19] =	ssyncset.done $0x0  }
0xc3: {  	[sflag:s19] =	ssyncadd.s32 $0xFFFFFF80  }
0xc4: {  	[tilespmem:s21], [sflag:$0x1] =	stream.indirect.gather [hbm4b:s1+s20], $0x80, s3, s20, $0xb8;
	[tilespmem:$0x10200] =	vst v63  }
0xc5: {  	_ = 	snop  }
0xc6: {  	[tilespmem:s22], [sflag:$0x1] =	stream.indirect.gather [hbm4b:s1+s20], $0x80, s20, s20, $0xb8;
	[tilespmem:$0x10200] =	vst v63  }
0xc7: {  	_ =	swait.ge [sflag:s28], $0x4000  }
0xc8: {  	[sflag:s28] =	ssyncset.done $0x0  }
0xc9: {  	[sflag:s28] =	ssyncadd.s32 $0xFFFFC000  }
0xca: {  	_ =	swait.ge [sflag:s28], $0x4000  }
0xcb: {  	[sflag:s28] =	ssyncset.done $0x0  }
0xcc: {  	s31 =	rddreg [dreg:$0x7];
	[sflag:s28] =	ssyncadd.s32 $0xFFFFC000  }
0xcd: {  	[hbm4b:s31+s3] =	stream.linear.scatter [tilespmem:s21], [sflag:$0x3], $0x4000, $0x38;
	[tilespmem:$0x10200] =	vst v63  }
0xce: {  	_ =	swait.ge [sflag:s19], $0x4000  }
0xcf: {  	[sflag:s19] =	ssyncset.done $0x0  }
0xd0: {  	[sflag:s19] =	ssyncadd.s32 $0xFFFFC000  }
0xd1: {  	[hbm4b:s9+s3] =	stream.linear.scatter [tilespmem:s22], [sflag:$0x3], $0x4000, $0x38;
	[tilespmem:$0x10200] =	vst v63  }
0xd2: {  	_ =	swait.ge [sflag:s19], $0x4000  }
0xd3: {  	[sflag:s19] =	ssyncset.done $0x0  }
0xd4: {  	s0 =	simm.s32 @!p0 $0x0;
	s2 =	simm.s32 @!p0 $0x3;
	[sflag:s19] =	ssyncadd.s32 $0xFFFFC000  }
0xd5: {  	[tilespmem:s0], [sflag:$0x3] =	stream.linear.gather @!p0 [hbm4b:s10+s0], $0x80, $0x38;
	[tilespmem:$0x10200] =	vst v63  }
0xd6: {  	_ =	swait.ge @!p0 [sflag:s2], $0x80  }
0xd7: {  	[sflag:s2] =	ssyncset.done @!p0 $0x0  }
0xd8: {  	s4 =	simm.s32 @!p0 $0x80;
	[sflag:s2] =	ssyncadd.s32 @!p0 $0xFFFFFF80  }
0xd9: {  	[tilespmem:s4], [sflag:$0x3] =	stream.linear.gather @!p0 [hbm4b:s11+s0], $0x80, $0x38;
	[tilespmem:$0x10200] =	vst v63  }
0xda: {  	_ =	swait.ge @!p0 [sflag:s2], $0x80  }
0xdb: {  	[sflag:s2] =	ssyncset.done @!p0 $0x0  }
0xdc: {  	s5 =	simm.s32 @!p0 $0x200;
	[sflag:s2] =	ssyncadd.s32 @!p0 $0xFFFFFF80  }
0xdd: {  	[tilespmem:s5], [sflag:$0x1] =	stream.indirect.gather @!p0 [hbm4b:s1+s4], $0x80, s0, s4, $0xb8;
	[tilespmem:$0x10200] =	vst v63  }
0xde: {  	s6 =	simm.s32 @!p0 $0x4200  }
0xdf: {  	[tilespmem:s6], [sflag:$0x1] =	stream.indirect.gather @!p0 [hbm4b:s1+s4], $0x80, s4, s4, $0xb8;
	[tilespmem:$0x10200] =	vst v63  }
0xe0: {  	s4 =	simm.s32 @!p0 $0x1  }
0xe1: {  	_ =	swait.ge @!p0 [sflag:s4], $0x4000  }
0xe2: {  	[sflag:s4] =	ssyncset.done @!p0 $0x0  }
0xe3: {  	[sflag:s4] =	ssyncadd.s32 @!p0 $0xFFFFC000  }
0xe4: {  	_ =	swait.ge @!p0 [sflag:s4], $0x4000  }
0xe5: {  	[sflag:s4] =	ssyncset.done @!p0 $0x0  }
0xe6: {  	[sflag:s4] =	ssyncadd.s32 @!p0 $0xFFFFC000  }
0xe7: {  	[hbm4b:s12+s0] =	stream.linear.scatter @!p0 [tilespmem:s5], [sflag:$0x3], $0x4000, $0x38;
	[tilespmem:$0x10200] =	vst v63  }
0xe8: {  	s30 =	sadd.s32 $0x1, s30;
	_ =	swait.ge @!p0 [sflag:s2], $0x4000  }
0xe9: {  	p1 =	sne.s32 s30, s14;
	[sflag:s2] =	ssyncset.done @!p0 $0x0  }
.Ltmp1:
0xea: {  	[sflag:s2] =	ssyncadd.s32 @!p0 $0xFFFFC000;
	(pc) =	sbr.rel @p1 .LBB2_1-.Ltmp1, $4  }
0xeb: {  	[hbm4b:s13+s0] =	stream.linear.scatter @!p0 [tilespmem:s6], [sflag:$0x3], $0x4000, $0x38;
	[tilespmem:$0x10200] =	vst v63  }
0xec: {  	_ =	swait.ge @!p0 [sflag:s2], $0x4000  }
0xed: {  	[sflag:s2] =	ssyncset.done @!p0 $0x0  }
0xee: {  	[sflag:s2] =	ssyncadd.s32 @!p0 $0xFFFFC000  }
0xef: {  	_ =	sfence.sel $0x180000  }
0xf0: {  	[bflag:$0x0] =	sbarrier.arrive $0xFFFF  }
0xf1: {  	_ =	strace $0x9000004D  }
0xf2: {  	s0 =	stileid.u32;
	[bflag:$0x2] =	sbarrier.arrive $0xFFFF  }
0xf3: {  	p0 =	sne.s32 s0, $0x0;
	s0 =	rddreg [dreg:$0x2]  }
0xf4: {  	s0 =	sadd.s32 @!p0 $0x100000, s0  }
0xf5: {  	[sflag:s0] =	ssyncadd.tile.s32 @!p0 $0x1;
	_ =	shalt  }
.Lfunc_end2:
_tile_overlayer_lowered:
.L_overlay_start_2:
0xf6: {  	(tag) =	ssettag $0x2  }
0xf7: {  	s0 =	rddreg [dreg:$0x0];
	s2 =	stileid.u32  }
0xf8: {  	s1 =	rddreg [dreg:$0x1];
	p0 =	sne.s32 s2, $0x0  }
0xf9: {  	s3 =	rddreg [dreg:$0x2];
	[bflag:$0x3] =	sbarrier.arrive $0xFFFF;
	s2 =	simm.s32 @!p0 $0x1C03  }
0xfa: {  	[timem:s3], [sflag:s2] =	dma.local @!p0 [hbm:s0], s1  }
0xfb: {  	s0 =	simm.s32 @!p0 $0x3  }
0xfc: {  	_ =	swait.ge @!p0 [sflag:s0], s1  }
0xfd: {  	s1 =	ssub.s32 @!p0 $0x0, s1;
	[sflag:s0] =	ssyncset.done @!p0 $0x0  }
0xfe: {  	[sflag:s0] =	ssyncadd.s32 @!p0 s1  }
0xff: {  	[bflag:$0x3] =	sbarrier.arrive $0xFFFF  }
0x100: {  	_ =	shalt  }

// kernel: kernel.19.cloned.1.call-start
scs
__scs_entry_jumppad:
0x0: {  	(pc) =	sbr.rel $0x88, $3  }
0x1: {  	(tag) =	ssettag $0x0;
	lr =	simm.s32 $0x1  }
0x2: {  	[smem:$0x3F99] =	sst lr;
	_ =	strace $0xD0000000  }
0x3: {  	_ = 	snop  }
0x4: {  	_ = 	snop  }
0x5: {  	_ = 	snop  }
0x6: {  	_ = 	snop  }
0x7: {  	_ = 	snop  }
__scs_overlays_trampoline_lowered:
0x8: {  	[smem:$0x3FA8] =	sst s0  }
0x9: {  	[smem:$0x3FA9] =	sst s1  }
0xa: {  	[smem:$0x3FAA] =	sst s2  }
0xb: {  	[smem:$0x3FAB] =	sst s3  }
0xc: {  	[smem:$0x3FAC] =	sst s4  }
0xd: {  	[smem:$0x3FAD] =	sst s5  }
0xe: {  	[smem:$0x3FAE] =	sst s6  }
0xf: {  	[smem:$0x3FAF] =	sst s7  }
0x10: {  	[smem:$0x3FB0] =	sst s8  }
0x11: {  	[smem:$0x3FB1] =	sst s9;
	s0 =	simm.s32 @!p0 $0x0  }
0x12: {  	s1 =	sld [smem:$0x3F97];
	s0 =	simm.s32 @p0 $0x1  }
0x13: {  	[smem:$0x3FB2] =	sst s0;
	s0 =	simm.s32 @!p1 $0x0  }
0x14: {  	s2 =	sld [smem:$0x3F96];
	s0 =	simm.s32 @p1 $0x1  }
0x15: {  	[smem:$0x3FB3] =	sst s0;
	s0 =	simm.s32 @!p2 $0x0  }
0x16: {  	s3 =	sld [smem:$0x3FDB];
	s0 =	simm.s32 @p2 $0x1  }
0x17: {  	s4 =	simm.s32 $0x1BF5;
	[smem:$0x3FB5] =	sst s0  }
0x18: {  	s0 =	sld [smem:$0x3F98];
	_ =	swait.ge [sflag:s4], $0x0  }
0x19: {  	s7 =	sld [smem:$0x3F99]  }
0x1a: {  	s8 =	sadd.s32 $0xFFFFE003, lr  }
0x1b: {  	s9 =	sadd.s32 $0xFFFFFEF7, lr;
	s5 =	simm.s32 $0xFFFFFFFF;
	p2 =	slt.u32 s8, $0xFFFFF086  }
0x1c: {  	p1 =	slt.u32 s9, $0xF7A;
	s5 =	simm.s32 @!p2 $0x0  }
0x1d: {  	s5 =	simm.s32 @p1 $0x1;
	p0 =	seq.s32 s7, s2  }
0x1e: {  	s7 =	smul.u32 @!p0 $0xF7A, s2;
	p2 =	seq.s32 @!p0 s5, $0x0  }
0x1f: {  	s9 =	smul.u32 $0xF7A, s1;
	s8 =	simm.s32 @!p0 $0x1BF5;
	p2 =	por !p2, p0  }
0x20: {  	[sflag:s8] =	ssyncset.s32 @!p0 $0xFFFFF086;
	s6 =	sadd.s32 @!p0 s3, s7;
	s7 =	simm.s32 @!p0 $0x108  }
0x21: {  	s3 =	sadd.s32 s3, s9;
	s6 =	sadd.s32 @!p0 $0x88, s6;
	s7 =	simm.s32 @p2 $0x1082  }
0x22: {  	[simem:s7], [sflag:s8] =	dma.local @!p0 [hbm:s6], $0xF7A  }
0x23: {  	s9 =	sor.u32 $0xD0000000, s2;
	s6 =	simm.s32 $0x108;
	_ =	swait.ge @!p0 [sflag:s8], $0x0  }
0x24: {  	s3 =	sadd.s32 $0x88, s3;
	s6 =	simm.s32 @!p1 $0x1082;
	[sflag:s4] =	ssyncset.s32 $0xFFFFF086  }
0x25: {  	[simem:s6], [sflag:s4] =	dma.local [hbm:s3], $0xF7A  }
0x26: {  	[smem:$0x3F99] =	sst s1;
	(tag) =	ssettag s2;
	_ =	strace s9  }
0x27: {  	s1 =	sld [smem:$0x3FA9]  }
0x28: {  	s2 =	sld [smem:$0x3FAA]  }
0x29: {  	s4 =	sld [smem:$0x3FAC]  }
0x2a: {  	p0 =	seq.s32 s5, $0x0;
	s5 =	sld [smem:$0x3FAD]  }
0x2b: {  	s6 =	sld [smem:$0x3FAE]  }
0x2c: {  	s7 =	sld [smem:$0x3FAF]  }
0x2d: {  	s3 =	simm.s32 $0x108;
	s8 =	sld [smem:$0x3FB0]  }
0x2e: {  	s3 =	simm.s32 @!p0 $0x1082;
	s9 =	sld [smem:$0x3FB1]  }
0x2f: {  	lr =	sadd.s32 s0, s3;
	s0 =	sld [smem:$0x3FA8]  }
0x30: {  	s3 =	sld [smem:$0x3FAB]  }
0x31: {  	[smem:$0x3FB4] =	sst s10  }
0x32: {  	s10 =	sld [smem:$0x3FB2];
	_ =	sdelay $0x3  }
0x33: {  	p0 =	seq.s32 s10, $0x1;
	s10 =	sld [smem:$0x3FB4];
	_ =	sdelay $0x3  }
0x34: {  	[smem:$0x3FB4] =	sst s10  }
0x35: {  	s10 =	sld [smem:$0x3FB3];
	_ =	sdelay $0x3  }
0x36: {  	p1 =	seq.s32 s10, $0x1;
	s10 =	sld [smem:$0x3FB4];
	_ =	sdelay $0x3  }
0x37: {  	[smem:$0x3FB4] =	sst s10  }
0x38: {  	s10 =	sld [smem:$0x3FB5]  }
0x39: {  	_ = 	snop;
	(pc) =	sbr.ind lr, $3  }
0x3a: {  	_ = 	snop  }
0x3b: {  	_ = 	snop  }
0x3c: {  	p2 =	seq.s32 s10, $0x1;
	s10 =	sld [smem:$0x3FB4]  }
0x3d: {  	_ =	shalt  }
0x3e: {  	_ =	shalt  }
0x3f: {  	_ =	shalt  }
0x40: {  	_ =	shalt  }
0x41: {  	_ =	shalt  }
0x42: {  	_ =	shalt  }
0x43: {  	_ =	shalt  }
0x44: {  	_ =	shalt  }
0x45: {  	_ =	shalt  }
0x46: {  	_ =	shalt  }
0x47: {  	_ =	shalt  }
0x48: {  	_ =	shalt  }
0x49: {  	_ =	shalt  }
0x4a: {  	_ =	shalt  }
0x4b: {  	_ =	shalt  }
0x4c: {  	_ =	shalt  }
0x4d: {  	_ =	shalt  }
0x4e: {  	_ =	shalt  }
0x4f: {  	_ =	shalt  }
0x50: {  	_ =	shalt  }
0x51: {  	_ =	shalt  }
0x52: {  	_ =	shalt  }
0x53: {  	_ =	shalt  }
0x54: {  	_ =	shalt  }
0x55: {  	_ =	shalt  }
0x56: {  	_ =	shalt  }
0x57: {  	_ =	shalt  }
0x58: {  	_ =	shalt  }
0x59: {  	_ =	shalt  }
0x5a: {  	_ =	shalt  }
0x5b: {  	_ =	shalt  }
0x5c: {  	_ =	shalt  }
0x5d: {  	_ =	shalt  }
0x5e: {  	_ =	shalt  }
0x5f: {  	_ =	shalt  }
0x60: {  	_ =	shalt  }
0x61: {  	_ =	shalt  }
0x62: {  	_ =	shalt  }
0x63: {  	_ =	shalt  }
0x64: {  	_ =	shalt  }
0x65: {  	_ =	shalt  }
0x66: {  	_ =	shalt  }
0x67: {  	_ =	shalt  }
0x68: {  	_ =	shalt  }
0x69: {  	_ =	shalt  }
0x6a: {  	_ =	shalt  }
0x6b: {  	_ =	shalt  }
0x6c: {  	_ =	shalt  }
0x6d: {  	_ =	shalt  }
0x6e: {  	_ =	shalt  }
0x6f: {  	_ =	shalt  }
0x70: {  	_ =	shalt  }
0x71: {  	_ =	shalt  }
0x72: {  	_ =	shalt  }
0x73: {  	_ =	shalt  }
0x74: {  	_ =	shalt  }
0x75: {  	_ =	shalt  }
0x76: {  	_ =	shalt  }
0x77: {  	_ =	shalt  }
0x78: {  	_ =	shalt  }
0x79: {  	_ =	shalt  }
0x7a: {  	_ =	shalt  }
0x7b: {  	_ =	shalt  }
0x7c: {  	_ =	shalt  }
0x7d: {  	_ =	shalt  }
0x7e: {  	_ =	shalt  }
0x7f: {  	_ =	shalt  }
0x80: {  	_ =	shalt  }
0x81: {  	_ =	shalt  }
0x82: {  	_ =	shalt  }
0x83: {  	_ =	shalt  }
0x84: {  	_ =	shalt  }
0x85: {  	_ =	shalt  }
0x86: {  	_ =	shalt  }
0x87: {  	_ =	shalt  }
.Lfunc_end0:
.L_simem_size_0:
called_computation.3_lowered:
.L_overlay_start_0:
0x88: {  	s2 =	sld [smem:$0x3FD9]  }
0x89: {  	s3 =	sld [smem:$0x3FFE];
	_ =	sdelay $0x1  }
0x8a: {  	s1 =	srdreg.scid  }
0x8b: {  	s0 =	sand.u32 $0x1, s1  }
0x8c: {  	s17 =	sshll.u32 s0, $0xA;
	s2 =	sadd.s32 s3, s2  }
0x8d: {  	s2 =	sadd.s32 s2, s17  }
0x8e: {  	[smem:$0x3FC0] =	sst s2  }
0x8f: {  	_ = 	snop  }
0x90: {  	s18 =	sld [smem:$0x3FC9];
	(tm) =	ssettm $0x1  }
0x91: {  	s19 =	sld [smem:$0x3FFB];
	_ =	sdelay $0x3  }
0x92: {  	_ =	strace s19  }
0x93: {  	s2 =	sld [smem:$0x3FFC];
	_ =	sdelay $0x3  }
0x94: {  	_ =	strace s2  }
0x95: {  	s2 =	sld [smem:$0x3FFD];
	_ =	sdelay $0x3  }
0x96: {  	_ =	strace s2  }
0x97: {  	_ =	strace $0x8FFFFFFF  }
0x98: {  	s20 =	sld [smem:$0x3FDB];
	_ =	sdelay $0x1  }
0x99: {  	s4 =	simm.s32 $_scs_section_size  }
0x9a: {  	s5 =	simm.s32 $_size__tile_overlayer_lowered;
	s6 =	simm.s32 $_tile_overlayer_lowered  }
0x9b: {  	s7 =	simm.s32 $0x1BFF;
	s21 =	sshll.u32 s6, $0x1;
	s4 =	sadd.s32 s4, s20  }
0x9c: {  	s22 =	simm.s32 $0x0;
	s5 =	sshll.u32 s5, $0x1;
	s6 =	sadd.s32 s21, s4  }
0x9d: {  	[timem:s22], [sflag:s7] =	dma.local [hbm:s6], s5  }
0x9e: {  	_ =	swait.ge [sflag:s7], s5  }
0x9f: {  	s5 =	ssub.s32 $0x0, s5;
	[sflag:s7] =	ssyncset.done $0x0  }
0xa0: {  	[sflag:s7] =	ssyncadd.s32 s5;
	_ =	sdelay $0x1  }
0xa1: {  	s23 =	simm.s32 $0x1B8B  }
0xa2: {  	_ =	swait.ge [sflag:s23], $0x1  }
0xa3: {  	[sflag:s23] =	ssyncset.done $0x0  }
0xa4: {  	[sflag:s23] =	ssyncadd.s32 $0xFFFFFFFF  }
0xa5: {  	s5 =	sld [smem:$0x0]  }
0xa6: {  	s6 =	sand.u32 $0xFFFFFFFE, s1  }
0xa7: {  	p0 =	sne.s32 s1, s6  }
0xa8: {  	s6 =	sshll.u32 @p0 s6, $0xE  }
0xa9: {  	s6 =	sadd.s32 @p0 $0x11B8D, s6;
	s7 =	sshll.u32 @p0 s5, $0x11  }
0xaa: {  	s6 =	sor.u32 @p0 s7, s6  }
0xab: {  	[sflag:s6] =	ssyncadd.remote.s32 @p0 $0x1;
	_ =	sdelay $0x1  }
0xac: {  	s6 =	simm.s32 @p0 $0x1B8D  }
0xad: {  	_ =	swait.eq @p0 [sflag:s6], $0x1  }
0xae: {  	[sflag:s6] =	ssyncadd.s32 @p0 $0xFFFFFFFF  }
0xaf: {  	s7 =	sshll.u32 @!p0 s1, $0xE  }
0xb0: {  	s7 =	sor.u32 @!p0 $0x4000, s7;
	s6 =	simm.s32 @!p0 $0x1B8D  }
0xb1: {  	s5 =	sshll.u32 @!p0 s5, $0x11;
	s7 =	sadd.s32 @!p0 $0x11B8D, s7;
	_ =	swait.eq @!p0 [sflag:s6], $0x1  }
0xb2: {  	s5 =	sor.u32 @!p0 s5, s7;
	[sflag:s6] =	ssyncadd.s32 @!p0 $0xFFFFFFFF  }
0xb3: {  	s25 =	simm.s32 $0x1B8E;
	s24 =	sld [smem:$0x3FFE];
	[sflag:s5] =	ssyncadd.remote.s32 @!p0 $0x1  }
0xb4: {  	s26 =	simm.s32 $execute0_lowered;
	[smem:$0x3FD2] =	sst s25  }
0xb5: {  	s6 =	sshll.u32 s26, $0x1;
	_ =	strace $0x80000049;
	[dreg:$0x1] =	wrdreg $0xFFFFFFFF  }
0xb6: {  	s28 =	simm.s32 $_size_execute0_lowered;
	s4 =	sadd.s32 s4, s6;
	[dreg:$0x0] =	wrdreg $0x0  }
0xb7: {  	s6 =	sshll.u32 s28, $0x1;
	[dreg:$0x2] =	wrdreg s4  }
0xb8: {  	[dreg:$0x3] =	wrdreg s6  }
0xb9: {  	[dreg:$0x4] =	wrdreg $0xC0  }
0xba: {  	_ =	task [dreg:s22], $0x5FFFF  }
0xbb: {  	[dreg:$0x1] =	wrdreg $0xFFFFFFFF  }
0xbc: {  	[dreg:$0x0] =	wrdreg $0x60  }
0xbd: {  	[dreg:$0x2] =	wrdreg s18  }
0xbe: {  	[dreg:$0x3] =	wrdreg s24  }
0xbf: {  	[dreg:$0x4] =	wrdreg $0xC  }
0xc0: {  	_ =	task.clear_ibuf [dreg:s22], $0x5FFFF;
	_ =	strace $0x90000049  }
0xc1: {  	s29 =	simm.s32 $0xC;
	_ =	strace $0x8000004B  }
0xc2: {  	_ =	swait.ge [sflag:s29], $0x1  }
0xc3: {  	[sflag:s29] =	ssyncadd.s32 $0xFFFFFFFF  }
0xc4: {  	_ =	strace $0x9000004B  }
0xc5: {  	_ =	sfence  }
0xc6: {  	s30 =	sld [smem:$0x0];
	_ =	sdelay $0x2  }
0xc7: {  	s31 =	sshll.u32 s1, $0xD;
	s1 =	sshrl.u32 s1, $0x2  }
0xc8: {  	s4 =	sand.u32 $0x4000, s31;
	s1 =	sadd.s32 s1, s30  }
0xc9: {  	s0 =	sor.u32 s4, s0;
	s1 =	sshll.u32 s1, $0x11  }
0xca: {  	s0 =	sor.u32 s1, s0  }
0xcb: {  	s0 =	sadd.s32 $0x8F2B, s0  }
0xcc: {  	[sflag:s0] =	ssyncadd.remote.s32 $0x1  }
0xcd: {  	_ =	sfence.sel $0xFFFF  }
0xce: {  	[dreg:$0x0] =	wrdreg $0xFFFFFFFF;
	(pc) =	sbr.abs _section_cstart, $3  }
0xcf: {  	[dreg:$0x1] =	wrdreg $0xFFFFFFFF  }
0xd0: {  	_ =	task.clear_ibuf [dreg:s22], $0x2FFFF;
	_ =	strace $0x9FFFFFFF  }
0xd1: {  	(tm) =	ssettm $0x7FFFFFFF  }
tec
execute0_lowered:
.L_overlay_start_1:
0x0: {  	(tag) =	ssettag $0x1  }
0x1: {  	s1 =	rddreg [dreg:$0x0]  }
0x2: {  	s0 =	rddreg [dreg:$0x1]  }
0x3: {  	s3 =	simm.s32 $0x0;
	s2 =	srdreg.scid;
	s20 =	stileid.u32  }
0x4: {  	s28 =	simm.s32 $0x1;
	s29 =	simm.s32 $0x2;
	s30 =	simm.s32 $0x0  }
0x5: {  	[smem:$0x7FF] =	sst s3;
	s2 =	sand.u32 $0x1, s2;
	s4 =	sshll.u32 s20, $0x1  }
0x6: {  	s5 =	sadd.s32 $0x5000, s0;
	s16 =	sadd.s32 $0x2800, s0;
	s17 =	sadd.s32 $0x282800, s0  }
0x7: {  	s0 =	sadd.s32 $0x3BB000, s0;
	s18 =	sshll.u32 s20, $0x5;
	s31 =	sshll.u32 s20, $0xC  }
0x8: {  	s20 =	simm.s32 $0x80;
	_ =	strace $0x8000004A;
	s4 =	sor.u32 s2, s4  }
0x9: {  	s6 =	ssub.s32 $0x2, s2;
	s19 =	sshll.u32 s2, $0x4;
	s26 =	sadd.s32 s18, s16  }
0xa: {  	s2 =	sshll.u32 s2, $0xB;
	s8 =	sshll.u32 s4, $0x7;
	s7 =	sshrl.u32 s6, $0x1  }
0xb: {  	s21 =	sshll.u32 s4, $0x4;
	p0 =	sgt.u32 s4, $0x10;
	s9 =	sor.u32 $0x12000, s8  }
0xc: {  	s14 =	ssub.s32 s6, s7;
	s10 =	sadd.s32 s5, s21;
	s6 =	sadd.s32 s16, s21  }
0xd: {  	s12 =	sor.u32 $0x13000, s8;
	s21 =	simm.s32 $0x200;
	[dreg:$0x3] =	wrdreg s10  }
0xe: {  	s22 =	sshrl.u32 s9, $0x3;
	[dreg:$0x4] =	wrdreg s6;
	s9 =	sshll.u32 s9, $0x4  }
0xf: {  	s11 =	sshrl.u32 s12, $0x3;
	s13 =	sshll.u32 s12, $0x4;
	s14 =	smax.u32 s14, $0x1  }
0x10: {  	s23 =	sadd.s32 s5, s22;
	s24 =	sadd.s32 s16, s22;
	s25 =	sadd.s32 s17, s9  }
0x11: {  	s9 =	sadd.s32 s0, s9;
	s10 =	sadd.s32 s5, s11;
	s11 =	sadd.s32 s16, s11  }
0x12: {  	s12 =	sadd.s32 s17, s13;
	s13 =	sadd.s32 s0, s13;
	s5 =	sadd.s32 s18, s5  }
0x13: {  	s17 =	sadd.s32 s31, s17;
	s0 =	sadd.s32 s31, s0;
	[dreg:$0x5] =	wrdreg s23  }
0x14: {  	s16 =	sadd.s32 s19, s26;
	s22 =	simm.s32 $0x4200;
	[dreg:$0x6] =	wrdreg s24  }
0x15: {  	s26 =	simm.s32 $0xC200;
	[dreg:$0x7] =	wrdreg s25;
	s15 =	sadd.s32 s19, s5  }
0x16: {  	s17 =	sadd.s32 s2, s17;
	s18 =	sadd.s32 s2, s0;
	s19 =	simm.s32 $0x3  }
0x17: {  	s23 =	simm.s32 $0x100;
	s24 =	simm.s32 $0x180;
	s25 =	simm.s32 $0x8200  }
.LBB2_1:
0x18: {  	s0 =	rddreg [dreg:$0x3]  }
0x19: {  	[tilespmem:s3], [sflag:$0x3] =	stream.linear.gather [hbm4b:s0+s3], $0x80, $0x38;
	[tilespmem:$0x10200] =	vst v63  }
0x1a: {  	_ =	swait.ge [sflag:s19], $0x80  }
0x1b: {  	[sflag:s19] =	ssyncset.done $0x0  }
0x1c: {  	s4 =	rddreg [dreg:$0x4];
	[sflag:s19] =	ssyncadd.s32 $0xFFFFFF80  }
0x1d: {  	[tilespmem:s20], [sflag:$0x3] =	stream.linear.gather [hbm4b:s4+s3], $0x80, $0x38;
	[tilespmem:$0x10200] =	vst v63  }
0x1e: {  	_ =	swait.ge [sflag:s19], $0x80  }
0x1f: {  	[sflag:s19] =	ssyncset.done $0x0  }
0x20: {  	[sflag:s19] =	ssyncadd.s32 $0xFFFFFF80  }
0x21: {  	[tilespmem:s21], [sflag:$0x1] =	stream.indirect.gather [hbm4b:s1+s20], $0x80, s3, s20, $0xb8;
	[tilespmem:$0x10200] =	vst v63  }
0x22: {  	s5 =	sadd.s32 $0x0, s15  }
0x23: {  	[tilespmem:s22], [sflag:$0x1] =	stream.indirect.gather [hbm4b:s1+s20], $0x80, s20, s20, $0xb8;
	[tilespmem:$0x10200] =	vst v63  }
0x24: {  	s0 =	sadd.s32 $0x200, s5  }
0x25: {  	[tilespmem:s23], [sflag:$0x3] =	stream.linear.gather [hbm4b:s0+s3], $0x80, $0x38;
	[tilespmem:$0x10200] =	vst v63  }
0x26: {  	_ =	swait.ge [sflag:s19], $0x80  }
0x27: {  	s6 =	sadd.s32 $0x0, s16;
	[sflag:s19] =	ssyncset.done $0x0  }
0x28: {  	s0 =	sadd.s32 $0x200, s6;
	[sflag:s19] =	ssyncadd.s32 $0xFFFFFF80  }
0x29: {  	[tilespmem:s24], [sflag:$0x3] =	stream.linear.gather [hbm4b:s0+s3], $0x80, $0x38;
	[tilespmem:$0x10200] =	vst v63  }
0x2a: {  	_ =	swait.ge [sflag:s19], $0x80  }
0x2b: {  	[sflag:s19] =	ssyncset.done $0x0  }
0x2c: {  	[sflag:s19] =	ssyncadd.s32 $0xFFFFFF80  }
0x2d: {  	[tilespmem:s25], [sflag:$0x2] =	stream.indirect.gather [hbm4b:s1+s20], $0x80, s23, s20, $0xb8;
	[tilespmem:$0x10200] =	vst v63  }
0x2e: {  	_ = 	snop  }
0x2f: {  	[tilespmem:s26], [sflag:$0x2] =	stream.indirect.gather [hbm4b:s1+s20], $0x80, s24, s20, $0xb8;
	[tilespmem:$0x10200] =	vst v63  }
0x30: {  	_ =	swait.ge [sflag:s28], $0x4000  }
0x31: {  	[sflag:s28] =	ssyncset.done $0x0  }
0x32: {  	[sflag:s28] =	ssyncadd.s32 $0xFFFFC000  }
0x33: {  	_ =	swait.ge [sflag:s28], $0x4000  }
0x34: {  	[sflag:s28] =	ssyncset.done $0x0  }
0x35: {  	[sflag:s28] =	ssyncadd.s32 $0xFFFFC000  }
0x36: {  	[hbm4b:s17+s3] =	stream.linear.scatter [tilespmem:s21], [sflag:$0x3], $0x4000, $0x38;
	[tilespmem:$0x10200] =	vst v63  }
0x37: {  	_ =	swait.ge [sflag:s19], $0x4000  }
0x38: {  	[sflag:s19] =	ssyncset.done $0x0  }
0x39: {  	[sflag:s19] =	ssyncadd.s32 $0xFFFFC000  }
0x3a: {  	[hbm4b:s18+s3] =	stream.linear.scatter [tilespmem:s22], [sflag:$0x3], $0x4000, $0x38;
	[tilespmem:$0x10200] =	vst v63  }
0x3b: {  	p1 =	por $0x0, $0x0;
	_ =	swait.ge [sflag:s19], $0x4000  }
0x3c: {  	s2 =	simm.s32 @!p1 $0x3;
	s0 =	sadd.s32 @!p1 $0x0, s15;
	[sflag:s19] =	ssyncset.done $0x0  }
0x3d: {  	s4 =	simm.s32 @!p1 $0x0;
	s0 =	sadd.s32 @!p1 $0x400, s0;
	[sflag:s19] =	ssyncadd.s32 $0xFFFFC000  }
0x3e: {  	[tilespmem:s4], [sflag:$0x3] =	stream.linear.gather @!p1 [hbm4b:s0+s4], $0x80, $0x38;
	[tilespmem:$0x10200] =	vst v63  }
0x3f: {  	_ =	swait.ge @!p1 [sflag:s2], $0x80  }
0x40: {  	s0 =	sadd.s32 @!p1 $0x0, s16;
	[sflag:s2] =	ssyncset.done @!p1 $0x0  }
0x41: {  	s5 =	simm.s32 @!p1 $0x80;
	s0 =	sadd.s32 @!p1 $0x400, s0;
	[sflag:s2] =	ssyncadd.s32 @!p1 $0xFFFFFF80  }
0x42: {  	[tilespmem:s5], [sflag:$0x3] =	stream.linear.gather @!p1 [hbm4b:s0+s4], $0x80, $0x38;
	[tilespmem:$0x10200] =	vst v63  }
0x43: {  	_ =	swait.ge @!p1 [sflag:s2], $0x80  }
0x44: {  	[sflag:s2] =	ssyncset.done @!p1 $0x0  }
0x45: {  	s0 =	simm.s32 @!p1 $0x200;
	[sflag:s2] =	ssyncadd.s32 @!p1 $0xFFFFFF80  }
0x46: {  	[tilespmem:s0], [sflag:$0x1] =	stream.indirect.gather @!p1 [hbm4b:s1+s5], $0x80, s4, s5, $0xb8;
	[tilespmem:$0x10200] =	vst v63  }
0x47: {  	s0 =	simm.s32 @!p1 $0x4200  }
0x48: {  	[tilespmem:s0], [sflag:$0x1] =	stream.indirect.gather @!p1 [hbm4b:s1+s5], $0x80, s5, s5, $0xb8;
	[tilespmem:$0x10200] =	vst v63  }
0x49: {  	_ =	swait.ge [sflag:s29], $0x4000  }
0x4a: {  	[sflag:s29] =	ssyncset.done $0x0  }
0x4b: {  	[sflag:s29] =	ssyncadd.s32 $0xFFFFC000  }
0x4c: {  	_ =	swait.ge [sflag:s29], $0x4000  }
0x4d: {  	[sflag:s29] =	ssyncset.done $0x0  }
0x4e: {  	s7 =	sadd.s32 $0x10000, s17;
	[sflag:s29] =	ssyncadd.s32 $0xFFFFC000  }
0x4f: {  	[hbm4b:s7+s3] =	stream.linear.scatter [tilespmem:s25], [sflag:$0x3], $0x4000, $0x38;
	[tilespmem:$0x10200] =	vst v63  }
0x50: {  	_ =	swait.ge [sflag:s19], $0x4000  }
0x51: {  	[sflag:s19] =	ssyncset.done $0x0  }
0x52: {  	s8 =	sadd.s32 $0x10000, s18;
	s31 =	sadd.s32 $0x20000, s18;
	[sflag:s19] =	ssyncadd.s32 $0xFFFFC000  }
0x53: {  	[hbm4b:s8+s3] =	stream.linear.scatter [tilespmem:s26], [sflag:$0x3], $0x4000, $0x38;
	[tilespmem:$0x10200] =	vst v63  }
0x54: {  	s2 =	simm.s32 $0x400;
	s4 =	simm.s32 $0x800;
	_ =	swait.ge [sflag:s19], $0x4000  }
0x55: {  	s5 =	sadd.s32 $0x400, s15;
	s0 =	sadd.s32 $0x20000, s17;
	[sflag:s19] =	ssyncset.done $0x0  }
.LBB2_2:
0x56: {  	s6 =	sadd.s32 $0x200, s5  }
0x57: {  	[sflag:s19] =	ssyncadd.s32 $0xFFFFC000;
	s5 =	smov.u32 s4;
	s4 =	sadd.s32 $0x400, s4  }
0x58: {  	[tilespmem:s23], [sflag:$0x3] =	stream.linear.gather [hbm4b:s6+s3], $0x80, $0x38;
	[tilespmem:$0x10200] =	vst v63  }
0x59: {  	p1 =	sne.s32 s4, $0x2400;
	_ =	swait.ge [sflag:s19], $0x80  }
0x5a: {  	s6 =	sadd.s32 s2, s16;
	[sflag:s19] =	ssyncset.done $0x0  }
0x5b: {  	s6 =	sadd.s32 $0x200, s6;
	[sflag:s19] =	ssyncadd.s32 $0xFFFFFF80  }
0x5c: {  	[tilespmem:s24], [sflag:$0x3] =	stream.linear.gather [hbm4b:s6+s3], $0x80, $0x38;
	[tilespmem:$0x10200] =	vst v63  }
0x5d: {  	_ =	swait.ge [sflag:s19], $0x80  }
0x5e: {  	[sflag:s19] =	ssyncset.done $0x0  }
0x5f: {  	[sflag:s19] =	ssyncadd.s32 $0xFFFFFF80  }
0x60: {  	[tilespmem:s25], [sflag:$0x2] =	stream.indirect.gather [hbm4b:s1+s20], $0x80, s23, s20, $0xb8;
	[tilespmem:$0x10200] =	vst v63  }
0x61: {  	_ = 	snop  }
0x62: {  	[tilespmem:s26], [sflag:$0x2] =	stream.indirect.gather [hbm4b:s1+s20], $0x80, s24, s20, $0xb8;
	[tilespmem:$0x10200] =	vst v63  }
0x63: {  	_ =	swait.ge [sflag:s28], $0x4000  }
0x64: {  	[sflag:s28] =	ssyncset.done $0x0  }
0x65: {  	[sflag:s28] =	ssyncadd.s32 $0xFFFFC000  }
0x66: {  	_ =	swait.ge [sflag:s28], $0x4000  }
0x67: {  	[sflag:s28] =	ssyncset.done $0x0  }
0x68: {  	[sflag:s28] =	ssyncadd.s32 $0xFFFFC000  }
0x69: {  	[hbm4b:s0+s3] =	stream.linear.scatter [tilespmem:s21], [sflag:$0x3], $0x4000, $0x38;
	[tilespmem:$0x10200] =	vst v63  }
0x6a: {  	_ =	swait.ge [sflag:s19], $0x4000  }
0x6b: {  	[sflag:s19] =	ssyncset.done $0x0  }
0x6c: {  	[sflag:s19] =	ssyncadd.s32 $0xFFFFC000  }
0x6d: {  	[hbm4b:s31+s3] =	stream.linear.scatter [tilespmem:s22], [sflag:$0x3], $0x4000, $0x38;
	[tilespmem:$0x10200] =	vst v63  }
0x6e: {  	p2 =	seq.s32 s2, $0x2000;
	_ =	swait.ge [sflag:s19], $0x4000  }
0x6f: {  	s7 =	simm.s32 @!p2 $0x3;
	s6 =	sadd.s32 @!p2 s2, s15;
	[sflag:s19] =	ssyncset.done $0x0  }
0x70: {  	s8 =	simm.s32 @!p2 $0x0;
	s6 =	sadd.s32 @!p2 $0x400, s6;
	[sflag:s19] =	ssyncadd.s32 $0xFFFFC000  }
0x71: {  	[tilespmem:s8], [sflag:$0x3] =	stream.linear.gather @!p2 [hbm4b:s6+s8], $0x80, $0x38;
	[tilespmem:$0x10200] =	vst v63  }
0x72: {  	s6 =	sadd.s32 @!p2 s2, s16;
	s2 =	smov.u32 s5;
	_ =	swait.ge @!p2 [sflag:s7], $0x80  }
0x73: {  	s5 =	sadd.s32 @!p2 $0x400, s6;
	[sflag:s7] =	ssyncset.done @!p2 $0x0  }
0x74: {  	s6 =	simm.s32 @!p2 $0x80;
	[sflag:s7] =	ssyncadd.s32 @!p2 $0xFFFFFF80  }
0x75: {  	[tilespmem:s6], [sflag:$0x3] =	stream.linear.gather @!p2 [hbm4b:s5+s8], $0x80, $0x38;
	[tilespmem:$0x10200] =	vst v63  }
0x76: {  	_ =	swait.ge @!p2 [sflag:s7], $0x80  }
0x77: {  	[sflag:s7] =	ssyncset.done @!p2 $0x0  }
0x78: {  	s5 =	simm.s32 @!p2 $0x200;
	[sflag:s7] =	ssyncadd.s32 @!p2 $0xFFFFFF80  }
0x79: {  	[tilespmem:s5], [sflag:$0x1] =	stream.indirect.gather @!p2 [hbm4b:s1+s6], $0x80, s8, s6, $0xb8;
	[tilespmem:$0x10200] =	vst v63  }
0x7a: {  	s5 =	simm.s32 @!p2 $0x4200  }
0x7b: {  	[tilespmem:s5], [sflag:$0x1] =	stream.indirect.gather @!p2 [hbm4b:s1+s6], $0x80, s6, s6, $0xb8;
	[tilespmem:$0x10200] =	vst v63  }
0x7c: {  	_ =	swait.ge [sflag:s29], $0x4000  }
0x7d: {  	[sflag:s29] =	ssyncset.done $0x0  }
0x7e: {  	[sflag:s29] =	ssyncadd.s32 $0xFFFFC000  }
0x7f: {  	_ =	swait.ge [sflag:s29], $0x4000  }
0x80: {  	[sflag:s29] =	ssyncset.done $0x0  }
0x81: {  	s5 =	sadd.s32 $0x10000, s0;
	[sflag:s29] =	ssyncadd.s32 $0xFFFFC000  }
0x82: {  	[hbm4b:s5+s3] =	stream.linear.scatter [tilespmem:s25], [sflag:$0x3], $0x4000, $0x38;
	[tilespmem:$0x10200] =	vst v63  }
0x83: {  	_ =	swait.ge [sflag:s19], $0x4000  }
.Ltmp0:
0x84: {  	[sflag:s19] =	ssyncset.done $0x0;
	(pc) =	sbr.rel @p1 .LBB2_2-.Ltmp0, $4  }
0x85: {  	s5 =	sadd.s32 $0x10000, s31;
	[sflag:s19] =	ssyncadd.s32 $0xFFFFC000  }
0x86: {  	[hbm4b:s5+s3] =	stream.linear.scatter [tilespmem:s26], [sflag:$0x3], $0x4000, $0x38;
	[tilespmem:$0x10200] =	vst v63  }
0x87: {  	s31 =	sadd.s32 $0x20000, s31;
	_ =	swait.ge [sflag:s19], $0x4000  }
0x88: {  	s0 =	sadd.s32 $0x20000, s0;
	s5 =	sadd.s32 s2, s15;
	[sflag:s19] =	ssyncset.done $0x0  }
0x89: {  	s4 =	sadd.s32 $0x200, s5;
	[sflag:s19] =	ssyncadd.s32 $0xFFFFC000  }
0x8a: {  	[tilespmem:s23], [sflag:$0x3] =	stream.linear.gather [hbm4b:s4+s3], $0x80, $0x38;
	[tilespmem:$0x10200] =	vst v63  }
0x8b: {  	_ =	swait.ge [sflag:s19], $0x80  }
0x8c: {  	s8 =	sadd.s32 s2, s16;
	[sflag:s19] =	ssyncset.done $0x0  }
0x8d: {  	s4 =	sadd.s32 $0x200, s8;
	[sflag:s19] =	ssyncadd.s32 $0xFFFFFF80  }
0x8e: {  	[tilespmem:s24], [sflag:$0x3] =	stream.linear.gather [hbm4b:s4+s3], $0x80, $0x38;
	[tilespmem:$0x10200] =	vst v63  }
0x8f: {  	_ =	swait.ge [sflag:s19], $0x80  }
0x90: {  	[sflag:s19] =	ssyncset.done $0x0  }
0x91: {  	[sflag:s19] =	ssyncadd.s32 $0xFFFFFF80  }
0x92: {  	[tilespmem:s25], [sflag:$0x2] =	stream.indirect.gather [hbm4b:s1+s20], $0x80, s23, s20, $0xb8;
	[tilespmem:$0x10200] =	vst v63  }
0x93: {  	_ = 	snop  }
0x94: {  	[tilespmem:s26], [sflag:$0x2] =	stream.indirect.gather [hbm4b:s1+s20], $0x80, s24, s20, $0xb8;
	[tilespmem:$0x10200] =	vst v63  }
0x95: {  	_ =	swait.ge [sflag:s28], $0x4000  }
0x96: {  	[sflag:s28] =	ssyncset.done $0x0  }
0x97: {  	[sflag:s28] =	ssyncadd.s32 $0xFFFFC000  }
0x98: {  	_ =	swait.ge [sflag:s28], $0x4000  }
0x99: {  	[sflag:s28] =	ssyncset.done $0x0  }
0x9a: {  	[sflag:s28] =	ssyncadd.s32 $0xFFFFC000  }
0x9b: {  	[hbm4b:s0+s3] =	stream.linear.scatter [tilespmem:s21], [sflag:$0x3], $0x4000, $0x38;
	[tilespmem:$0x10200] =	vst v63  }
0x9c: {  	_ =	swait.ge [sflag:s19], $0x4000  }
0x9d: {  	[sflag:s19] =	ssyncset.done $0x0  }
0x9e: {  	[sflag:s19] =	ssyncadd.s32 $0xFFFFC000  }
0x9f: {  	[hbm4b:s31+s3] =	stream.linear.scatter [tilespmem:s22], [sflag:$0x3], $0x4000, $0x38;
	[tilespmem:$0x10200] =	vst v63  }
0xa0: {  	p1 =	seq.s32 s2, $0x2000;
	_ =	swait.ge [sflag:s19], $0x4000  }
0xa1: {  	s5 =	simm.s32 @!p1 $0x3;
	s4 =	sadd.s32 @!p1 s2, s15;
	[sflag:s19] =	ssyncset.done $0x0  }
0xa2: {  	s6 =	simm.s32 @!p1 $0x0;
	s4 =	sadd.s32 @!p1 $0x400, s4;
	[sflag:s19] =	ssyncadd.s32 $0xFFFFC000  }
0xa3: {  	[tilespmem:s6], [sflag:$0x3] =	stream.linear.gather @!p1 [hbm4b:s4+s6], $0x80, $0x38;
	[tilespmem:$0x10200] =	vst v63  }
0xa4: {  	_ =	swait.ge @!p1 [sflag:s5], $0x80  }
0xa5: {  	s2 =	sadd.s32 @!p1 s2, s16;
	[sflag:s5] =	ssyncset.done @!p1 $0x0  }
0xa6: {  	s2 =	sadd.s32 @!p1 $0x400, s2;
	s4 =	simm.s32 @!p1 $0x80;
	[sflag:s5] =	ssyncadd.s32 @!p1 $0xFFFFFF80  }
0xa7: {  	[tilespmem:s4], [sflag:$0x3] =	stream.linear.gather @!p1 [hbm4b:s2+s6], $0x80, $0x38;
	[tilespmem:$0x10200] =	vst v63  }
0xa8: {  	_ =	swait.ge @!p1 [sflag:s5], $0x80  }
0xa9: {  	[sflag:s5] =	ssyncset.done @!p1 $0x0  }
0xaa: {  	s2 =	simm.s32 @!p1 $0x200;
	[sflag:s5] =	ssyncadd.s32 @!p1 $0xFFFFFF80  }
0xab: {  	[tilespmem:s2], [sflag:$0x1] =	stream.indirect.gather @!p1 [hbm4b:s1+s4], $0x80, s6, s4, $0xb8;
	[tilespmem:$0x10200] =	vst v63  }
0xac: {  	s2 =	simm.s32 @!p1 $0x4200  }
0xad: {  	[tilespmem:s2], [sflag:$0x1] =	stream.indirect.gather @!p1 [hbm4b:s1+s4], $0x80, s4, s4, $0xb8;
	[tilespmem:$0x10200] =	vst v63  }
0xae: {  	_ =	swait.ge [sflag:s29], $0x4000  }
0xaf: {  	[sflag:s29] =	ssyncset.done $0x0  }
0xb0: {  	[sflag:s29] =	ssyncadd.s32 $0xFFFFC000  }
0xb1: {  	_ =	swait.ge [sflag:s29], $0x4000  }
0xb2: {  	[sflag:s29] =	ssyncset.done $0x0  }
0xb3: {  	s5 =	sadd.s32 $0x10000, s0;
	[sflag:s29] =	ssyncadd.s32 $0xFFFFC000  }
0xb4: {  	[hbm4b:s5+s3] =	stream.linear.scatter [tilespmem:s25], [sflag:$0x3], $0x4000, $0x38;
	[tilespmem:$0x10200] =	vst v63  }
0xb5: {  	_ =	swait.ge [sflag:s19], $0x4000  }
0xb6: {  	[sflag:s19] =	ssyncset.done $0x0  }
0xb7: {  	s6 =	sadd.s32 $0x10000, s31;
	[sflag:s19] =	ssyncadd.s32 $0xFFFFC000  }
0xb8: {  	[hbm4b:s6+s3] =	stream.linear.scatter [tilespmem:s26], [sflag:$0x3], $0x4000, $0x38;
	[tilespmem:$0x10200] =	vst v63  }
0xb9: {  	_ =	swait.ge [sflag:s19], $0x4000  }
0xba: {  	[sflag:s19] =	ssyncset.done $0x0  }
0xbb: {  	s7 =	rddreg [dreg:$0x5];
	[sflag:s19] =	ssyncadd.s32 $0xFFFFC000  }
0xbc: {  	[tilespmem:s3], [sflag:$0x3] =	stream.linear.gather [hbm4b:s7+s3], $0x80, $0x38;
	[tilespmem:$0x10200] =	vst v63  }
0xbd: {  	_ =	swait.ge [sflag:s19], $0x80  }
0xbe: {  	[sflag:s19] =	ssyncset.done $0x0  }
0xbf: {  	s8 =	rddreg [dreg:$0x6];
	[sflag:s19] =	ssyncadd.s32 $0xFFFFFF80  }
0xc0: {  	[tilespmem:s20], [sflag:$0x3] =	stream.linear.gather [hbm4b:s8+s3], $0x80, $0x38;
	[tilespmem:$0x10200] =	vst v63  }
0xc1: {  	_ =	swait.ge [sflag:s19], $0x80  }
0xc2: {  	[sflag:s19] =	ssyncset.done $0x0  }
0xc3: {  	[sflag:s19] =	ssyncadd.s32 $0xFFFFFF80  }
0xc4: {  	[tilespmem:s21], [sflag:$0x1] =	stream.indirect.gather [hbm4b:s1+s20], $0x80, s3, s20, $0xb8;
	[tilespmem:$0x10200] =	vst v63  }
0xc5: {  	_ = 	snop  }
0xc6: {  	[tilespmem:s22], [sflag:$0x1] =	stream.indirect.gather [hbm4b:s1+s20], $0x80, s20, s20, $0xb8;
	[tilespmem:$0x10200] =	vst v63  }
0xc7: {  	_ =	swait.ge [sflag:s28], $0x4000  }
0xc8: {  	[sflag:s28] =	ssyncset.done $0x0  }
0xc9: {  	[sflag:s28] =	ssyncadd.s32 $0xFFFFC000  }
0xca: {  	_ =	swait.ge [sflag:s28], $0x4000  }
0xcb: {  	[sflag:s28] =	ssyncset.done $0x0  }
0xcc: {  	s31 =	rddreg [dreg:$0x7];
	[sflag:s28] =	ssyncadd.s32 $0xFFFFC000  }
0xcd: {  	[hbm4b:s31+s3] =	stream.linear.scatter [tilespmem:s21], [sflag:$0x3], $0x4000, $0x38;
	[tilespmem:$0x10200] =	vst v63  }
0xce: {  	_ =	swait.ge [sflag:s19], $0x4000  }
0xcf: {  	[sflag:s19] =	ssyncset.done $0x0  }
0xd0: {  	[sflag:s19] =	ssyncadd.s32 $0xFFFFC000  }
0xd1: {  	[hbm4b:s9+s3] =	stream.linear.scatter [tilespmem:s22], [sflag:$0x3], $0x4000, $0x38;
	[tilespmem:$0x10200] =	vst v63  }
0xd2: {  	_ =	swait.ge [sflag:s19], $0x4000  }
0xd3: {  	[sflag:s19] =	ssyncset.done $0x0  }
0xd4: {  	s0 =	simm.s32 @!p0 $0x0;
	s2 =	simm.s32 @!p0 $0x3;
	[sflag:s19] =	ssyncadd.s32 $0xFFFFC000  }
0xd5: {  	[tilespmem:s0], [sflag:$0x3] =	stream.linear.gather @!p0 [hbm4b:s10+s0], $0x80, $0x38;
	[tilespmem:$0x10200] =	vst v63  }
0xd6: {  	_ =	swait.ge @!p0 [sflag:s2], $0x80  }
0xd7: {  	[sflag:s2] =	ssyncset.done @!p0 $0x0  }
0xd8: {  	s4 =	simm.s32 @!p0 $0x80;
	[sflag:s2] =	ssyncadd.s32 @!p0 $0xFFFFFF80  }
0xd9: {  	[tilespmem:s4], [sflag:$0x3] =	stream.linear.gather @!p0 [hbm4b:s11+s0], $0x80, $0x38;
	[tilespmem:$0x10200] =	vst v63  }
0xda: {  	_ =	swait.ge @!p0 [sflag:s2], $0x80  }
0xdb: {  	[sflag:s2] =	ssyncset.done @!p0 $0x0  }
0xdc: {  	s5 =	simm.s32 @!p0 $0x200;
	[sflag:s2] =	ssyncadd.s32 @!p0 $0xFFFFFF80  }
0xdd: {  	[tilespmem:s5], [sflag:$0x1] =	stream.indirect.gather @!p0 [hbm4b:s1+s4], $0x80, s0, s4, $0xb8;
	[tilespmem:$0x10200] =	vst v63  }
0xde: {  	s6 =	simm.s32 @!p0 $0x4200  }
0xdf: {  	[tilespmem:s6], [sflag:$0x1] =	stream.indirect.gather @!p0 [hbm4b:s1+s4], $0x80, s4, s4, $0xb8;
	[tilespmem:$0x10200] =	vst v63  }
0xe0: {  	s4 =	simm.s32 @!p0 $0x1  }
0xe1: {  	_ =	swait.ge @!p0 [sflag:s4], $0x4000  }
0xe2: {  	[sflag:s4] =	ssyncset.done @!p0 $0x0  }
0xe3: {  	[sflag:s4] =	ssyncadd.s32 @!p0 $0xFFFFC000  }
0xe4: {  	_ =	swait.ge @!p0 [sflag:s4], $0x4000  }
0xe5: {  	[sflag:s4] =	ssyncset.done @!p0 $0x0  }
0xe6: {  	[sflag:s4] =	ssyncadd.s32 @!p0 $0xFFFFC000  }
0xe7: {  	[hbm4b:s12+s0] =	stream.linear.scatter @!p0 [tilespmem:s5], [sflag:$0x3], $0x4000, $0x38;
	[tilespmem:$0x10200] =	vst v63  }
0xe8: {  	s30 =	sadd.s32 $0x1, s30;
	_ =	swait.ge @!p0 [sflag:s2], $0x4000  }
0xe9: {  	p1 =	sne.s32 s30, s14;
	[sflag:s2] =	ssyncset.done @!p0 $0x0  }
.Ltmp1:
0xea: {  	[sflag:s2] =	ssyncadd.s32 @!p0 $0xFFFFC000;
	(pc) =	sbr.rel @p1 .LBB2_1-.Ltmp1, $4  }
0xeb: {  	[hbm4b:s13+s0] =	stream.linear.scatter @!p0 [tilespmem:s6], [sflag:$0x3], $0x4000, $0x38;
	[tilespmem:$0x10200] =	vst v63  }
0xec: {  	_ =	swait.ge @!p0 [sflag:s2], $0x4000  }
0xed: {  	[sflag:s2] =	ssyncset.done @!p0 $0x0  }
0xee: {  	[sflag:s2] =	ssyncadd.s32 @!p0 $0xFFFFC000  }
0xef: {  	_ =	sfence.sel $0x180000  }
0xf0: {  	[bflag:$0x0] =	sbarrier.arrive $0xFFFF  }
0xf1: {  	_ =	strace $0x9000004A  }
0xf2: {  	s0 =	stileid.u32;
	[bflag:$0x2] =	sbarrier.arrive $0xFFFF  }
0xf3: {  	p0 =	sne.s32 s0, $0x0;
	s0 =	rddreg [dreg:$0x2]  }
0xf4: {  	s0 =	sadd.s32 @!p0 $0x100000, s0  }
0xf5: {  	[sflag:s0] =	ssyncadd.tile.s32 @!p0 $0x1;
	_ =	shalt  }
.Lfunc_end2:
_tile_overlayer_lowered:
.L_overlay_start_2:
0xf6: {  	(tag) =	ssettag $0x2  }
0xf7: {  	s0 =	rddreg [dreg:$0x0];
	s2 =	stileid.u32  }
0xf8: {  	s1 =	rddreg [dreg:$0x1];
	p0 =	sne.s32 s2, $0x0  }
0xf9: {  	s3 =	rddreg [dreg:$0x2];
	[bflag:$0x3] =	sbarrier.arrive $0xFFFF;
	s2 =	simm.s32 @!p0 $0x1C03  }
0xfa: {  	[timem:s3], [sflag:s2] =	dma.local @!p0 [hbm:s0], s1  }
0xfb: {  	s0 =	simm.s32 @!p0 $0x3  }
0xfc: {  	_ =	swait.ge @!p0 [sflag:s0], s1  }
0xfd: {  	s1 =	ssub.s32 @!p0 $0x0, s1;
	[sflag:s0] =	ssyncset.done @!p0 $0x0  }
0xfe: {  	[sflag:s0] =	ssyncadd.s32 @!p0 s1  }
0xff: {  	[bflag:$0x3] =	sbarrier.arrive $0xFFFF  }
0x100: {  	_ =	shalt  }

</sc_bundles>
